<compile_context>
chip_gen: v7x
topology: tpu7x:2x2x1
jax: 0.10.2.dev20260603
libtpu: 0.0.44.dev20260713+nightly
codegen_flags: <defaults>
</compile_context>

<pallas_src>
import functools

import jax
import jax.numpy as jnp
from jax import lax
from jax.experimental import pallas as pl
from jax.experimental.pallas import tpu as pltpu
from jax.experimental.pallas import tpu_sc as plsc

_NC = 2
_NS = 16
_C = 128




def _build_sc_segsum(half, nloc, ept, h, with_deg):
    n_chunks = ept // _C
    assert n_chunks % 2 == 0
    n_pairs = n_chunks // 2
    rptl = nloc // _NS
    assert half % 128 == 0
    nacc = half + 128
    mesh = plsc.VectorSubcoreMesh(core_axis_name="c", subcore_axis_name="s")

    out_type = [jax.ShapeDtypeStruct((_NC * half, h), jnp.float32)]
    scratch = [
        pltpu.VMEM((2, _C), jnp.int32),
        pltpu.VMEM((_C,), jnp.int32),
        pltpu.VMEM((_C, h), jnp.float32),
        pltpu.SemaphoreType.DMA,
        pltpu.VMEM((2, _C), jnp.int32),
        pltpu.VMEM((_C,), jnp.int32),
        pltpu.VMEM((_C, h), jnp.float32),
        pltpu.SemaphoreType.DMA,
        pltpu.VMEM((32, h), jnp.float32),
        pltpu.VMEM_SHARED((nacc, h), jnp.float32),
    ]
    if with_deg:
        out_type.append(jax.ShapeDtypeStruct((_NC, _NS, nloc), jnp.float32))
        scratch += [
            pltpu.VMEM((nloc,), jnp.float32),
        ]

    @functools.partial(pl.kernel,
                       out_type=tuple(out_type) if with_deg else out_type[0],
                       mesh=mesh, scratch_types=tuple(scratch),
                       compiler_params=pltpu.CompilerParams(
                           needs_layout_passes=False))
    def sc_kernel(y_hbm, edges_hbm, zrow_hbm, zcol_hbm, *rest):
        if with_deg:
            (agg_out, deg_out, ei0, dl0, rw0, se0, ei1, dl1, rw1, se1,
             zstage, acc_sh, ldeg) = rest
        else:
            (agg_out, ei0, dl0, rw0, se0, ei1, dl1, rw1, se1,
             zstage, acc_sh) = rest
        slot0 = (ei0, dl0, rw0, se0)
        slot1 = (ei1, dl1, rw1, se1)
        cid = lax.axis_index("c")
        sid = lax.axis_index("s")
        lo = cid * half

        r0 = sid * rptl
        pltpu.sync_copy(zrow_hbm, zstage)
        for kk in range(-(-(nacc // 32) // _NS)):
            sl = sid + kk * _NS

            @pl.when(sl < nacc // 32)
            def _():
                pltpu.sync_copy(zstage, acc_sh.at[pl.ds(sl * 32, 32)])
        if with_deg:
            pltpu.sync_copy(zcol_hbm, ldeg)
        plsc.subcore_barrier()

        e0 = sid * ept
        lane = lax.iota(jnp.int32, 16)

        def load_fire(slot, base):
            ei, dl, rw, se = slot
            pltpu.sync_copy(edges_hbm.at[:, pl.ds(base, _C)], ei)
            pltpu.async_copy(y_hbm.at[ei.at[0]], rw, se)

        def remap(slot):
            ei, dl, rw, se = slot
            ones = jnp.ones((16,), jnp.float32)
            for j in range(_C // 16):
                d16 = ei[1, pl.ds(j * 16, 16)] - lo
                ok = (d16 >= 0) & (d16 < half)
                d16 = jnp.where(ok, d16, half + j * 16 + lane)
                dl[pl.ds(j * 16, 16)] = d16
                if with_deg:
                    plsc.addupdate_scatter(ldeg, [d16], ones)

        def drain_scatter(slot):
            ei, dl, rw, se = slot
            pltpu.make_async_copy(y_hbm.at[ei.at[0]], rw, se).wait()
            pltpu.sync_copy(rw, acc_sh.at[dl], add=True)

        load_fire(slot0, e0)

        def body(p, carry):
            b = e0 + 2 * p * _C
            load_fire(slot1, b + _C)
            remap(slot0)
            drain_scatter(slot0)
            load_fire(slot0, b + 2 * _C)
            remap(slot1)
            drain_scatter(slot1)
            return carry

        lax.fori_loop(0, n_pairs, body, 0)
        ei0, dl0, rw0, se0 = slot0
        pltpu.make_async_copy(y_hbm.at[ei0.at[0]], rw0, se0).wait()

        if with_deg:
            pltpu.sync_copy(ldeg, deg_out.at[cid, sid])

        plsc.subcore_barrier()

        for kk in range(-(-(half // 128) // _NS)):
            sl = sid + kk * _NS

            @pl.when(sl < half // 128)
            def _():
                pltpu.sync_copy(acc_sh.at[pl.ds(sl * 128, 128)],
                                agg_out.at[pl.ds(lo + sl * 128, 128)])

    return sc_kernel




def _dot_t(a, w):
    return lax.dot_general(a, w, (((1,), (1,)), ((), ())),
                           preferred_element_type=jnp.float32)


def _lin_pair_body(x_ref, wl_ref, wr_ref, b_ref, yl_ref, yr_ref):
    x = x_ref[...]
    yl_ref[...] = _dot_t(x, wl_ref[...])
    yr_ref[...] = _dot_t(x, wr_ref[...]) + b_ref[...][None, :]


def _tc_lin_pair(x, wl, wr, b, bn):
    n, d = x.shape
    h = wl.shape[0]
    grid = pl.cdiv(n, bn)
    return pl.pallas_call(
        _lin_pair_body,
        grid=(grid,),
        in_specs=[
            pl.BlockSpec((bn, d), lambda i: (i, 0)),
            pl.BlockSpec((h, d), lambda i: (0, 0)),
            pl.BlockSpec((h, d), lambda i: (0, 0)),
            pl.BlockSpec((h,), lambda i: (0,)),
        ],
        out_specs=[
            pl.BlockSpec((bn, h), lambda i: (i, 0)),
            pl.BlockSpec((bn, h), lambda i: (i, 0)),
        ],
        out_shape=[
            jax.ShapeDtypeStruct((n, h), jnp.float32),
            jax.ShapeDtypeStruct((n, h), jnp.float32),
        ],
    )(x, wl, wr, b)


def _mid_body(agg_ref, deg_ref, r1_ref, wl_ref, wr_ref, b_ref,
              y2_ref, r2_ref, rdeg_ref):
    deg = jnp.sum(deg_ref[0], axis=0)
    rdeg = 1.0 / jnp.maximum(deg, 1.0)
    h = jnp.maximum(agg_ref[...] * rdeg[:, None] + r1_ref[...], 0.0)
    y2_ref[...] = _dot_t(h, wl_ref[...])
    r2_ref[...] = _dot_t(h, wr_ref[...]) + b_ref[...][None, :]
    rdeg_ref[...] = rdeg


def _tc_mid(agg, deg, r1, wl, wr, b, bn):
    n, h = r1.shape
    o = wl.shape[0]
    half = deg.shape[2]
    assert half % bn == 0
    nbh = half // bn
    grid = pl.cdiv(n, bn)
    return pl.pallas_call(
        _mid_body,
        grid=(grid,),
        in_specs=[
            pl.BlockSpec((bn, h), lambda i: (i, 0)),
            pl.BlockSpec((1, _NS, bn), lambda i: (i // nbh, 0, i % nbh)),
            pl.BlockSpec((bn, h), lambda i: (i, 0)),
            pl.BlockSpec((o, h), lambda i: (0, 0)),
            pl.BlockSpec((o, h), lambda i: (0, 0)),
            pl.BlockSpec((o,), lambda i: (0,)),
        ],
        out_specs=[
            pl.BlockSpec((bn, o), lambda i: (i, 0)),
            pl.BlockSpec((bn, o), lambda i: (i, 0)),
            pl.BlockSpec((bn,), lambda i: (i,)),
        ],
        out_shape=[
            jax.ShapeDtypeStruct((n, o), jnp.float32),
            jax.ShapeDtypeStruct((n, o), jnp.float32),
            jax.ShapeDtypeStruct((n,), jnp.float32),
        ],
    )(agg, deg, r1, wl, wr, b)


def _final_body(agg_ref, rdeg_ref, r2_ref, out_ref):
    out_ref[...] = agg_ref[...] * rdeg_ref[...][:, None] + r2_ref[...]


def _tc_final(agg, rdeg, r2, bn):
    n, o = r2.shape
    grid = pl.cdiv(n, bn)
    return pl.pallas_call(
        _final_body,
        grid=(grid,),
        in_specs=[
            pl.BlockSpec((bn, o), lambda i: (i, 0)),
            pl.BlockSpec((bn,), lambda i: (i,)),
            pl.BlockSpec((bn, o), lambda i: (i, 0)),
        ],
        out_specs=pl.BlockSpec((bn, o), lambda i: (i, 0)),
        out_shape=jax.ShapeDtypeStruct((n, o), jnp.float32),
    )(agg, rdeg, r2)




def kernel(x, edge_index, W1l, b1, W1r, W2l, b2, W2r):
    n, d = x.shape
    h = W1l.shape[0]

    e = edge_index.shape[1]
    ept = -(-e // (_NS * 2 * _C)) * 2 * _C
    e_pad = ept * _NS + _C
    pad = e_pad - e
    edges = jnp.concatenate(
        [edge_index,
         jnp.stack([jnp.zeros((pad,), jnp.int32),
                    jnp.full((pad,), n, jnp.int32)])], axis=1)

    half = -(-n // (2 * 128)) * 128
    nloc = -(-(half + 1) // 2048) * 2048

    sc1 = _build_sc_segsum(half, nloc, ept, h, with_deg=True)
    sc2 = _build_sc_segsum(half, nloc, ept, h, with_deg=False)
    zrow = jnp.zeros((32, h), jnp.float32)
    zcol = jnp.zeros((nloc,), jnp.float32)

    bn = 512

    y1, r1 = _tc_lin_pair(x, W1l, W1r, b1, bn)
    agg1, dgp = sc1(y1, edges, zrow, zcol)
    agg1 = agg1[:n]
    y2, r2, rdeg = _tc_mid(agg1, dgp[:, :, :half], r1, W2l, W2r, b2, bn)
    agg2 = sc2(y2, edges, zrow, zcol)
    agg2 = agg2[:n]
    return _tc_final(agg2, rdeg, r2, bn)

# --- scband reference (transcript-rebuilt; emitter-appended) ---
"""Pipeline reference for scband-interaction-gnn-3934190043555 (READ-ONLY COPY).

The authoritative reference and input builder live on the scoring server;
editing this copy changes nothing except your own understanding.
"""

import jax, jax.numpy as jnp
import numpy as np

N = 10000
E = 320000
D = 128
H = 128
O = 128


def setup_inputs(seed: int = 0) -> dict:
    key = jax.random.key(seed)
    ks = jax.random.split(key, 8)
    x = jax.random.normal(ks[0], (N, D), dtype=jnp.float32)
    edge_index = jax.random.randint(ks[1], (2, E), 0, N, dtype=jnp.int32)
    # SAGEConv params: lin_l (neighbor aggregation path, with bias), lin_r (root path, no bias)
    W1l = jax.random.normal(ks[2], (H, D), dtype=jnp.float32) * 0.05
    b1 = jnp.zeros((H,), dtype=jnp.float32)
    W1r = jax.random.normal(ks[3], (H, D), dtype=jnp.float32) * 0.05
    W2l = jax.random.normal(ks[4], (O, H), dtype=jnp.float32) * 0.05
    b2 = jnp.zeros((O,), dtype=jnp.float32)
    W2r = jax.random.normal(ks[5], (O, H), dtype=jnp.float32) * 0.05
    return {"x": x, "edge_index": edge_index, "W1l": W1l, "b1": b1, "W1r": W1r,
            "W2l": W2l, "b2": b2, "W2r": W2r}


def _sage_conv(x, edge_index, Wl, b, Wr, num_nodes):
    # PyG SAGEConv with mean aggregation:
    #   out = lin_l(mean_{j in N(i)} x_j) + lin_r(x_i)
    src = edge_index[0]
    dst = edge_index[1]
    msgs = jnp.take(x, src, axis=0)                      # gather (SparseCore-friendly)
    agg = jax.ops.segment_sum(msgs, dst, num_segments=num_nodes)  # scatter-add
    cnt = jax.ops.segment_sum(jnp.ones((edge_index.shape[1],), dtype=x.dtype), dst,
                              num_segments=num_nodes)
    mean = agg / jnp.clip(cnt, 1.0, None)[:, None]
    return mean @ Wl.T + b + x @ Wr.T


def reference(x, edge_index, W1l, b1, W1r, W2l, b2, W2r):
    h = _sage_conv(x, edge_index, W1l, b1, W1r, N)
    h = jax.nn.relu(h)
    # Dropout(p=0.2) is identity in eval mode
    out = _sage_conv(h, edge_index, W2l, b2, W2r, N)
    return out

if __name__ == "__main__":
    import jax
    _d = setup_inputs()
    print(jax.jit(kernel)(*tuple(_d.values())))

</pallas_src>

<mosaic_0001>
#map = affine_map<(d0, d1) -> (0, 0)>
#map1 = affine_map<(d0, d1) -> (0)>
#map2 = affine_map<(d0, d1) -> (0, 0, 0)>
module attributes {stable_mosaic.version = 14 : i64} {
  func.func @sc_kernel(%arg0: i32, %arg1: i32, %arg2: memref<10000x128xf32, #tpu.memory_space<hbm>>, %arg3: memref<2x323712xi32, #tpu.memory_space<hbm>>, %arg4: memref<32x128xf32, #tpu.memory_space<hbm>>, %arg5: memref<6144xf32, #tpu.memory_space<hbm>>, %arg6: memref<10240x128xf32, #tpu.memory_space<hbm>>, %arg7: memref<2x16x6144xf32, #tpu.memory_space<hbm>>, %arg8: memref<2x128xi32, #tpu.memory_space<vmem>>, %arg9: memref<128xi32, #tpu.memory_space<vmem>>, %arg10: memref<128x128xf32, #tpu.memory_space<vmem>>, %arg11: memref<!tpu.dma_semaphore, #tpu.memory_space<semaphore_mem>>, %arg12: memref<2x128xi32, #tpu.memory_space<vmem>>, %arg13: memref<128xi32, #tpu.memory_space<vmem>>, %arg14: memref<128x128xf32, #tpu.memory_space<vmem>>, %arg15: memref<!tpu.dma_semaphore, #tpu.memory_space<semaphore_mem>>, %arg16: memref<32x128xf32, #tpu.memory_space<vmem>>, %arg17: memref<5248x128xf32, #tpu.memory_space<vmem_shared>>, %arg18: memref<6144xf32, #tpu.memory_space<vmem>>) attributes {dimension_semantics = [#tpu.dimension_semantics<core_parallel>, #tpu.dimension_semantics<subcore_parallel>], iteration_bounds = array<i64: 2, 16>, scalar_prefetch = 0 : i64, scratch_operands = 11 : i64, tpu.core_type = #tpu.core_type<sc_vector_subcore>, window_params = [{transform_indices = #map}, {transform_indices = #map}, {transform_indices = #map}, {transform_indices = #map1}, {transform_indices = #map}, {transform_indices = #map2}]} {
    %mul3A = arith.constant 5120 : i32
    %mul3A_0 = arith.muli %arg0, %mul3A : i32
    %mul3A_1 = arith.constant 384 : i32
    %mul3A_2 = arith.muli %arg1, %mul3A_1 : i32
    "tpu.region"() ({
      %run_scoped3A = tpu.sem_alloc : memref<!tpu.dma_semaphore, #tpu.memory_space<semaphore_mem>>
      tpu.enqueue_dma source(%arg4 : memref<32x128xf32, #tpu.memory_space<hbm>>) target(%arg16 : memref<32x128xf32, #tpu.memory_space<vmem>>) target_semaphore(%run_scoped3A : memref<!tpu.dma_semaphore, #tpu.memory_space<semaphore_mem>>)
      tpu.wait_dma2 semaphore(%run_scoped3A : memref<!tpu.dma_semaphore, #tpu.memory_space<semaphore_mem>>) src(%arg4 : memref<32x128xf32, #tpu.memory_space<hbm>>) dst(%arg16 : memref<32x128xf32, #tpu.memory_space<vmem>>)
      tpu.yield
    }) : () -> ()
    %add3A = arith.constant 0 : i32
    %add3A_3 = arith.addi %arg1, %add3A : i32
    %lt3A = arith.constant 164 : i32
    %lt3A_4 = arith.cmpi slt, %add3A_3, %lt3A : i32
    %convert_element_type3A = arith.extui %lt3A_4 : i1 to i32
    %cond3A = arith.constant 0 : i32
    %cond3A_5 = arith.cmpi ne, %convert_element_type3A, %cond3A : i32
    scf.if %cond3A_5 {
      %mul3A_117 = arith.constant 32 : i32
      %mul3A_118 = arith.muli %add3A_3, %mul3A_117 : i32
      "tpu.region"() ({
        %run_scoped3A = tpu.sem_alloc : memref<!tpu.dma_semaphore, #tpu.memory_space<semaphore_mem>>
        %dma_start3A_119 = arith.constant 0 : i32
        %dma_start3A_120 = tpu.memref_slice %arg17[%mul3A_118, %dma_start3A_119] : memref<5248x128xf32, #tpu.memory_space<vmem_shared>> -> memref<32x128xf32, #tpu.memory_space<vmem_shared>>
        %dma_start3A_121 = arith.constant 0 : i32
        %dma_start3A_122 = tpu.memref_slice %arg17[%mul3A_118, %dma_start3A_121] : memref<5248x128xf32, #tpu.memory_space<vmem_shared>> -> memref<32x128xf32, #tpu.memory_space<vmem_shared>>
        tpu.enqueue_dma source(%arg16 : memref<32x128xf32, #tpu.memory_space<vmem>>) target(%dma_start3A_122 : memref<32x128xf32, #tpu.memory_space<vmem_shared>>) target_semaphore(%run_scoped3A : memref<!tpu.dma_semaphore, #tpu.memory_space<semaphore_mem>>)
        %dma_wait3A_123 = arith.constant 0 : i32
        %dma_wait3A_124 = tpu.memref_slice %arg17[%mul3A_118, %dma_wait3A_123] : memref<5248x128xf32, #tpu.memory_space<vmem_shared>> -> memref<32x128xf32, #tpu.memory_space<vmem_shared>>
        %dma_wait3A_125 = arith.constant 0 : i32
        %dma_wait3A_126 = tpu.memref_slice %arg17[%mul3A_118, %dma_wait3A_125] : memref<5248x128xf32, #tpu.memory_space<vmem_shared>> -> memref<32x128xf32, #tpu.memory_space<vmem_shared>>
        tpu.wait_dma2 semaphore(%run_scoped3A : memref<!tpu.dma_semaphore, #tpu.memory_space<semaphore_mem>>) src(%arg16 : memref<32x128xf32, #tpu.memory_space<vmem>>) dst(%dma_wait3A_126 : memref<32x128xf32, #tpu.memory_space<vmem_shared>>)
        tpu.yield
      }) : () -> ()
    } else {
    }
    %add3A_6 = arith.constant 16 : i32
    %add3A_7 = arith.addi %arg1, %add3A_6 : i32
    %lt3A_8 = arith.constant 164 : i32
    %lt3A_9 = arith.cmpi slt, %add3A_7, %lt3A_8 : i32
    %convert_element_type3A_10 = arith.extui %lt3A_9 : i1 to i32
    %cond3A_11 = arith.constant 0 : i32
    %cond3A_12 = arith.cmpi ne, %convert_element_type3A_10, %cond3A_11 : i32
    scf.if %cond3A_12 {
      %mul3A_117 = arith.constant 32 : i32
      %mul3A_118 = arith.muli %add3A_7, %mul3A_117 : i32
      "tpu.region"() ({
        %run_scoped3A = tpu.sem_alloc : memref<!tpu.dma_semaphore, #tpu.memory_space<semaphore_mem>>
        %dma_start3A_119 = arith.constant 0 : i32
        %dma_start3A_120 = tpu.memref_slice %arg17[%mul3A_118, %dma_start3A_119] : memref<5248x128xf32, #tpu.memory_space<vmem_shared>> -> memref<32x128xf32, #tpu.memory_space<vmem_shared>>
        %dma_start3A_121 = arith.constant 0 : i32
        %dma_start3A_122 = tpu.memref_slice %arg17[%mul3A_118, %dma_start3A_121] : memref<5248x128xf32, #tpu.memory_space<vmem_shared>> -> memref<32x128xf32, #tpu.memory_space<vmem_shared>>
        tpu.enqueue_dma source(%arg16 : memref<32x128xf32, #tpu.memory_space<vmem>>) target(%dma_start3A_122 : memref<32x128xf32, #tpu.memory_space<vmem_shared>>) target_semaphore(%run_scoped3A : memref<!tpu.dma_semaphore, #tpu.memory_space<semaphore_mem>>)
        %dma_wait3A_123 = arith.constant 0 : i32
        %dma_wait3A_124 = tpu.memref_slice %arg17[%mul3A_118, %dma_wait3A_123] : memref<5248x128xf32, #tpu.memory_space<vmem_shared>> -> memref<32x128xf32, #tpu.memory_space<vmem_shared>>
        %dma_wait3A_125 = arith.constant 0 : i32
        %dma_wait3A_126 = tpu.memref_slice %arg17[%mul3A_118, %dma_wait3A_125] : memref<5248x128xf32, #tpu.memory_space<vmem_shared>> -> memref<32x128xf32, #tpu.memory_space<vmem_shared>>
        tpu.wait_dma2 semaphore(%run_scoped3A : memref<!tpu.dma_semaphore, #tpu.memory_space<semaphore_mem>>) src(%arg16 : memref<32x128xf32, #tpu.memory_space<vmem>>) dst(%dma_wait3A_126 : memref<32x128xf32, #tpu.memory_space<vmem_shared>>)
        tpu.yield
      }) : () -> ()
    } else {
    }
    %add3A_13 = arith.constant 32 : i32
    %add3A_14 = arith.addi %arg1, %add3A_13 : i32
    %lt3A_15 = arith.constant 164 : i32
    %lt3A_16 = arith.cmpi slt, %add3A_14, %lt3A_15 : i32
    %convert_element_type3A_17 = arith.extui %lt3A_16 : i1 to i32
    %cond3A_18 = arith.constant 0 : i32
    %cond3A_19 = arith.cmpi ne, %convert_element_type3A_17, %cond3A_18 : i32
    scf.if %cond3A_19 {
      %mul3A_117 = arith.constant 32 : i32
      %mul3A_118 = arith.muli %add3A_14, %mul3A_117 : i32
      "tpu.region"() ({
        %run_scoped3A = tpu.sem_alloc : memref<!tpu.dma_semaphore, #tpu.memory_space<semaphore_mem>>
        %dma_start3A_119 = arith.constant 0 : i32
        %dma_start3A_120 = tpu.memref_slice %arg17[%mul3A_118, %dma_start3A_119] : memref<5248x128xf32, #tpu.memory_space<vmem_shared>> -> memref<32x128xf32, #tpu.memory_space<vmem_shared>>
        %dma_start3A_121 = arith.constant 0 : i32
        %dma_start3A_122 = tpu.memref_slice %arg17[%mul3A_118, %dma_start3A_121] : memref<5248x128xf32, #tpu.memory_space<vmem_shared>> -> memref<32x128xf32, #tpu.memory_space<vmem_shared>>
        tpu.enqueue_dma source(%arg16 : memref<32x128xf32, #tpu.memory_space<vmem>>) target(%dma_start3A_122 : memref<32x128xf32, #tpu.memory_space<vmem_shared>>) target_semaphore(%run_scoped3A : memref<!tpu.dma_semaphore, #tpu.memory_space<semaphore_mem>>)
        %dma_wait3A_123 = arith.constant 0 : i32
        %dma_wait3A_124 = tpu.memref_slice %arg17[%mul3A_118, %dma_wait3A_123] : memref<5248x128xf32, #tpu.memory_space<vmem_shared>> -> memref<32x128xf32, #tpu.memory_space<vmem_shared>>
        %dma_wait3A_125 = arith.constant 0 : i32
        %dma_wait3A_126 = tpu.memref_slice %arg17[%mul3A_118, %dma_wait3A_125] : memref<5248x128xf32, #tpu.memory_space<vmem_shared>> -> memref<32x128xf32, #tpu.memory_space<vmem_shared>>
        tpu.wait_dma2 semaphore(%run_scoped3A : memref<!tpu.dma_semaphore, #tpu.memory_space<semaphore_mem>>) src(%arg16 : memref<32x128xf32, #tpu.memory_space<vmem>>) dst(%dma_wait3A_126 : memref<32x128xf32, #tpu.memory_space<vmem_shared>>)
        tpu.yield
      }) : () -> ()
    } else {
    }
    %add3A_20 = arith.constant 48 : i32
    %add3A_21 = arith.addi %arg1, %add3A_20 : i32
    %lt3A_22 = arith.constant 164 : i32
    %lt3A_23 = arith.cmpi slt, %add3A_21, %lt3A_22 : i32
    %convert_element_type3A_24 = arith.extui %lt3A_23 : i1 to i32
    %cond3A_25 = arith.constant 0 : i32
    %cond3A_26 = arith.cmpi ne, %convert_element_type3A_24, %cond3A_25 : i32
    scf.if %cond3A_26 {
      %mul3A_117 = arith.constant 32 : i32
      %mul3A_118 = arith.muli %add3A_21, %mul3A_117 : i32
      "tpu.region"() ({
        %run_scoped3A = tpu.sem_alloc : memref<!tpu.dma_semaphore, #tpu.memory_space<semaphore_mem>>
        %dma_start3A_119 = arith.constant 0 : i32
        %dma_start3A_120 = tpu.memref_slice %arg17[%mul3A_118, %dma_start3A_119] : memref<5248x128xf32, #tpu.memory_space<vmem_shared>> -> memref<32x128xf32, #tpu.memory_space<vmem_shared>>
        %dma_start3A_121 = arith.constant 0 : i32
        %dma_start3A_122 = tpu.memref_slice %arg17[%mul3A_118, %dma_start3A_121] : memref<5248x128xf32, #tpu.memory_space<vmem_shared>> -> memref<32x128xf32, #tpu.memory_space<vmem_shared>>
        tpu.enqueue_dma source(%arg16 : memref<32x128xf32, #tpu.memory_space<vmem>>) target(%dma_start3A_122 : memref<32x128xf32, #tpu.memory_space<vmem_shared>>) target_semaphore(%run_scoped3A : memref<!tpu.dma_semaphore, #tpu.memory_space<semaphore_mem>>)
        %dma_wait3A_123 = arith.constant 0 : i32
        %dma_wait3A_124 = tpu.memref_slice %arg17[%mul3A_118, %dma_wait3A_123] : memref<5248x128xf32, #tpu.memory_space<vmem_shared>> -> memref<32x128xf32, #tpu.memory_space<vmem_shared>>
        %dma_wait3A_125 = arith.constant 0 : i32
        %dma_wait3A_126 = tpu.memref_slice %arg17[%mul3A_118, %dma_wait3A_125] : memref<5248x128xf32, #tpu.memory_space<vmem_shared>> -> memref<32x128xf32, #tpu.memory_space<vmem_shared>>
        tpu.wait_dma2 semaphore(%run_scoped3A : memref<!tpu.dma_semaphore, #tpu.memory_space<semaphore_mem>>) src(%arg16 : memref<32x128xf32, #tpu.memory_space<vmem>>) dst(%dma_wait3A_126 : memref<32x128xf32, #tpu.memory_space<vmem_shared>>)
        tpu.yield
      }) : () -> ()
    } else {
    }
    %add3A_27 = arith.constant 64 : i32
    %add3A_28 = arith.addi %arg1, %add3A_27 : i32
    %lt3A_29 = arith.constant 164 : i32
    %lt3A_30 = arith.cmpi slt, %add3A_28, %lt3A_29 : i32
    %convert_element_type3A_31 = arith.extui %lt3A_30 : i1 to i32
    %cond3A_32 = arith.constant 0 : i32
    %cond3A_33 = arith.cmpi ne, %convert_element_type3A_31, %cond3A_32 : i32
    scf.if %cond3A_33 {
      %mul3A_117 = arith.constant 32 : i32
      %mul3A_118 = arith.muli %add3A_28, %mul3A_117 : i32
      "tpu.region"() ({
        %run_scoped3A = tpu.sem_alloc : memref<!tpu.dma_semaphore, #tpu.memory_space<semaphore_mem>>
        %dma_start3A_119 = arith.constant 0 : i32
        %dma_start3A_120 = tpu.memref_slice %arg17[%mul3A_118, %dma_start3A_119] : memref<5248x128xf32, #tpu.memory_space<vmem_shared>> -> memref<32x128xf32, #tpu.memory_space<vmem_shared>>
        %dma_start3A_121 = arith.constant 0 : i32
        %dma_start3A_122 = tpu.memref_slice %arg17[%mul3A_118, %dma_start3A_121] : memref<5248x128xf32, #tpu.memory_space<vmem_shared>> -> memref<32x128xf32, #tpu.memory_space<vmem_shared>>
        tpu.enqueue_dma source(%arg16 : memref<32x128xf32, #tpu.memory_space<vmem>>) target(%dma_start3A_122 : memref<32x128xf32, #tpu.memory_space<vmem_shared>>) target_semaphore(%run_scoped3A : memref<!tpu.dma_semaphore, #tpu.memory_space<semaphore_mem>>)
        %dma_wait3A_123 = arith.constant 0 : i32
        %dma_wait3A_124 = tpu.memref_slice %arg17[%mul3A_118, %dma_wait3A_123] : memref<5248x128xf32, #tpu.memory_space<vmem_shared>> -> memref<32x128xf32, #tpu.memory_space<vmem_shared>>
        %dma_wait3A_125 = arith.constant 0 : i32
        %dma_wait3A_126 = tpu.memref_slice %arg17[%mul3A_118, %dma_wait3A_125] : memref<5248x128xf32, #tpu.memory_space<vmem_shared>> -> memref<32x128xf32, #tpu.memory_space<vmem_shared>>
        tpu.wait_dma2 semaphore(%run_scoped3A : memref<!tpu.dma_semaphore, #tpu.memory_space<semaphore_mem>>) src(%arg16 : memref<32x128xf32, #tpu.memory_space<vmem>>) dst(%dma_wait3A_126 : memref<32x128xf32, #tpu.memory_space<vmem_shared>>)
        tpu.yield
      }) : () -> ()
    } else {
    }
    %add3A_34 = arith.constant 80 : i32
    %add3A_35 = arith.addi %arg1, %add3A_34 : i32
    %lt3A_36 = arith.constant 164 : i32
    %lt3A_37 = arith.cmpi slt, %add3A_35, %lt3A_36 : i32
    %convert_element_type3A_38 = arith.extui %lt3A_37 : i1 to i32
    %cond3A_39 = arith.constant 0 : i32
    %cond3A_40 = arith.cmpi ne, %convert_element_type3A_38, %cond3A_39 : i32
    scf.if %cond3A_40 {
      %mul3A_117 = arith.constant 32 : i32
      %mul3A_118 = arith.muli %add3A_35, %mul3A_117 : i32
      "tpu.region"() ({
        %run_scoped3A = tpu.sem_alloc : memref<!tpu.dma_semaphore, #tpu.memory_space<semaphore_mem>>
        %dma_start3A_119 = arith.constant 0 : i32
        %dma_start3A_120 = tpu.memref_slice %arg17[%mul3A_118, %dma_start3A_119] : memref<5248x128xf32, #tpu.memory_space<vmem_shared>> -> memref<32x128xf32, #tpu.memory_space<vmem_shared>>
        %dma_start3A_121 = arith.constant 0 : i32
        %dma_start3A_122 = tpu.memref_slice %arg17[%mul3A_118, %dma_start3A_121] : memref<5248x128xf32, #tpu.memory_space<vmem_shared>> -> memref<32x128xf32, #tpu.memory_space<vmem_shared>>
        tpu.enqueue_dma source(%arg16 : memref<32x128xf32, #tpu.memory_space<vmem>>) target(%dma_start3A_122 : memref<32x128xf32, #tpu.memory_space<vmem_shared>>) target_semaphore(%run_scoped3A : memref<!tpu.dma_semaphore, #tpu.memory_space<semaphore_mem>>)
        %dma_wait3A_123 = arith.constant 0 : i32
        %dma_wait3A_124 = tpu.memref_slice %arg17[%mul3A_118, %dma_wait3A_123] : memref<5248x128xf32, #tpu.memory_space<vmem_shared>> -> memref<32x128xf32, #tpu.memory_space<vmem_shared>>
        %dma_wait3A_125 = arith.constant 0 : i32
        %dma_wait3A_126 = tpu.memref_slice %arg17[%mul3A_118, %dma_wait3A_125] : memref<5248x128xf32, #tpu.memory_space<vmem_shared>> -> memref<32x128xf32, #tpu.memory_space<vmem_shared>>
        tpu.wait_dma2 semaphore(%run_scoped3A : memref<!tpu.dma_semaphore, #tpu.memory_space<semaphore_mem>>) src(%arg16 : memref<32x128xf32, #tpu.memory_space<vmem>>) dst(%dma_wait3A_126 : memref<32x128xf32, #tpu.memory_space<vmem_shared>>)
        tpu.yield
      }) : () -> ()
    } else {
    }
    %add3A_41 = arith.constant 96 : i32
    %add3A_42 = arith.addi %arg1, %add3A_41 : i32
    %lt3A_43 = arith.constant 164 : i32
    %lt3A_44 = arith.cmpi slt, %add3A_42, %lt3A_43 : i32
    %convert_element_type3A_45 = arith.extui %lt3A_44 : i1 to i32
    %cond3A_46 = arith.constant 0 : i32
    %cond3A_47 = arith.cmpi ne, %convert_element_type3A_45, %cond3A_46 : i32
    scf.if %cond3A_47 {
      %mul3A_117 = arith.constant 32 : i32
      %mul3A_118 = arith.muli %add3A_42, %mul3A_117 : i32
      "tpu.region"() ({
        %run_scoped3A = tpu.sem_alloc : memref<!tpu.dma_semaphore, #tpu.memory_space<semaphore_mem>>
        %dma_start3A_119 = arith.constant 0 : i32
        %dma_start3A_120 = tpu.memref_slice %arg17[%mul3A_118, %dma_start3A_119] : memref<5248x128xf32, #tpu.memory_space<vmem_shared>> -> memref<32x128xf32, #tpu.memory_space<vmem_shared>>
        %dma_start3A_121 = arith.constant 0 : i32
        %dma_start3A_122 = tpu.memref_slice %arg17[%mul3A_118, %dma_start3A_121] : memref<5248x128xf32, #tpu.memory_space<vmem_shared>> -> memref<32x128xf32, #tpu.memory_space<vmem_shared>>
        tpu.enqueue_dma source(%arg16 : memref<32x128xf32, #tpu.memory_space<vmem>>) target(%dma_start3A_122 : memref<32x128xf32, #tpu.memory_space<vmem_shared>>) target_semaphore(%run_scoped3A : memref<!tpu.dma_semaphore, #tpu.memory_space<semaphore_mem>>)
        %dma_wait3A_123 = arith.constant 0 : i32
        %dma_wait3A_124 = tpu.memref_slice %arg17[%mul3A_118, %dma_wait3A_123] : memref<5248x128xf32, #tpu.memory_space<vmem_shared>> -> memref<32x128xf32, #tpu.memory_space<vmem_shared>>
        %dma_wait3A_125 = arith.constant 0 : i32
        %dma_wait3A_126 = tpu.memref_slice %arg17[%mul3A_118, %dma_wait3A_125] : memref<5248x128xf32, #tpu.memory_space<vmem_shared>> -> memref<32x128xf32, #tpu.memory_space<vmem_shared>>
        tpu.wait_dma2 semaphore(%run_scoped3A : memref<!tpu.dma_semaphore, #tpu.memory_space<semaphore_mem>>) src(%arg16 : memref<32x128xf32, #tpu.memory_space<vmem>>) dst(%dma_wait3A_126 : memref<32x128xf32, #tpu.memory_space<vmem_shared>>)
        tpu.yield
      }) : () -> ()
    } else {
    }
    %add3A_48 = arith.constant 112 : i32
    %add3A_49 = arith.addi %arg1, %add3A_48 : i32
    %lt3A_50 = arith.constant 164 : i32
    %lt3A_51 = arith.cmpi slt, %add3A_49, %lt3A_50 : i32
    %convert_element_type3A_52 = arith.extui %lt3A_51 : i1 to i32
    %cond3A_53 = arith.constant 0 : i32
    %cond3A_54 = arith.cmpi ne, %convert_element_type3A_52, %cond3A_53 : i32
    scf.if %cond3A_54 {
      %mul3A_117 = arith.constant 32 : i32
      %mul3A_118 = arith.muli %add3A_49, %mul3A_117 : i32
      "tpu.region"() ({
        %run_scoped3A = tpu.sem_alloc : memref<!tpu.dma_semaphore, #tpu.memory_space<semaphore_mem>>
        %dma_start3A_119 = arith.constant 0 : i32
        %dma_start3A_120 = tpu.memref_slice %arg17[%mul3A_118, %dma_start3A_119] : memref<5248x128xf32, #tpu.memory_space<vmem_shared>> -> memref<32x128xf32, #tpu.memory_space<vmem_shared>>
        %dma_start3A_121 = arith.constant 0 : i32
        %dma_start3A_122 = tpu.memref_slice %arg17[%mul3A_118, %dma_start3A_121] : memref<5248x128xf32, #tpu.memory_space<vmem_shared>> -> memref<32x128xf32, #tpu.memory_space<vmem_shared>>
        tpu.enqueue_dma source(%arg16 : memref<32x128xf32, #tpu.memory_space<vmem>>) target(%dma_start3A_122 : memref<32x128xf32, #tpu.memory_space<vmem_shared>>) target_semaphore(%run_scoped3A : memref<!tpu.dma_semaphore, #tpu.memory_space<semaphore_mem>>)
        %dma_wait3A_123 = arith.constant 0 : i32
        %dma_wait3A_124 = tpu.memref_slice %arg17[%mul3A_118, %dma_wait3A_123] : memref<5248x128xf32, #tpu.memory_space<vmem_shared>> -> memref<32x128xf32, #tpu.memory_space<vmem_shared>>
        %dma_wait3A_125 = arith.constant 0 : i32
        %dma_wait3A_126 = tpu.memref_slice %arg17[%mul3A_118, %dma_wait3A_125] : memref<5248x128xf32, #tpu.memory_space<vmem_shared>> -> memref<32x128xf32, #tpu.memory_space<vmem_shared>>
        tpu.wait_dma2 semaphore(%run_scoped3A : memref<!tpu.dma_semaphore, #tpu.memory_space<semaphore_mem>>) src(%arg16 : memref<32x128xf32, #tpu.memory_space<vmem>>) dst(%dma_wait3A_126 : memref<32x128xf32, #tpu.memory_space<vmem_shared>>)
        tpu.yield
      }) : () -> ()
    } else {
    }
    %add3A_55 = arith.constant 128 : i32
    %add3A_56 = arith.addi %arg1, %add3A_55 : i32
    %lt3A_57 = arith.constant 164 : i32
    %lt3A_58 = arith.cmpi slt, %add3A_56, %lt3A_57 : i32
    %convert_element_type3A_59 = arith.extui %lt3A_58 : i1 to i32
    %cond3A_60 = arith.constant 0 : i32
    %cond3A_61 = arith.cmpi ne, %convert_element_type3A_59, %cond3A_60 : i32
    scf.if %cond3A_61 {
      %mul3A_117 = arith.constant 32 : i32
      %mul3A_118 = arith.muli %add3A_56, %mul3A_117 : i32
      "tpu.region"() ({
        %run_scoped3A = tpu.sem_alloc : memref<!tpu.dma_semaphore, #tpu.memory_space<semaphore_mem>>
        %dma_start3A_119 = arith.constant 0 : i32
        %dma_start3A_120 = tpu.memref_slice %arg17[%mul3A_118, %dma_start3A_119] : memref<5248x128xf32, #tpu.memory_space<vmem_shared>> -> memref<32x128xf32, #tpu.memory_space<vmem_shared>>
        %dma_start3A_121 = arith.constant 0 : i32
        %dma_start3A_122 = tpu.memref_slice %arg17[%mul3A_118, %dma_start3A_121] : memref<5248x128xf32, #tpu.memory_space<vmem_shared>> -> memref<32x128xf32, #tpu.memory_space<vmem_shared>>
        tpu.enqueue_dma source(%arg16 : memref<32x128xf32, #tpu.memory_space<vmem>>) target(%dma_start3A_122 : memref<32x128xf32, #tpu.memory_space<vmem_shared>>) target_semaphore(%run_scoped3A : memref<!tpu.dma_semaphore, #tpu.memory_space<semaphore_mem>>)
        %dma_wait3A_123 = arith.constant 0 : i32
        %dma_wait3A_124 = tpu.memref_slice %arg17[%mul3A_118, %dma_wait3A_123] : memref<5248x128xf32, #tpu.memory_space<vmem_shared>> -> memref<32x128xf32, #tpu.memory_space<vmem_shared>>
        %dma_wait3A_125 = arith.constant 0 : i32
        %dma_wait3A_126 = tpu.memref_slice %arg17[%mul3A_118, %dma_wait3A_125] : memref<5248x128xf32, #tpu.memory_space<vmem_shared>> -> memref<32x128xf32, #tpu.memory_space<vmem_shared>>
        tpu.wait_dma2 semaphore(%run_scoped3A : memref<!tpu.dma_semaphore, #tpu.memory_space<semaphore_mem>>) src(%arg16 : memref<32x128xf32, #tpu.memory_space<vmem>>) dst(%dma_wait3A_126 : memref<32x128xf32, #tpu.memory_space<vmem_shared>>)
        tpu.yield
      }) : () -> ()
    } else {
    }
    %add3A_62 = arith.constant 144 : i32
    %add3A_63 = arith.addi %arg1, %add3A_62 : i32
    %lt3A_64 = arith.constant 164 : i32
    %lt3A_65 = arith.cmpi slt, %add3A_63, %lt3A_64 : i32
    %convert_element_type3A_66 = arith.extui %lt3A_65 : i1 to i32
    %cond3A_67 = arith.constant 0 : i32
    %cond3A_68 = arith.cmpi ne, %convert_element_type3A_66, %cond3A_67 : i32
    scf.if %cond3A_68 {
      %mul3A_117 = arith.constant 32 : i32
      %mul3A_118 = arith.muli %add3A_63, %mul3A_117 : i32
      "tpu.region"() ({
        %run_scoped3A = tpu.sem_alloc : memref<!tpu.dma_semaphore, #tpu.memory_space<semaphore_mem>>
        %dma_start3A_119 = arith.constant 0 : i32
        %dma_start3A_120 = tpu.memref_slice %arg17[%mul3A_118, %dma_start3A_119] : memref<5248x128xf32, #tpu.memory_space<vmem_shared>> -> memref<32x128xf32, #tpu.memory_space<vmem_shared>>
        %dma_start3A_121 = arith.constant 0 : i32
        %dma_start3A_122 = tpu.memref_slice %arg17[%mul3A_118, %dma_start3A_121] : memref<5248x128xf32, #tpu.memory_space<vmem_shared>> -> memref<32x128xf32, #tpu.memory_space<vmem_shared>>
        tpu.enqueue_dma source(%arg16 : memref<32x128xf32, #tpu.memory_space<vmem>>) target(%dma_start3A_122 : memref<32x128xf32, #tpu.memory_space<vmem_shared>>) target_semaphore(%run_scoped3A : memref<!tpu.dma_semaphore, #tpu.memory_space<semaphore_mem>>)
        %dma_wait3A_123 = arith.constant 0 : i32
        %dma_wait3A_124 = tpu.memref_slice %arg17[%mul3A_118, %dma_wait3A_123] : memref<5248x128xf32, #tpu.memory_space<vmem_shared>> -> memref<32x128xf32, #tpu.memory_space<vmem_shared>>
        %dma_wait3A_125 = arith.constant 0 : i32
        %dma_wait3A_126 = tpu.memref_slice %arg17[%mul3A_118, %dma_wait3A_125] : memref<5248x128xf32, #tpu.memory_space<vmem_shared>> -> memref<32x128xf32, #tpu.memory_space<vmem_shared>>
        tpu.wait_dma2 semaphore(%run_scoped3A : memref<!tpu.dma_semaphore, #tpu.memory_space<semaphore_mem>>) src(%arg16 : memref<32x128xf32, #tpu.memory_space<vmem>>) dst(%dma_wait3A_126 : memref<32x128xf32, #tpu.memory_space<vmem_shared>>)
        tpu.yield
      }) : () -> ()
    } else {
    }
    %add3A_69 = arith.constant 160 : i32
    %add3A_70 = arith.addi %arg1, %add3A_69 : i32
    %lt3A_71 = arith.constant 164 : i32
    %lt3A_72 = arith.cmpi slt, %add3A_70, %lt3A_71 : i32
    %convert_element_type3A_73 = arith.extui %lt3A_72 : i1 to i32
    %cond3A_74 = arith.constant 0 : i32
    %cond3A_75 = arith.cmpi ne, %convert_element_type3A_73, %cond3A_74 : i32
    scf.if %cond3A_75 {
      %mul3A_117 = arith.constant 32 : i32
      %mul3A_118 = arith.muli %add3A_70, %mul3A_117 : i32
      "tpu.region"() ({
        %run_scoped3A = tpu.sem_alloc : memref<!tpu.dma_semaphore, #tpu.memory_space<semaphore_mem>>
        %dma_start3A_119 = arith.constant 0 : i32
        %dma_start3A_120 = tpu.memref_slice %arg17[%mul3A_118, %dma_start3A_119] : memref<5248x128xf32, #tpu.memory_space<vmem_shared>> -> memref<32x128xf32, #tpu.memory_space<vmem_shared>>
        %dma_start3A_121 = arith.constant 0 : i32
        %dma_start3A_122 = tpu.memref_slice %arg17[%mul3A_118, %dma_start3A_121] : memref<5248x128xf32, #tpu.memory_space<vmem_shared>> -> memref<32x128xf32, #tpu.memory_space<vmem_shared>>
        tpu.enqueue_dma source(%arg16 : memref<32x128xf32, #tpu.memory_space<vmem>>) target(%dma_start3A_122 : memref<32x128xf32, #tpu.memory_space<vmem_shared>>) target_semaphore(%run_scoped3A : memref<!tpu.dma_semaphore, #tpu.memory_space<semaphore_mem>>)
        %dma_wait3A_123 = arith.constant 0 : i32
        %dma_wait3A_124 = tpu.memref_slice %arg17[%mul3A_118, %dma_wait3A_123] : memref<5248x128xf32, #tpu.memory_space<vmem_shared>> -> memref<32x128xf32, #tpu.memory_space<vmem_shared>>
        %dma_wait3A_125 = arith.constant 0 : i32
        %dma_wait3A_126 = tpu.memref_slice %arg17[%mul3A_118, %dma_wait3A_125] : memref<5248x128xf32, #tpu.memory_space<vmem_shared>> -> memref<32x128xf32, #tpu.memory_space<vmem_shared>>
        tpu.wait_dma2 semaphore(%run_scoped3A : memref<!tpu.dma_semaphore, #tpu.memory_space<semaphore_mem>>) src(%arg16 : memref<32x128xf32, #tpu.memory_space<vmem>>) dst(%dma_wait3A_126 : memref<32x128xf32, #tpu.memory_space<vmem_shared>>)
        tpu.yield
      }) : () -> ()
    } else {
    }
    "tpu.region"() ({
      %run_scoped3A = tpu.sem_alloc : memref<!tpu.dma_semaphore, #tpu.memory_space<semaphore_mem>>
      tpu.enqueue_dma source(%arg5 : memref<6144xf32, #tpu.memory_space<hbm>>) target(%arg18 : memref<6144xf32, #tpu.memory_space<vmem>>) target_semaphore(%run_scoped3A : memref<!tpu.dma_semaphore, #tpu.memory_space<semaphore_mem>>)
      tpu.wait_dma2 semaphore(%run_scoped3A : memref<!tpu.dma_semaphore, #tpu.memory_space<semaphore_mem>>) src(%arg5 : memref<6144xf32, #tpu.memory_space<hbm>>) dst(%arg18 : memref<6144xf32, #tpu.memory_space<vmem>>)
      tpu.yield
    }) : () -> ()
    %barrier3A = arith.constant 0 : index
    tpu.barrier barrier_id(%barrier3A)
    %mul3A_76 = arith.constant 20224 : i32
    %mul3A_77 = arith.muli %arg1, %mul3A_76 : i32
    %iota3A = tpu.iota {dimensions = array<i32: 0>} : vector<16xi32>
    "tpu.region"() ({
      %run_scoped3A = tpu.sem_alloc : memref<!tpu.dma_semaphore, #tpu.memory_space<semaphore_mem>>
      %dma_start3A_117 = arith.constant 0 : i32
      %dma_start3A_118 = tpu.memref_slice %arg3[%dma_start3A_117, %mul3A_77] : memref<2x323712xi32, #tpu.memory_space<hbm>> -> memref<2x128xi32, #tpu.memory_space<hbm>>
      %dma_start3A_119 = arith.constant 0 : i32
      %dma_start3A_120 = tpu.memref_slice %arg3[%dma_start3A_119, %mul3A_77] : memref<2x323712xi32, #tpu.memory_space<hbm>> -> memref<2x128xi32, #tpu.memory_space<hbm>>
      tpu.enqueue_dma source(%dma_start3A_120 : memref<2x128xi32, #tpu.memory_space<hbm>>) target(%arg8 : memref<2x128xi32, #tpu.memory_space<vmem>>) target_semaphore(%run_scoped3A : memref<!tpu.dma_semaphore, #tpu.memory_space<semaphore_mem>>)
      %dma_wait3A_121 = arith.constant 0 : i32
      %dma_wait3A_122 = tpu.memref_slice %arg3[%dma_wait3A_121, %mul3A_77] : memref<2x323712xi32, #tpu.memory_space<hbm>> -> memref<2x128xi32, #tpu.memory_space<hbm>>
      %dma_wait3A_123 = arith.constant 0 : i32
      %dma_wait3A_124 = tpu.memref_slice %arg3[%dma_wait3A_123, %mul3A_77] : memref<2x323712xi32, #tpu.memory_space<hbm>> -> memref<2x128xi32, #tpu.memory_space<hbm>>
      tpu.wait_dma2 semaphore(%run_scoped3A : memref<!tpu.dma_semaphore, #tpu.memory_space<semaphore_mem>>) src(%dma_wait3A_124 : memref<2x128xi32, #tpu.memory_space<hbm>>) dst(%arg8 : memref<2x128xi32, #tpu.memory_space<vmem>>)
      tpu.yield
    }) : () -> ()
    %dma_start3A = arith.constant 0 : i32
    %dma_start3A_78 = arith.constant 0 : i32
    %dma_start3A_79 = tpu.memref_slice %arg8[%dma_start3A, %dma_start3A_78] : memref<2x128xi32, #tpu.memory_space<vmem>> -> memref<1x128xi32, #tpu.memory_space<vmem>>
    %dma_start3A_80 = tpu.memref_squeeze %dma_start3A_79 : memref<1x128xi32, #tpu.memory_space<vmem>> -> memref<128xi32, #tpu.memory_space<vmem>>
    %dma_start3A_81 = arith.constant 0 : i32
    %dma_start3A_82 = arith.constant 0 : i32
    %dma_start3A_83 = tpu.memref_slice %arg2[%dma_start3A_81, %dma_start3A_82] : memref<10000x128xf32, #tpu.memory_space<hbm>> -> memref<10000x128xf32, #tpu.memory_space<hbm>>
    tpu.enqueue_indirect_dma source(%dma_start3A_83 : memref<10000x128xf32, #tpu.memory_space<hbm>>) target(%arg10 : memref<128x128xf32, #tpu.memory_space<vmem>>) offsets(%dma_start3A_80 : memref<128xi32, #tpu.memory_space<vmem>>) semaphore(%arg11 : memref<!tpu.dma_semaphore, #tpu.memory_space<semaphore_mem>>)
    %scan3A = arith.constant 0 : i32
    %scan3A_84 = arith.constant 0 : i32
    %scan3A_85 = arith.constant 79 : i32
    %scan3A_86 = arith.addi %scan3A_84, %scan3A_85 : i32
    %scan3A_87 = arith.constant 1 : i32
    scf.for %scan3A_117 = %scan3A_84 to %scan3A_86 step %scan3A_87  : i32 {
      %mul3A_118 = arith.constant 2 : i32
      %mul3A_119 = arith.muli %mul3A_118, %scan3A_117 : i32
      %mul3A_120 = arith.constant 128 : i32
      %mul3A_121 = arith.muli %mul3A_119, %mul3A_120 : i32
      %add3A_122 = arith.addi %mul3A_77, %mul3A_121 : i32
      %add3A_123 = arith.constant 128 : i32
      %add3A_124 = arith.addi %add3A_122, %add3A_123 : i32
      "tpu.region"() ({
        %run_scoped3A = tpu.sem_alloc : memref<!tpu.dma_semaphore, #tpu.memory_space<semaphore_mem>>
        %dma_start3A_456 = arith.constant 0 : i32
        %dma_start3A_457 = tpu.memref_slice %arg3[%dma_start3A_456, %add3A_124] : memref<2x323712xi32, #tpu.memory_space<hbm>> -> memref<2x128xi32, #tpu.memory_space<hbm>>
        %dma_start3A_458 = arith.constant 0 : i32
        %dma_start3A_459 = tpu.memref_slice %arg3[%dma_start3A_458, %add3A_124] : memref<2x323712xi32, #tpu.memory_space<hbm>> -> memref<2x128xi32, #tpu.memory_space<hbm>>
        tpu.enqueue_dma source(%dma_start3A_459 : memref<2x128xi32, #tpu.memory_space<hbm>>) target(%arg12 : memref<2x128xi32, #tpu.memory_space<vmem>>) target_semaphore(%run_scoped3A : memref<!tpu.dma_semaphore, #tpu.memory_space<semaphore_mem>>)
        %dma_wait3A_460 = arith.constant 0 : i32
        %dma_wait3A_461 = tpu.memref_slice %arg3[%dma_wait3A_460, %add3A_124] : memref<2x323712xi32, #tpu.memory_space<hbm>> -> memref<2x128xi32, #tpu.memory_space<hbm>>
        %dma_wait3A_462 = arith.constant 0 : i32
        %dma_wait3A_463 = tpu.memref_slice %arg3[%dma_wait3A_462, %add3A_124] : memref<2x323712xi32, #tpu.memory_space<hbm>> -> memref<2x128xi32, #tpu.memory_space<hbm>>
        tpu.wait_dma2 semaphore(%run_scoped3A : memref<!tpu.dma_semaphore, #tpu.memory_space<semaphore_mem>>) src(%dma_wait3A_463 : memref<2x128xi32, #tpu.memory_space<hbm>>) dst(%arg12 : memref<2x128xi32, #tpu.memory_space<vmem>>)
        tpu.yield
      }) : () -> ()
      %dma_start3A_125 = arith.constant 0 : i32
      %dma_start3A_126 = arith.constant 0 : i32
      %dma_start3A_127 = tpu.memref_slice %arg12[%dma_start3A_125, %dma_start3A_126] : memref<2x128xi32, #tpu.memory_space<vmem>> -> memref<1x128xi32, #tpu.memory_space<vmem>>
      %dma_start3A_128 = tpu.memref_squeeze %dma_start3A_127 : memref<1x128xi32, #tpu.memory_space<vmem>> -> memref<128xi32, #tpu.memory_space<vmem>>
      %dma_start3A_129 = arith.constant 0 : i32
      %dma_start3A_130 = arith.constant 0 : i32
      %dma_start3A_131 = tpu.memref_slice %arg2[%dma_start3A_129, %dma_start3A_130] : memref<10000x128xf32, #tpu.memory_space<hbm>> -> memref<10000x128xf32, #tpu.memory_space<hbm>>
      tpu.enqueue_indirect_dma source(%dma_start3A_131 : memref<10000x128xf32, #tpu.memory_space<hbm>>) target(%arg14 : memref<128x128xf32, #tpu.memory_space<vmem>>) offsets(%dma_start3A_128 : memref<128xi32, #tpu.memory_space<vmem>>) semaphore(%arg15 : memref<!tpu.dma_semaphore, #tpu.memory_space<semaphore_mem>>)
      %broadcast_in_dim3A = arith.constant 1.000000e+00 : f32
      %broadcast_in_dim3A_132 = vector.broadcast %broadcast_in_dim3A : f32 to vector<16xf32>
      %get3A = arith.constant 1 : i32
      %get3A_133 = arith.index_cast %get3A : i32 to index
      %get3A_134 = arith.constant 0 : index
      %get3A_135 = tpu.vector_load %arg8[%get3A_133, %get3A_134] {strides = array<i32>} : memref<2x128xi32, #tpu.memory_space<vmem>>, vector<16xi32>,
      %sub3A = vector.broadcast %mul3A_0 : i32 to vector<16xi32>
      %sub3A_136 = arith.subi %get3A_135, %sub3A : vector<16xi32>
      %ge3A = arith.constant 0 : i32
      %ge3A_137 = vector.broadcast %ge3A : i32 to vector<16xi32>
      %ge3A_138 = arith.cmpi sge, %sub3A_136, %ge3A_137 : vector<16xi32>
      %lt3A_139 = arith.constant 5120 : i32
      %lt3A_140 = vector.broadcast %lt3A_139 : i32 to vector<16xi32>
      %lt3A_141 = arith.cmpi slt, %sub3A_136, %lt3A_140 : vector<16xi32>
      %and3A = arith.andi %ge3A_138, %lt3A_141 : vector<16xi1>
      %add3A_142 = arith.constant 5120 : i32
      %add3A_143 = vector.broadcast %add3A_142 : i32 to vector<16xi32>
      %add3A_144 = arith.addi %add3A_143, %iota3A : vector<16xi32>
      %select_n3A = arith.select %and3A, %sub3A_136, %add3A_144 : vector<16xi1>, vector<16xi32>
      %swap3A = arith.constant 0 : index
      %swap3A_145 = tpu.vector_load %arg9[%swap3A] {strides = array<i32>} : memref<128xi32, #tpu.memory_space<vmem>>, vector<16xi32>,
      tpu.vector_store %arg9[%swap3A], %select_n3A {strides = array<i32>} : memref<128xi32, #tpu.memory_space<vmem>>, vector<16xi32>,
      tpu.vector_store_idx %arg18[%select_n3A], %broadcast_in_dim3A_132 {add = true} : memref<6144xf32, #tpu.memory_space<vmem>>[vector<16xi32>], vector<16xf32>,
      %get3A_146 = arith.constant 1 : i32
      %get3A_147 = arith.index_cast %get3A_146 : i32 to index
      %get3A_148 = arith.constant 16 : index
      %get3A_149 = tpu.vector_load %arg8[%get3A_147, %get3A_148] {strides = array<i32>} : memref<2x128xi32, #tpu.memory_space<vmem>>, vector<16xi32>,
      %sub3A_150 = vector.broadcast %mul3A_0 : i32 to vector<16xi32>
      %sub3A_151 = arith.subi %get3A_149, %sub3A_150 : vector<16xi32>
      %ge3A_152 = arith.constant 0 : i32
      %ge3A_153 = vector.broadcast %ge3A_152 : i32 to vector<16xi32>
      %ge3A_154 = arith.cmpi sge, %sub3A_151, %ge3A_153 : vector<16xi32>
      %lt3A_155 = arith.constant 5120 : i32
      %lt3A_156 = vector.broadcast %lt3A_155 : i32 to vector<16xi32>
      %lt3A_157 = arith.cmpi slt, %sub3A_151, %lt3A_156 : vector<16xi32>
      %and3A_158 = arith.andi %ge3A_154, %lt3A_157 : vector<16xi1>
      %add3A_159 = arith.constant 5136 : i32
      %add3A_160 = vector.broadcast %add3A_159 : i32 to vector<16xi32>
      %add3A_161 = arith.addi %add3A_160, %iota3A : vector<16xi32>
      %select_n3A_162 = arith.select %and3A_158, %sub3A_151, %add3A_161 : vector<16xi1>, vector<16xi32>
      %swap3A_163 = arith.constant 16 : index
      %swap3A_164 = tpu.vector_load %arg9[%swap3A_163] {strides = array<i32>} : memref<128xi32, #tpu.memory_space<vmem>>, vector<16xi32>,
      tpu.vector_store %arg9[%swap3A_163], %select_n3A_162 {strides = array<i32>} : memref<128xi32, #tpu.memory_space<vmem>>, vector<16xi32>,
      tpu.vector_store_idx %arg18[%select_n3A_162], %broadcast_in_dim3A_132 {add = true} : memref<6144xf32, #tpu.memory_space<vmem>>[vector<16xi32>], vector<16xf32>,
      %get3A_165 = arith.constant 1 : i32
      %get3A_166 = arith.index_cast %get3A_165 : i32 to index
      %get3A_167 = arith.constant 32 : index
      %get3A_168 = tpu.vector_load %arg8[%get3A_166, %get3A_167] {strides = array<i32>} : memref<2x128xi32, #tpu.memory_space<vmem>>, vector<16xi32>,
      %sub3A_169 = vector.broadcast %mul3A_0 : i32 to vector<16xi32>
      %sub3A_170 = arith.subi %get3A_168, %sub3A_169 : vector<16xi32>
      %ge3A_171 = arith.constant 0 : i32
      %ge3A_172 = vector.broadcast %ge3A_171 : i32 to vector<16xi32>
      %ge3A_173 = arith.cmpi sge, %sub3A_170, %ge3A_172 : vector<16xi32>
      %lt3A_174 = arith.constant 5120 : i32
      %lt3A_175 = vector.broadcast %lt3A_174 : i32 to vector<16xi32>
      %lt3A_176 = arith.cmpi slt, %sub3A_170, %lt3A_175 : vector<16xi32>
      %and3A_177 = arith.andi %ge3A_173, %lt3A_176 : vector<16xi1>
      %add3A_178 = arith.constant 5152 : i32
      %add3A_179 = vector.broadcast %add3A_178 : i32 to vector<16xi32>
      %add3A_180 = arith.addi %add3A_179, %iota3A : vector<16xi32>
      %select_n3A_181 = arith.select %and3A_177, %sub3A_170, %add3A_180 : vector<16xi1>, vector<16xi32>
      %swap3A_182 = arith.constant 32 : index
      %swap3A_183 = tpu.vector_load %arg9[%swap3A_182] {strides = array<i32>} : memref<128xi32, #tpu.memory_space<vmem>>, vector<16xi32>,
      tpu.vector_store %arg9[%swap3A_182], %select_n3A_181 {strides = array<i32>} : memref<128xi32, #tpu.memory_space<vmem>>, vector<16xi32>,
      tpu.vector_store_idx %arg18[%select_n3A_181], %broadcast_in_dim3A_132 {add = true} : memref<6144xf32, #tpu.memory_space<vmem>>[vector<16xi32>], vector<16xf32>,
      %get3A_184 = arith.constant 1 : i32
      %get3A_185 = arith.index_cast %get3A_184 : i32 to index
      %get3A_186 = arith.constant 48 : index
      %get3A_187 = tpu.vector_load %arg8[%get3A_185, %get3A_186] {strides = array<i32>} : memref<2x128xi32, #tpu.memory_space<vmem>>, vector<16xi32>,
      %sub3A_188 = vector.broadcast %mul3A_0 : i32 to vector<16xi32>
      %sub3A_189 = arith.subi %get3A_187, %sub3A_188 : vector<16xi32>
      %ge3A_190 = arith.constant 0 : i32
      %ge3A_191 = vector.broadcast %ge3A_190 : i32 to vector<16xi32>
      %ge3A_192 = arith.cmpi sge, %sub3A_189, %ge3A_191 : vector<16xi32>
      %lt3A_193 = arith.constant 5120 : i32
      %lt3A_194 = vector.broadcast %lt3A_193 : i32 to vector<16xi32>
      %lt3A_195 = arith.cmpi slt, %sub3A_189, %lt3A_194 : vector<16xi32>
      %and3A_196 = arith.andi %ge3A_192, %lt3A_195 : vector<16xi1>
      %add3A_197 = arith.constant 5168 : i32
      %add3A_198 = vector.broadcast %add3A_197 : i32 to vector<16xi32>
      %add3A_199 = arith.addi %add3A_198, %iota3A : vector<16xi32>
      %select_n3A_200 = arith.select %and3A_196, %sub3A_189, %add3A_199 : vector<16xi1>, vector<16xi32>
      %swap3A_201 = arith.constant 48 : index
      %swap3A_202 = tpu.vector_load %arg9[%swap3A_201] {strides = array<i32>} : memref<128xi32, #tpu.memory_space<vmem>>, vector<16xi32>,
      tpu.vector_store %arg9[%swap3A_201], %select_n3A_200 {strides = array<i32>} : memref<128xi32, #tpu.memory_space<vmem>>, vector<16xi32>,
      tpu.vector_store_idx %arg18[%select_n3A_200], %broadcast_in_dim3A_132 {add = true} : memref<6144xf32, #tpu.memory_space<vmem>>[vector<16xi32>], vector<16xf32>,
      %get3A_203 = arith.constant 1 : i32
      %get3A_204 = arith.index_cast %get3A_203 : i32 to index
      %get3A_205 = arith.constant 64 : index
      %get3A_206 = tpu.vector_load %arg8[%get3A_204, %get3A_205] {strides = array<i32>} : memref<2x128xi32, #tpu.memory_space<vmem>>, vector<16xi32>,
      %sub3A_207 = vector.broadcast %mul3A_0 : i32 to vector<16xi32>
      %sub3A_208 = arith.subi %get3A_206, %sub3A_207 : vector<16xi32>
      %ge3A_209 = arith.constant 0 : i32
      %ge3A_210 = vector.broadcast %ge3A_209 : i32 to vector<16xi32>
      %ge3A_211 = arith.cmpi sge, %sub3A_208, %ge3A_210 : vector<16xi32>
      %lt3A_212 = arith.constant 5120 : i32
      %lt3A_213 = vector.broadcast %lt3A_212 : i32 to vector<16xi32>
      %lt3A_214 = arith.cmpi slt, %sub3A_208, %lt3A_213 : vector<16xi32>
      %and3A_215 = arith.andi %ge3A_211, %lt3A_214 : vector<16xi1>
      %add3A_216 = arith.constant 5184 : i32
      %add3A_217 = vector.broadcast %add3A_216 : i32 to vector<16xi32>
      %add3A_218 = arith.addi %add3A_217, %iota3A : vector<16xi32>
      %select_n3A_219 = arith.select %and3A_215, %sub3A_208, %add3A_218 : vector<16xi1>, vector<16xi32>
      %swap3A_220 = arith.constant 64 : index
      %swap3A_221 = tpu.vector_load %arg9[%swap3A_220] {strides = array<i32>} : memref<128xi32, #tpu.memory_space<vmem>>, vector<16xi32>,
      tpu.vector_store %arg9[%swap3A_220], %select_n3A_219 {strides = array<i32>} : memref<128xi32, #tpu.memory_space<vmem>>, vector<16xi32>,
      tpu.vector_store_idx %arg18[%select_n3A_219], %broadcast_in_dim3A_132 {add = true} : memref<6144xf32, #tpu.memory_space<vmem>>[vector<16xi32>], vector<16xf32>,
      %get3A_222 = arith.constant 1 : i32
      %get3A_223 = arith.index_cast %get3A_222 : i32 to index
      %get3A_224 = arith.constant 80 : index
      %get3A_225 = tpu.vector_load %arg8[%get3A_223, %get3A_224] {strides = array<i32>} : memref<2x128xi32, #tpu.memory_space<vmem>>, vector<16xi32>,
      %sub3A_226 = vector.broadcast %mul3A_0 : i32 to vector<16xi32>
      %sub3A_227 = arith.subi %get3A_225, %sub3A_226 : vector<16xi32>
      %ge3A_228 = arith.constant 0 : i32
      %ge3A_229 = vector.broadcast %ge3A_228 : i32 to vector<16xi32>
      %ge3A_230 = arith.cmpi sge, %sub3A_227, %ge3A_229 : vector<16xi32>
      %lt3A_231 = arith.constant 5120 : i32
      %lt3A_232 = vector.broadcast %lt3A_231 : i32 to vector<16xi32>
      %lt3A_233 = arith.cmpi slt, %sub3A_227, %lt3A_232 : vector<16xi32>
      %and3A_234 = arith.andi %ge3A_230, %lt3A_233 : vector<16xi1>
      %add3A_235 = arith.constant 5200 : i32
      %add3A_236 = vector.broadcast %add3A_235 : i32 to vector<16xi32>
      %add3A_237 = arith.addi %add3A_236, %iota3A : vector<16xi32>
      %select_n3A_238 = arith.select %and3A_234, %sub3A_227, %add3A_237 : vector<16xi1>, vector<16xi32>
      %swap3A_239 = arith.constant 80 : index
      %swap3A_240 = tpu.vector_load %arg9[%swap3A_239] {strides = array<i32>} : memref<128xi32, #tpu.memory_space<vmem>>, vector<16xi32>,
      tpu.vector_store %arg9[%swap3A_239], %select_n3A_238 {strides = array<i32>} : memref<128xi32, #tpu.memory_space<vmem>>, vector<16xi32>,
      tpu.vector_store_idx %arg18[%select_n3A_238], %broadcast_in_dim3A_132 {add = true} : memref<6144xf32, #tpu.memory_space<vmem>>[vector<16xi32>], vector<16xf32>,
      %get3A_241 = arith.constant 1 : i32
      %get3A_242 = arith.index_cast %get3A_241 : i32 to index
      %get3A_243 = arith.constant 96 : index
      %get3A_244 = tpu.vector_load %arg8[%get3A_242, %get3A_243] {strides = array<i32>} : memref<2x128xi32, #tpu.memory_space<vmem>>, vector<16xi32>,
      %sub3A_245 = vector.broadcast %mul3A_0 : i32 to vector<16xi32>
      %sub3A_246 = arith.subi %get3A_244, %sub3A_245 : vector<16xi32>
      %ge3A_247 = arith.constant 0 : i32
      %ge3A_248 = vector.broadcast %ge3A_247 : i32 to vector<16xi32>
      %ge3A_249 = arith.cmpi sge, %sub3A_246, %ge3A_248 : vector<16xi32>
      %lt3A_250 = arith.constant 5120 : i32
      %lt3A_251 = vector.broadcast %lt3A_250 : i32 to vector<16xi32>
      %lt3A_252 = arith.cmpi slt, %sub3A_246, %lt3A_251 : vector<16xi32>
      %and3A_253 = arith.andi %ge3A_249, %lt3A_252 : vector<16xi1>
      %add3A_254 = arith.constant 5216 : i32
      %add3A_255 = vector.broadcast %add3A_254 : i32 to vector<16xi32>
      %add3A_256 = arith.addi %add3A_255, %iota3A : vector<16xi32>
      %select_n3A_257 = arith.select %and3A_253, %sub3A_246, %add3A_256 : vector<16xi1>, vector<16xi32>
      %swap3A_258 = arith.constant 96 : index
      %swap3A_259 = tpu.vector_load %arg9[%swap3A_258] {strides = array<i32>} : memref<128xi32, #tpu.memory_space<vmem>>, vector<16xi32>,
      tpu.vector_store %arg9[%swap3A_258], %select_n3A_257 {strides = array<i32>} : memref<128xi32, #tpu.memory_space<vmem>>, vector<16xi32>,
      tpu.vector_store_idx %arg18[%select_n3A_257], %broadcast_in_dim3A_132 {add = true} : memref<6144xf32, #tpu.memory_space<vmem>>[vector<16xi32>], vector<16xf32>,
      %get3A_260 = arith.constant 1 : i32
      %get3A_261 = arith.index_cast %get3A_260 : i32 to index
      %get3A_262 = arith.constant 112 : index
      %get3A_263 = tpu.vector_load %arg8[%get3A_261, %get3A_262] {strides = array<i32>} : memref<2x128xi32, #tpu.memory_space<vmem>>, vector<16xi32>,
      %sub3A_264 = vector.broadcast %mul3A_0 : i32 to vector<16xi32>
      %sub3A_265 = arith.subi %get3A_263, %sub3A_264 : vector<16xi32>
      %ge3A_266 = arith.constant 0 : i32
      %ge3A_267 = vector.broadcast %ge3A_266 : i32 to vector<16xi32>
      %ge3A_268 = arith.cmpi sge, %sub3A_265, %ge3A_267 : vector<16xi32>
      %lt3A_269 = arith.constant 5120 : i32
      %lt3A_270 = vector.broadcast %lt3A_269 : i32 to vector<16xi32>
      %lt3A_271 = arith.cmpi slt, %sub3A_265, %lt3A_270 : vector<16xi32>
      %and3A_272 = arith.andi %ge3A_268, %lt3A_271 : vector<16xi1>
      %add3A_273 = arith.constant 5232 : i32
      %add3A_274 = vector.broadcast %add3A_273 : i32 to vector<16xi32>
      %add3A_275 = arith.addi %add3A_274, %iota3A : vector<16xi32>
      %select_n3A_276 = arith.select %and3A_272, %sub3A_265, %add3A_275 : vector<16xi1>, vector<16xi32>
      %swap3A_277 = arith.constant 112 : index
      %swap3A_278 = tpu.vector_load %arg9[%swap3A_277] {strides = array<i32>} : memref<128xi32, #tpu.memory_space<vmem>>, vector<16xi32>,
      tpu.vector_store %arg9[%swap3A_277], %select_n3A_276 {strides = array<i32>} : memref<128xi32, #tpu.memory_space<vmem>>, vector<16xi32>,
      tpu.vector_store_idx %arg18[%select_n3A_276], %broadcast_in_dim3A_132 {add = true} : memref<6144xf32, #tpu.memory_space<vmem>>[vector<16xi32>], vector<16xf32>,
      %dma_wait3A_279 = arith.constant 0 : i32
      %dma_wait3A_280 = arith.constant 0 : i32
      %dma_wait3A_281 = tpu.memref_slice %arg8[%dma_wait3A_279, %dma_wait3A_280] : memref<2x128xi32, #tpu.memory_space<vmem>> -> memref<1x128xi32, #tpu.memory_space<vmem>>
      %dma_wait3A_282 = tpu.memref_squeeze %dma_wait3A_281 : memref<1x128xi32, #tpu.memory_space<vmem>> -> memref<128xi32, #tpu.memory_space<vmem>>
      %dma_wait3A_283 = arith.constant 0 : i32
      %dma_wait3A_284 = arith.constant 0 : i32
      %dma_wait3A_285 = tpu.memref_slice %arg2[%dma_wait3A_283, %dma_wait3A_284] : memref<10000x128xf32, #tpu.memory_space<hbm>> -> memref<10000x128xf32, #tpu.memory_space<hbm>>
      tpu.wait_indirect_dma semaphore(%arg11 : memref<!tpu.dma_semaphore, #tpu.memory_space<semaphore_mem>>) src(%dma_wait3A_285 : memref<10000x128xf32, #tpu.memory_space<hbm>>) dst(%arg10 : memref<128x128xf32, #tpu.memory_space<vmem>>)
      "tpu.region"() ({
        %run_scoped3A = tpu.sem_alloc : memref<!tpu.dma_semaphore, #tpu.memory_space<semaphore_mem>>
        %dma_start3A_456 = arith.constant 0 : i32
        %dma_start3A_457 = arith.constant 0 : i32
        %dma_start3A_458 = tpu.memref_slice %arg17[%dma_start3A_456, %dma_start3A_457] : memref<5248x128xf32, #tpu.memory_space<vmem_shared>> -> memref<5248x128xf32, #tpu.memory_space<vmem_shared>>
        tpu.enqueue_indirect_dma source(%arg10 : memref<128x128xf32, #tpu.memory_space<vmem>>) target(%dma_start3A_458 : memref<5248x128xf32, #tpu.memory_space<vmem_shared>>) offsets(%arg9 : memref<128xi32, #tpu.memory_space<vmem>>) semaphore(%run_scoped3A : memref<!tpu.dma_semaphore, #tpu.memory_space<semaphore_mem>>) {add = true}
        %dma_wait3A_459 = arith.constant 0 : i32
        %dma_wait3A_460 = arith.constant 0 : i32
        %dma_wait3A_461 = tpu.memref_slice %arg17[%dma_wait3A_459, %dma_wait3A_460] : memref<5248x128xf32, #tpu.memory_space<vmem_shared>> -> memref<5248x128xf32, #tpu.memory_space<vmem_shared>>
        tpu.wait_indirect_dma semaphore(%run_scoped3A : memref<!tpu.dma_semaphore, #tpu.memory_space<semaphore_mem>>) src(%arg10 : memref<128x128xf32, #tpu.memory_space<vmem>>) dst(%dma_wait3A_461 : memref<5248x128xf32, #tpu.memory_space<vmem_shared>>)
        tpu.yield
      }) : () -> ()
      %add3A_286 = arith.constant 256 : i32
      %add3A_287 = arith.addi %add3A_122, %add3A_286 : i32
      "tpu.region"() ({
        %run_scoped3A = tpu.sem_alloc : memref<!tpu.dma_semaphore, #tpu.memory_space<semaphore_mem>>
        %dma_start3A_456 = arith.constant 0 : i32
        %dma_start3A_457 = tpu.memref_slice %arg3[%dma_start3A_456, %add3A_287] : memref<2x323712xi32, #tpu.memory_space<hbm>> -> memref<2x128xi32, #tpu.memory_space<hbm>>
        %dma_start3A_458 = arith.constant 0 : i32
        %dma_start3A_459 = tpu.memref_slice %arg3[%dma_start3A_458, %add3A_287] : memref<2x323712xi32, #tpu.memory_space<hbm>> -> memref<2x128xi32, #tpu.memory_space<hbm>>
        tpu.enqueue_dma source(%dma_start3A_459 : memref<2x128xi32, #tpu.memory_space<hbm>>) target(%arg8 : memref<2x128xi32, #tpu.memory_space<vmem>>) target_semaphore(%run_scoped3A : memref<!tpu.dma_semaphore, #tpu.memory_space<semaphore_mem>>)
        %dma_wait3A_460 = arith.constant 0 : i32
        %dma_wait3A_461 = tpu.memref_slice %arg3[%dma_wait3A_460, %add3A_287] : memref<2x323712xi32, #tpu.memory_space<hbm>> -> memref<2x128xi32, #tpu.memory_space<hbm>>
        %dma_wait3A_462 = arith.constant 0 : i32
        %dma_wait3A_463 = tpu.memref_slice %arg3[%dma_wait3A_462, %add3A_287] : memref<2x323712xi32, #tpu.memory_space<hbm>> -> memref<2x128xi32, #tpu.memory_space<hbm>>
        tpu.wait_dma2 semaphore(%run_scoped3A : memref<!tpu.dma_semaphore, #tpu.memory_space<semaphore_mem>>) src(%dma_wait3A_463 : memref<2x128xi32, #tpu.memory_space<hbm>>) dst(%arg8 : memref<2x128xi32, #tpu.memory_space<vmem>>)
        tpu.yield
      }) : () -> ()
      %dma_start3A_288 = arith.constant 0 : i32
      %dma_start3A_289 = arith.constant 0 : i32
      %dma_start3A_290 = tpu.memref_slice %arg8[%dma_start3A_288, %dma_start3A_289] : memref<2x128xi32, #tpu.memory_space<vmem>> -> memref<1x128xi32, #tpu.memory_space<vmem>>
      %dma_start3A_291 = tpu.memref_squeeze %dma_start3A_290 : memref<1x128xi32, #tpu.memory_space<vmem>> -> memref<128xi32, #tpu.memory_space<vmem>>
      %dma_start3A_292 = arith.constant 0 : i32
      %dma_start3A_293 = arith.constant 0 : i32
      %dma_start3A_294 = tpu.memref_slice %arg2[%dma_start3A_292, %dma_start3A_293] : memref<10000x128xf32, #tpu.memory_space<hbm>> -> memref<10000x128xf32, #tpu.memory_space<hbm>>
      tpu.enqueue_indirect_dma source(%dma_start3A_294 : memref<10000x128xf32, #tpu.memory_space<hbm>>) target(%arg10 : memref<128x128xf32, #tpu.memory_space<vmem>>) offsets(%dma_start3A_291 : memref<128xi32, #tpu.memory_space<vmem>>) semaphore(%arg11 : memref<!tpu.dma_semaphore, #tpu.memory_space<semaphore_mem>>)
      %broadcast_in_dim3A_295 = arith.constant 1.000000e+00 : f32
      %broadcast_in_dim3A_296 = vector.broadcast %broadcast_in_dim3A_295 : f32 to vector<16xf32>
      %get3A_297 = arith.constant 1 : i32
      %get3A_298 = arith.index_cast %get3A_297 : i32 to index
      %get3A_299 = arith.constant 0 : index
      %get3A_300 = tpu.vector_load %arg12[%get3A_298, %get3A_299] {strides = array<i32>} : memref<2x128xi32, #tpu.memory_space<vmem>>, vector<16xi32>,
      %sub3A_301 = vector.broadcast %mul3A_0 : i32 to vector<16xi32>
      %sub3A_302 = arith.subi %get3A_300, %sub3A_301 : vector<16xi32>
      %ge3A_303 = arith.constant 0 : i32
      %ge3A_304 = vector.broadcast %ge3A_303 : i32 to vector<16xi32>
      %ge3A_305 = arith.cmpi sge, %sub3A_302, %ge3A_304 : vector<16xi32>
      %lt3A_306 = arith.constant 5120 : i32
      %lt3A_307 = vector.broadcast %lt3A_306 : i32 to vector<16xi32>
      %lt3A_308 = arith.cmpi slt, %sub3A_302, %lt3A_307 : vector<16xi32>
      %and3A_309 = arith.andi %ge3A_305, %lt3A_308 : vector<16xi1>
      %add3A_310 = arith.constant 5120 : i32
      %add3A_311 = vector.broadcast %add3A_310 : i32 to vector<16xi32>
      %add3A_312 = arith.addi %add3A_311, %iota3A : vector<16xi32>
      %select_n3A_313 = arith.select %and3A_309, %sub3A_302, %add3A_312 : vector<16xi1>, vector<16xi32>
      %swap3A_314 = arith.constant 0 : index
      %swap3A_315 = tpu.vector_load %arg13[%swap3A_314] {strides = array<i32>} : memref<128xi32, #tpu.memory_space<vmem>>, vector<16xi32>,
      tpu.vector_store %arg13[%swap3A_314], %select_n3A_313 {strides = array<i32>} : memref<128xi32, #tpu.memory_space<vmem>>, vector<16xi32>,
      tpu.vector_store_idx %arg18[%select_n3A_313], %broadcast_in_dim3A_296 {add = true} : memref<6144xf32, #tpu.memory_space<vmem>>[vector<16xi32>], vector<16xf32>,
      %get3A_316 = arith.constant 1 : i32
      %get3A_317 = arith.index_cast %get3A_316 : i32 to index
      %get3A_318 = arith.constant 16 : index
      %get3A_319 = tpu.vector_load %arg12[%get3A_317, %get3A_318] {strides = array<i32>} : memref<2x128xi32, #tpu.memory_space<vmem>>, vector<16xi32>,
      %sub3A_320 = vector.broadcast %mul3A_0 : i32 to vector<16xi32>
      %sub3A_321 = arith.subi %get3A_319, %sub3A_320 : vector<16xi32>
      %ge3A_322 = arith.constant 0 : i32
      %ge3A_323 = vector.broadcast %ge3A_322 : i32 to vector<16xi32>
      %ge3A_324 = arith.cmpi sge, %sub3A_321, %ge3A_323 : vector<16xi32>
      %lt3A_325 = arith.constant 5120 : i32
      %lt3A_326 = vector.broadcast %lt3A_325 : i32 to vector<16xi32>
      %lt3A_327 = arith.cmpi slt, %sub3A_321, %lt3A_326 : vector<16xi32>
      %and3A_328 = arith.andi %ge3A_324, %lt3A_327 : vector<16xi1>
      %add3A_329 = arith.constant 5136 : i32
      %add3A_330 = vector.broadcast %add3A_329 : i32 to vector<16xi32>
      %add3A_331 = arith.addi %add3A_330, %iota3A : vector<16xi32>
      %select_n3A_332 = arith.select %and3A_328, %sub3A_321, %add3A_331 : vector<16xi1>, vector<16xi32>
      %swap3A_333 = arith.constant 16 : index
      %swap3A_334 = tpu.vector_load %arg13[%swap3A_333] {strides = array<i32>} : memref<128xi32, #tpu.memory_space<vmem>>, vector<16xi32>,
      tpu.vector_store %arg13[%swap3A_333], %select_n3A_332 {strides = array<i32>} : memref<128xi32, #tpu.memory_space<vmem>>, vector<16xi32>,
      tpu.vector_store_idx %arg18[%select_n3A_332], %broadcast_in_dim3A_296 {add = true} : memref<6144xf32, #tpu.memory_space<vmem>>[vector<16xi32>], vector<16xf32>,
      %get3A_335 = arith.constant 1 : i32
      %get3A_336 = arith.index_cast %get3A_335 : i32 to index
      %get3A_337 = arith.constant 32 : index
      %get3A_338 = tpu.vector_load %arg12[%get3A_336, %get3A_337] {strides = array<i32>} : memref<2x128xi32, #tpu.memory_space<vmem>>, vector<16xi32>,
      %sub3A_339 = vector.broadcast %mul3A_0 : i32 to vector<16xi32>
      %sub3A_340 = arith.subi %get3A_338, %sub3A_339 : vector<16xi32>
      %ge3A_341 = arith.constant 0 : i32
      %ge3A_342 = vector.broadcast %ge3A_341 : i32 to vector<16xi32>
      %ge3A_343 = arith.cmpi sge, %sub3A_340, %ge3A_342 : vector<16xi32>
      %lt3A_344 = arith.constant 5120 : i32
      %lt3A_345 = vector.broadcast %lt3A_344 : i32 to vector<16xi32>
      %lt3A_346 = arith.cmpi slt, %sub3A_340, %lt3A_345 : vector<16xi32>
      %and3A_347 = arith.andi %ge3A_343, %lt3A_346 : vector<16xi1>
      %add3A_348 = arith.constant 5152 : i32
      %add3A_349 = vector.broadcast %add3A_348 : i32 to vector<16xi32>
      %add3A_350 = arith.addi %add3A_349, %iota3A : vector<16xi32>
      %select_n3A_351 = arith.select %and3A_347, %sub3A_340, %add3A_350 : vector<16xi1>, vector<16xi32>
      %swap3A_352 = arith.constant 32 : index
      %swap3A_353 = tpu.vector_load %arg13[%swap3A_352] {strides = array<i32>} : memref<128xi32, #tpu.memory_space<vmem>>, vector<16xi32>,
      tpu.vector_store %arg13[%swap3A_352], %select_n3A_351 {strides = array<i32>} : memref<128xi32, #tpu.memory_space<vmem>>, vector<16xi32>,
      tpu.vector_store_idx %arg18[%select_n3A_351], %broadcast_in_dim3A_296 {add = true} : memref<6144xf32, #tpu.memory_space<vmem>>[vector<16xi32>], vector<16xf32>,
      %get3A_354 = arith.constant 1 : i32
      %get3A_355 = arith.index_cast %get3A_354 : i32 to index
      %get3A_356 = arith.constant 48 : index
      %get3A_357 = tpu.vector_load %arg12[%get3A_355, %get3A_356] {strides = array<i32>} : memref<2x128xi32, #tpu.memory_space<vmem>>, vector<16xi32>,
      %sub3A_358 = vector.broadcast %mul3A_0 : i32 to vector<16xi32>
      %sub3A_359 = arith.subi %get3A_357, %sub3A_358 : vector<16xi32>
      %ge3A_360 = arith.constant 0 : i32
      %ge3A_361 = vector.broadcast %ge3A_360 : i32 to vector<16xi32>
      %ge3A_362 = arith.cmpi sge, %sub3A_359, %ge3A_361 : vector<16xi32>
      %lt3A_363 = arith.constant 5120 : i32
      %lt3A_364 = vector.broadcast %lt3A_363 : i32 to vector<16xi32>
      %lt3A_365 = arith.cmpi slt, %sub3A_359, %lt3A_364 : vector<16xi32>
      %and3A_366 = arith.andi %ge3A_362, %lt3A_365 : vector<16xi1>
      %add3A_367 = arith.constant 5168 : i32
      %add3A_368 = vector.broadcast %add3A_367 : i32 to vector<16xi32>
      %add3A_369 = arith.addi %add3A_368, %iota3A : vector<16xi32>
      %select_n3A_370 = arith.select %and3A_366, %sub3A_359, %add3A_369 : vector<16xi1>, vector<16xi32>
      %swap3A_371 = arith.constant 48 : index
      %swap3A_372 = tpu.vector_load %arg13[%swap3A_371] {strides = array<i32>} : memref<128xi32, #tpu.memory_space<vmem>>, vector<16xi32>,
      tpu.vector_store %arg13[%swap3A_371], %select_n3A_370 {strides = array<i32>} : memref<128xi32, #tpu.memory_space<vmem>>, vector<16xi32>,
      tpu.vector_store_idx %arg18[%select_n3A_370], %broadcast_in_dim3A_296 {add = true} : memref<6144xf32, #tpu.memory_space<vmem>>[vector<16xi32>], vector<16xf32>,
      %get3A_373 = arith.constant 1 : i32
      %get3A_374 = arith.index_cast %get3A_373 : i32 to index
      %get3A_375 = arith.constant 64 : index
      %get3A_376 = tpu.vector_load %arg12[%get3A_374, %get3A_375] {strides = array<i32>} : memref<2x128xi32, #tpu.memory_space<vmem>>, vector<16xi32>,
      %sub3A_377 = vector.broadcast %mul3A_0 : i32 to vector<16xi32>
      %sub3A_378 = arith.subi %get3A_376, %sub3A_377 : vector<16xi32>
      %ge3A_379 = arith.constant 0 : i32
      %ge3A_380 = vector.broadcast %ge3A_379 : i32 to vector<16xi32>
      %ge3A_381 = arith.cmpi sge, %sub3A_378, %ge3A_380 : vector<16xi32>
      %lt3A_382 = arith.constant 5120 : i32
      %lt3A_383 = vector.broadcast %lt3A_382 : i32 to vector<16xi32>
      %lt3A_384 = arith.cmpi slt, %sub3A_378, %lt3A_383 : vector<16xi32>
      %and3A_385 = arith.andi %ge3A_381, %lt3A_384 : vector<16xi1>
      %add3A_386 = arith.constant 5184 : i32
      %add3A_387 = vector.broadcast %add3A_386 : i32 to vector<16xi32>
      %add3A_388 = arith.addi %add3A_387, %iota3A : vector<16xi32>
      %select_n3A_389 = arith.select %and3A_385, %sub3A_378, %add3A_388 : vector<16xi1>, vector<16xi32>
      %swap3A_390 = arith.constant 64 : index
      %swap3A_391 = tpu.vector_load %arg13[%swap3A_390] {strides = array<i32>} : memref<128xi32, #tpu.memory_space<vmem>>, vector<16xi32>,
      tpu.vector_store %arg13[%swap3A_390], %select_n3A_389 {strides = array<i32>} : memref<128xi32, #tpu.memory_space<vmem>>, vector<16xi32>,
      tpu.vector_store_idx %arg18[%select_n3A_389], %broadcast_in_dim3A_296 {add = true} : memref<6144xf32, #tpu.memory_space<vmem>>[vector<16xi32>], vector<16xf32>,
      %get3A_392 = arith.constant 1 : i32
      %get3A_393 = arith.index_cast %get3A_392 : i32 to index
      %get3A_394 = arith.constant 80 : index
      %get3A_395 = tpu.vector_load %arg12[%get3A_393, %get3A_394] {strides = array<i32>} : memref<2x128xi32, #tpu.memory_space<vmem>>, vector<16xi32>,
      %sub3A_396 = vector.broadcast %mul3A_0 : i32 to vector<16xi32>
      %sub3A_397 = arith.subi %get3A_395, %sub3A_396 : vector<16xi32>
      %ge3A_398 = arith.constant 0 : i32
      %ge3A_399 = vector.broadcast %ge3A_398 : i32 to vector<16xi32>
      %ge3A_400 = arith.cmpi sge, %sub3A_397, %ge3A_399 : vector<16xi32>
      %lt3A_401 = arith.constant 5120 : i32
      %lt3A_402 = vector.broadcast %lt3A_401 : i32 to vector<16xi32>
      %lt3A_403 = arith.cmpi slt, %sub3A_397, %lt3A_402 : vector<16xi32>
      %and3A_404 = arith.andi %ge3A_400, %lt3A_403 : vector<16xi1>
      %add3A_405 = arith.constant 5200 : i32
      %add3A_406 = vector.broadcast %add3A_405 : i32 to vector<16xi32>
      %add3A_407 = arith.addi %add3A_406, %iota3A : vector<16xi32>
      %select_n3A_408 = arith.select %and3A_404, %sub3A_397, %add3A_407 : vector<16xi1>, vector<16xi32>
      %swap3A_409 = arith.constant 80 : index
      %swap3A_410 = tpu.vector_load %arg13[%swap3A_409] {strides = array<i32>} : memref<128xi32, #tpu.memory_space<vmem>>, vector<16xi32>,
      tpu.vector_store %arg13[%swap3A_409], %select_n3A_408 {strides = array<i32>} : memref<128xi32, #tpu.memory_space<vmem>>, vector<16xi32>,
      tpu.vector_store_idx %arg18[%select_n3A_408], %broadcast_in_dim3A_296 {add = true} : memref<6144xf32, #tpu.memory_space<vmem>>[vector<16xi32>], vector<16xf32>,
      %get3A_411 = arith.constant 1 : i32
      %get3A_412 = arith.index_cast %get3A_411 : i32 to index
      %get3A_413 = arith.constant 96 : index
      %get3A_414 = tpu.vector_load %arg12[%get3A_412, %get3A_413] {strides = array<i32>} : memref<2x128xi32, #tpu.memory_space<vmem>>, vector<16xi32>,
      %sub3A_415 = vector.broadcast %mul3A_0 : i32 to vector<16xi32>
      %sub3A_416 = arith.subi %get3A_414, %sub3A_415 : vector<16xi32>
      %ge3A_417 = arith.constant 0 : i32
      %ge3A_418 = vector.broadcast %ge3A_417 : i32 to vector<16xi32>
      %ge3A_419 = arith.cmpi sge, %sub3A_416, %ge3A_418 : vector<16xi32>
      %lt3A_420 = arith.constant 5120 : i32
      %lt3A_421 = vector.broadcast %lt3A_420 : i32 to vector<16xi32>
      %lt3A_422 = arith.cmpi slt, %sub3A_416, %lt3A_421 : vector<16xi32>
      %and3A_423 = arith.andi %ge3A_419, %lt3A_422 : vector<16xi1>
      %add3A_424 = arith.constant 5216 : i32
      %add3A_425 = vector.broadcast %add3A_424 : i32 to vector<16xi32>
      %add3A_426 = arith.addi %add3A_425, %iota3A : vector<16xi32>
      %select_n3A_427 = arith.select %and3A_423, %sub3A_416, %add3A_426 : vector<16xi1>, vector<16xi32>
      %swap3A_428 = arith.constant 96 : index
      %swap3A_429 = tpu.vector_load %arg13[%swap3A_428] {strides = array<i32>} : memref<128xi32, #tpu.memory_space<vmem>>, vector<16xi32>,
      tpu.vector_store %arg13[%swap3A_428], %select_n3A_427 {strides = array<i32>} : memref<128xi32, #tpu.memory_space<vmem>>, vector<16xi32>,
      tpu.vector_store_idx %arg18[%select_n3A_427], %broadcast_in_dim3A_296 {add = true} : memref<6144xf32, #tpu.memory_space<vmem>>[vector<16xi32>], vector<16xf32>,
      %get3A_430 = arith.constant 1 : i32
      %get3A_431 = arith.index_cast %get3A_430 : i32 to index
      %get3A_432 = arith.constant 112 : index
      %get3A_433 = tpu.vector_load %arg12[%get3A_431, %get3A_432] {strides = array<i32>} : memref<2x128xi32, #tpu.memory_space<vmem>>, vector<16xi32>,
      %sub3A_434 = vector.broadcast %mul3A_0 : i32 to vector<16xi32>
      %sub3A_435 = arith.subi %get3A_433, %sub3A_434 : vector<16xi32>
      %ge3A_436 = arith.constant 0 : i32
      %ge3A_437 = vector.broadcast %ge3A_436 : i32 to vector<16xi32>
      %ge3A_438 = arith.cmpi sge, %sub3A_435, %ge3A_437 : vector<16xi32>
      %lt3A_439 = arith.constant 5120 : i32
      %lt3A_440 = vector.broadcast %lt3A_439 : i32 to vector<16xi32>
      %lt3A_441 = arith.cmpi slt, %sub3A_435, %lt3A_440 : vector<16xi32>
      %and3A_442 = arith.andi %ge3A_438, %lt3A_441 : vector<16xi1>
      %add3A_443 = arith.constant 5232 : i32
      %add3A_444 = vector.broadcast %add3A_443 : i32 to vector<16xi32>
      %add3A_445 = arith.addi %add3A_444, %iota3A : vector<16xi32>
      %select_n3A_446 = arith.select %and3A_442, %sub3A_435, %add3A_445 : vector<16xi1>, vector<16xi32>
      %swap3A_447 = arith.constant 112 : index
      %swap3A_448 = tpu.vector_load %arg13[%swap3A_447] {strides = array<i32>} : memref<128xi32, #tpu.memory_space<vmem>>, vector<16xi32>,
      tpu.vector_store %arg13[%swap3A_447], %select_n3A_446 {strides = array<i32>} : memref<128xi32, #tpu.memory_space<vmem>>, vector<16xi32>,
      tpu.vector_store_idx %arg18[%select_n3A_446], %broadcast_in_dim3A_296 {add = true} : memref<6144xf32, #tpu.memory_space<vmem>>[vector<16xi32>], vector<16xf32>,
      %dma_wait3A_449 = arith.constant 0 : i32
      %dma_wait3A_450 = arith.constant 0 : i32
      %dma_wait3A_451 = tpu.memref_slice %arg12[%dma_wait3A_449, %dma_wait3A_450] : memref<2x128xi32, #tpu.memory_space<vmem>> -> memref<1x128xi32, #tpu.memory_space<vmem>>
      %dma_wait3A_452 = tpu.memref_squeeze %dma_wait3A_451 : memref<1x128xi32, #tpu.memory_space<vmem>> -> memref<128xi32, #tpu.memory_space<vmem>>
      %dma_wait3A_453 = arith.constant 0 : i32
      %dma_wait3A_454 = arith.constant 0 : i32
      %dma_wait3A_455 = tpu.memref_slice %arg2[%dma_wait3A_453, %dma_wait3A_454] : memref<10000x128xf32, #tpu.memory_space<hbm>> -> memref<10000x128xf32, #tpu.memory_space<hbm>>
      tpu.wait_indirect_dma semaphore(%arg15 : memref<!tpu.dma_semaphore, #tpu.memory_space<semaphore_mem>>) src(%dma_wait3A_455 : memref<10000x128xf32, #tpu.memory_space<hbm>>) dst(%arg14 : memref<128x128xf32, #tpu.memory_space<vmem>>)
      "tpu.region"() ({
        %run_scoped3A = tpu.sem_alloc : memref<!tpu.dma_semaphore, #tpu.memory_space<semaphore_mem>>
        %dma_start3A_456 = arith.constant 0 : i32
        %dma_start3A_457 = arith.constant 0 : i32
        %dma_start3A_458 = tpu.memref_slice %arg17[%dma_start3A_456, %dma_start3A_457] : memref<5248x128xf32, #tpu.memory_space<vmem_shared>> -> memref<5248x128xf32, #tpu.memory_space<vmem_shared>>
        tpu.enqueue_indirect_dma source(%arg14 : memref<128x128xf32, #tpu.memory_space<vmem>>) target(%dma_start3A_458 : memref<5248x128xf32, #tpu.memory_space<vmem_shared>>) offsets(%arg13 : memref<128xi32, #tpu.memory_space<vmem>>) semaphore(%run_scoped3A : memref<!tpu.dma_semaphore, #tpu.memory_space<semaphore_mem>>) {add = true}
        %dma_wait3A_459 = arith.constant 0 : i32
        %dma_wait3A_460 = arith.constant 0 : i32
        %dma_wait3A_461 = tpu.memref_slice %arg17[%dma_wait3A_459, %dma_wait3A_460] : memref<5248x128xf32, #tpu.memory_space<vmem_shared>> -> memref<5248x128xf32, #tpu.memory_space<vmem_shared>>
        tpu.wait_indirect_dma semaphore(%run_scoped3A : memref<!tpu.dma_semaphore, #tpu.memory_space<semaphore_mem>>) src(%arg14 : memref<128x128xf32, #tpu.memory_space<vmem>>) dst(%dma_wait3A_461 : memref<5248x128xf32, #tpu.memory_space<vmem_shared>>)
        tpu.yield
      }) : () -> ()
    }
    %scan3A_88 = arith.constant 79 : i32
    %dma_wait3A = arith.constant 0 : i32
    %dma_wait3A_89 = arith.constant 0 : i32
    %dma_wait3A_90 = tpu.memref_slice %arg8[%dma_wait3A, %dma_wait3A_89] : memref<2x128xi32, #tpu.memory_space<vmem>> -> memref<1x128xi32, #tpu.memory_space<vmem>>
    %dma_wait3A_91 = tpu.memref_squeeze %dma_wait3A_90 : memref<1x128xi32, #tpu.memory_space<vmem>> -> memref<128xi32, #tpu.memory_space<vmem>>
    %dma_wait3A_92 = arith.constant 0 : i32
    %dma_wait3A_93 = arith.constant 0 : i32
    %dma_wait3A_94 = tpu.memref_slice %arg2[%dma_wait3A_92, %dma_wait3A_93] : memref<10000x128xf32, #tpu.memory_space<hbm>> -> memref<10000x128xf32, #tpu.memory_space<hbm>>
    tpu.wait_indirect_dma semaphore(%arg11 : memref<!tpu.dma_semaphore, #tpu.memory_space<semaphore_mem>>) src(%dma_wait3A_94 : memref<10000x128xf32, #tpu.memory_space<hbm>>) dst(%arg10 : memref<128x128xf32, #tpu.memory_space<vmem>>)
    "tpu.region"() ({
      %run_scoped3A = tpu.sem_alloc : memref<!tpu.dma_semaphore, #tpu.memory_space<semaphore_mem>>
      %dma_start3A_117 = arith.constant 0 : i32
      %dma_start3A_118 = tpu.memref_slice %arg7[%arg0, %arg1, %dma_start3A_117] : memref<2x16x6144xf32, #tpu.memory_space<hbm>> -> memref<1x1x6144xf32, #tpu.memory_space<hbm>>
      %dma_start3A_119 = tpu.memref_squeeze %dma_start3A_118 : memref<1x1x6144xf32, #tpu.memory_space<hbm>> -> memref<6144xf32, #tpu.memory_space<hbm>>
      %dma_start3A_120 = arith.constant 0 : i32
      %dma_start3A_121 = tpu.memref_slice %arg7[%arg0, %arg1, %dma_start3A_120] : memref<2x16x6144xf32, #tpu.memory_space<hbm>> -> memref<1x1x6144xf32, #tpu.memory_space<hbm>>
      %dma_start3A_122 = tpu.memref_squeeze %dma_start3A_121 : memref<1x1x6144xf32, #tpu.memory_space<hbm>> -> memref<6144xf32, #tpu.memory_space<hbm>>
      tpu.enqueue_dma source(%arg18 : memref<6144xf32, #tpu.memory_space<vmem>>) target(%dma_start3A_122 : memref<6144xf32, #tpu.memory_space<hbm>>) target_semaphore(%run_scoped3A : memref<!tpu.dma_semaphore, #tpu.memory_space<semaphore_mem>>)
      %dma_wait3A_123 = arith.constant 0 : i32
      %dma_wait3A_124 = tpu.memref_slice %arg7[%arg0, %arg1, %dma_wait3A_123] : memref<2x16x6144xf32, #tpu.memory_space<hbm>> -> memref<1x1x6144xf32, #tpu.memory_space<hbm>>
      %dma_wait3A_125 = tpu.memref_squeeze %dma_wait3A_124 : memref<1x1x6144xf32, #tpu.memory_space<hbm>> -> memref<6144xf32, #tpu.memory_space<hbm>>
      %dma_wait3A_126 = arith.constant 0 : i32
      %dma_wait3A_127 = tpu.memref_slice %arg7[%arg0, %arg1, %dma_wait3A_126] : memref<2x16x6144xf32, #tpu.memory_space<hbm>> -> memref<1x1x6144xf32, #tpu.memory_space<hbm>>
      %dma_wait3A_128 = tpu.memref_squeeze %dma_wait3A_127 : memref<1x1x6144xf32, #tpu.memory_space<hbm>> -> memref<6144xf32, #tpu.memory_space<hbm>>
      tpu.wait_dma2 semaphore(%run_scoped3A : memref<!tpu.dma_semaphore, #tpu.memory_space<semaphore_mem>>) src(%arg18 : memref<6144xf32, #tpu.memory_space<vmem>>) dst(%dma_wait3A_128 : memref<6144xf32, #tpu.memory_space<hbm>>)
      tpu.yield
    }) : () -> ()
    %barrier3A_95 = arith.constant 0 : index
    tpu.barrier barrier_id(%barrier3A_95)
    %add3A_96 = arith.constant 0 : i32
    %add3A_97 = arith.addi %arg1, %add3A_96 : i32
    %lt3A_98 = arith.constant 40 : i32
    %lt3A_99 = arith.cmpi slt, %add3A_97, %lt3A_98 : i32
    %convert_element_type3A_100 = arith.extui %lt3A_99 : i1 to i32
    %cond3A_101 = arith.constant 0 : i32
    %cond3A_102 = arith.cmpi ne, %convert_element_type3A_100, %cond3A_101 : i32
    scf.if %cond3A_102 {
      %mul3A_117 = arith.constant 128 : i32
      %mul3A_118 = arith.muli %add3A_97, %mul3A_117 : i32
      %mul3A_119 = arith.constant 128 : i32
      %mul3A_120 = arith.muli %add3A_97, %mul3A_119 : i32
      %add3A_121 = arith.addi %mul3A_0, %mul3A_120 : i32
      "tpu.region"() ({
        %run_scoped3A = tpu.sem_alloc : memref<!tpu.dma_semaphore, #tpu.memory_space<semaphore_mem>>
        %dma_start3A_122 = arith.constant 0 : i32
        %dma_start3A_123 = tpu.memref_slice %arg6[%add3A_121, %dma_start3A_122] : memref<10240x128xf32, #tpu.memory_space<hbm>> -> memref<128x128xf32, #tpu.memory_space<hbm>>
        %dma_start3A_124 = arith.constant 0 : i32
        %dma_start3A_125 = tpu.memref_slice %arg17[%mul3A_118, %dma_start3A_124] : memref<5248x128xf32, #tpu.memory_space<vmem_shared>> -> memref<128x128xf32, #tpu.memory_space<vmem_shared>>
        tpu.enqueue_dma source(%dma_start3A_125 : memref<128x128xf32, #tpu.memory_space<vmem_shared>>) target(%dma_start3A_123 : memref<128x128xf32, #tpu.memory_space<hbm>>) target_semaphore(%run_scoped3A : memref<!tpu.dma_semaphore, #tpu.memory_space<semaphore_mem>>)
        %dma_wait3A_126 = arith.constant 0 : i32
        %dma_wait3A_127 = tpu.memref_slice %arg6[%add3A_121, %dma_wait3A_126] : memref<10240x128xf32, #tpu.memory_space<hbm>> -> memref<128x128xf32, #tpu.memory_space<hbm>>
        %dma_wait3A_128 = arith.constant 0 : i32
        %dma_wait3A_129 = tpu.memref_slice %arg17[%mul3A_118, %dma_wait3A_128] : memref<5248x128xf32, #tpu.memory_space<vmem_shared>> -> memref<128x128xf32, #tpu.memory_space<vmem_shared>>
        tpu.wait_dma2 semaphore(%run_scoped3A : memref<!tpu.dma_semaphore, #tpu.memory_space<semaphore_mem>>) src(%dma_wait3A_129 : memref<128x128xf32, #tpu.memory_space<vmem_shared>>) dst(%dma_wait3A_127 : memref<128x128xf32, #tpu.memory_space<hbm>>)
        tpu.yield
      }) : () -> ()
    } else {
    }
    %add3A_103 = arith.constant 16 : i32
    %add3A_104 = arith.addi %arg1, %add3A_103 : i32
    %lt3A_105 = arith.constant 40 : i32
    %lt3A_106 = arith.cmpi slt, %add3A_104, %lt3A_105 : i32
    %convert_element_type3A_107 = arith.extui %lt3A_106 : i1 to i32
    %cond3A_108 = arith.constant 0 : i32
    %cond3A_109 = arith.cmpi ne, %convert_element_type3A_107, %cond3A_108 : i32
    scf.if %cond3A_109 {
      %mul3A_117 = arith.constant 128 : i32
      %mul3A_118 = arith.muli %add3A_104, %mul3A_117 : i32
      %mul3A_119 = arith.constant 128 : i32
      %mul3A_120 = arith.muli %add3A_104, %mul3A_119 : i32
      %add3A_121 = arith.addi %mul3A_0, %mul3A_120 : i32
      "tpu.region"() ({
        %run_scoped3A = tpu.sem_alloc : memref<!tpu.dma_semaphore, #tpu.memory_space<semaphore_mem>>
        %dma_start3A_122 = arith.constant 0 : i32
        %dma_start3A_123 = tpu.memref_slice %arg6[%add3A_121, %dma_start3A_122] : memref<10240x128xf32, #tpu.memory_space<hbm>> -> memref<128x128xf32, #tpu.memory_space<hbm>>
        %dma_start3A_124 = arith.constant 0 : i32
        %dma_start3A_125 = tpu.memref_slice %arg17[%mul3A_118, %dma_start3A_124] : memref<5248x128xf32, #tpu.memory_space<vmem_shared>> -> memref<128x128xf32, #tpu.memory_space<vmem_shared>>
        tpu.enqueue_dma source(%dma_start3A_125 : memref<128x128xf32, #tpu.memory_space<vmem_shared>>) target(%dma_start3A_123 : memref<128x128xf32, #tpu.memory_space<hbm>>) target_semaphore(%run_scoped3A : memref<!tpu.dma_semaphore, #tpu.memory_space<semaphore_mem>>)
        %dma_wait3A_126 = arith.constant 0 : i32
        %dma_wait3A_127 = tpu.memref_slice %arg6[%add3A_121, %dma_wait3A_126] : memref<10240x128xf32, #tpu.memory_space<hbm>> -> memref<128x128xf32, #tpu.memory_space<hbm>>
        %dma_wait3A_128 = arith.constant 0 : i32
        %dma_wait3A_129 = tpu.memref_slice %arg17[%mul3A_118, %dma_wait3A_128] : memref<5248x128xf32, #tpu.memory_space<vmem_shared>> -> memref<128x128xf32, #tpu.memory_space<vmem_shared>>
        tpu.wait_dma2 semaphore(%run_scoped3A : memref<!tpu.dma_semaphore, #tpu.memory_space<semaphore_mem>>) src(%dma_wait3A_129 : memref<128x128xf32, #tpu.memory_space<vmem_shared>>) dst(%dma_wait3A_127 : memref<128x128xf32, #tpu.memory_space<hbm>>)
        tpu.yield
      }) : () -> ()
    } else {
    }
    %add3A_110 = arith.constant 32 : i32
    %add3A_111 = arith.addi %arg1, %add3A_110 : i32
    %lt3A_112 = arith.constant 40 : i32
    %lt3A_113 = arith.cmpi slt, %add3A_111, %lt3A_112 : i32
    %convert_element_type3A_114 = arith.extui %lt3A_113 : i1 to i32
    %cond3A_115 = arith.constant 0 : i32
    %cond3A_116 = arith.cmpi ne, %convert_element_type3A_114, %cond3A_115 : i32
    scf.if %cond3A_116 {
      %mul3A_117 = arith.constant 128 : i32
      %mul3A_118 = arith.muli %add3A_111, %mul3A_117 : i32
      %mul3A_119 = arith.constant 128 : i32
      %mul3A_120 = arith.muli %add3A_111, %mul3A_119 : i32
      %add3A_121 = arith.addi %mul3A_0, %mul3A_120 : i32
      "tpu.region"() ({
        %run_scoped3A = tpu.sem_alloc : memref<!tpu.dma_semaphore, #tpu.memory_space<semaphore_mem>>
        %dma_start3A_122 = arith.constant 0 : i32
        %dma_start3A_123 = tpu.memref_slice %arg6[%add3A_121, %dma_start3A_122] : memref<10240x128xf32, #tpu.memory_space<hbm>> -> memref<128x128xf32, #tpu.memory_space<hbm>>
        %dma_start3A_124 = arith.constant 0 : i32
        %dma_start3A_125 = tpu.memref_slice %arg17[%mul3A_118, %dma_start3A_124] : memref<5248x128xf32, #tpu.memory_space<vmem_shared>> -> memref<128x128xf32, #tpu.memory_space<vmem_shared>>
        tpu.enqueue_dma source(%dma_start3A_125 : memref<128x128xf32, #tpu.memory_space<vmem_shared>>) target(%dma_start3A_123 : memref<128x128xf32, #tpu.memory_space<hbm>>) target_semaphore(%run_scoped3A : memref<!tpu.dma_semaphore, #tpu.memory_space<semaphore_mem>>)
        %dma_wait3A_126 = arith.constant 0 : i32
        %dma_wait3A_127 = tpu.memref_slice %arg6[%add3A_121, %dma_wait3A_126] : memref<10240x128xf32, #tpu.memory_space<hbm>> -> memref<128x128xf32, #tpu.memory_space<hbm>>
        %dma_wait3A_128 = arith.constant 0 : i32
        %dma_wait3A_129 = tpu.memref_slice %arg17[%mul3A_118, %dma_wait3A_128] : memref<5248x128xf32, #tpu.memory_space<vmem_shared>> -> memref<128x128xf32, #tpu.memory_space<vmem_shared>>
        tpu.wait_dma2 semaphore(%run_scoped3A : memref<!tpu.dma_semaphore, #tpu.memory_space<semaphore_mem>>) src(%dma_wait3A_129 : memref<128x128xf32, #tpu.memory_space<vmem_shared>>) dst(%dma_wait3A_127 : memref<128x128xf32, #tpu.memory_space<hbm>>)
        tpu.yield
      }) : () -> ()
    } else {
    }
    return
  }
}

#map = affine_map<(d0, d1) -> (0, 0)>
#map1 = affine_map<(d0, d1) -> (0)>
module attributes {stable_mosaic.version = 14 : i64} {
  func.func @sc_kernel(%arg0: i32, %arg1: i32, %arg2: memref<10000x128xf32, #tpu.memory_space<hbm>>, %arg3: memref<2x323712xi32, #tpu.memory_space<hbm>>, %arg4: memref<32x128xf32, #tpu.memory_space<hbm>>, %arg5: memref<6144xf32, #tpu.memory_space<hbm>>, %arg6: memref<10240x128xf32, #tpu.memory_space<hbm>>, %arg7: memref<2x128xi32, #tpu.memory_space<vmem>>, %arg8: memref<128xi32, #tpu.memory_space<vmem>>, %arg9: memref<128x128xf32, #tpu.memory_space<vmem>>, %arg10: memref<!tpu.dma_semaphore, #tpu.memory_space<semaphore_mem>>, %arg11: memref<2x128xi32, #tpu.memory_space<vmem>>, %arg12: memref<128xi32, #tpu.memory_space<vmem>>, %arg13: memref<128x128xf32, #tpu.memory_space<vmem>>, %arg14: memref<!tpu.dma_semaphore, #tpu.memory_space<semaphore_mem>>, %arg15: memref<32x128xf32, #tpu.memory_space<vmem>>, %arg16: memref<5248x128xf32, #tpu.memory_space<vmem_shared>>) attributes {dimension_semantics = [#tpu.dimension_semantics<core_parallel>, #tpu.dimension_semantics<subcore_parallel>], iteration_bounds = array<i64: 2, 16>, scalar_prefetch = 0 : i64, scratch_operands = 10 : i64, tpu.core_type = #tpu.core_type<sc_vector_subcore>, window_params = [{transform_indices = #map}, {transform_indices = #map}, {transform_indices = #map}, {transform_indices = #map1}, {transform_indices = #map}]} {
    %mul3A = arith.constant 5120 : i32
    %mul3A_0 = arith.muli %arg0, %mul3A : i32
    %mul3A_1 = arith.constant 384 : i32
    %mul3A_2 = arith.muli %arg1, %mul3A_1 : i32
    "tpu.region"() ({
      %run_scoped3A = tpu.sem_alloc : memref<!tpu.dma_semaphore, #tpu.memory_space<semaphore_mem>>
      tpu.enqueue_dma source(%arg4 : memref<32x128xf32, #tpu.memory_space<hbm>>) target(%arg15 : memref<32x128xf32, #tpu.memory_space<vmem>>) target_semaphore(%run_scoped3A : memref<!tpu.dma_semaphore, #tpu.memory_space<semaphore_mem>>)
      tpu.wait_dma2 semaphore(%run_scoped3A : memref<!tpu.dma_semaphore, #tpu.memory_space<semaphore_mem>>) src(%arg4 : memref<32x128xf32, #tpu.memory_space<hbm>>) dst(%arg15 : memref<32x128xf32, #tpu.memory_space<vmem>>)
      tpu.yield
    }) : () -> ()
    %add3A = arith.constant 0 : i32
    %add3A_3 = arith.addi %arg1, %add3A : i32
    %lt3A = arith.constant 164 : i32
    %lt3A_4 = arith.cmpi slt, %add3A_3, %lt3A : i32
    %convert_element_type3A = arith.extui %lt3A_4 : i1 to i32
    %cond3A = arith.constant 0 : i32
    %cond3A_5 = arith.cmpi ne, %convert_element_type3A, %cond3A : i32
    scf.if %cond3A_5 {
      %mul3A_117 = arith.constant 32 : i32
      %mul3A_118 = arith.muli %add3A_3, %mul3A_117 : i32
      "tpu.region"() ({
        %run_scoped3A = tpu.sem_alloc : memref<!tpu.dma_semaphore, #tpu.memory_space<semaphore_mem>>
        %dma_start3A_119 = arith.constant 0 : i32
        %dma_start3A_120 = tpu.memref_slice %arg16[%mul3A_118, %dma_start3A_119] : memref<5248x128xf32, #tpu.memory_space<vmem_shared>> -> memref<32x128xf32, #tpu.memory_space<vmem_shared>>
        %dma_start3A_121 = arith.constant 0 : i32
        %dma_start3A_122 = tpu.memref_slice %arg16[%mul3A_118, %dma_start3A_121] : memref<5248x128xf32, #tpu.memory_space<vmem_shared>> -> memref<32x128xf32, #tpu.memory_space<vmem_shared>>
        tpu.enqueue_dma source(%arg15 : memref<32x128xf32, #tpu.memory_space<vmem>>) target(%dma_start3A_122 : memref<32x128xf32, #tpu.memory_space<vmem_shared>>) target_semaphore(%run_scoped3A : memref<!tpu.dma_semaphore, #tpu.memory_space<semaphore_mem>>)
        %dma_wait3A_123 = arith.constant 0 : i32
        %dma_wait3A_124 = tpu.memref_slice %arg16[%mul3A_118, %dma_wait3A_123] : memref<5248x128xf32, #tpu.memory_space<vmem_shared>> -> memref<32x128xf32, #tpu.memory_space<vmem_shared>>
        %dma_wait3A_125 = arith.constant 0 : i32
        %dma_wait3A_126 = tpu.memref_slice %arg16[%mul3A_118, %dma_wait3A_125] : memref<5248x128xf32, #tpu.memory_space<vmem_shared>> -> memref<32x128xf32, #tpu.memory_space<vmem_shared>>
        tpu.wait_dma2 semaphore(%run_scoped3A : memref<!tpu.dma_semaphore, #tpu.memory_space<semaphore_mem>>) src(%arg15 : memref<32x128xf32, #tpu.memory_space<vmem>>) dst(%dma_wait3A_126 : memref<32x128xf32, #tpu.memory_space<vmem_shared>>)
        tpu.yield
      }) : () -> ()
    } else {
    }
    %add3A_6 = arith.constant 16 : i32
    %add3A_7 = arith.addi %arg1, %add3A_6 : i32
    %lt3A_8 = arith.constant 164 : i32
    %lt3A_9 = arith.cmpi slt, %add3A_7, %lt3A_8 : i32
    %convert_element_type3A_10 = arith.extui %lt3A_9 : i1 to i32
    %cond3A_11 = arith.constant 0 : i32
    %cond3A_12 = arith.cmpi ne, %convert_element_type3A_10, %cond3A_11 : i32
    scf.if %cond3A_12 {
      %mul3A_117 = arith.constant 32 : i32
      %mul3A_118 = arith.muli %add3A_7, %mul3A_117 : i32
      "tpu.region"() ({
        %run_scoped3A = tpu.sem_alloc : memref<!tpu.dma_semaphore, #tpu.memory_space<semaphore_mem>>
        %dma_start3A_119 = arith.constant 0 : i32
        %dma_start3A_120 = tpu.memref_slice %arg16[%mul3A_118, %dma_start3A_119] : memref<5248x128xf32, #tpu.memory_space<vmem_shared>> -> memref<32x128xf32, #tpu.memory_space<vmem_shared>>
        %dma_start3A_121 = arith.constant 0 : i32
        %dma_start3A_122 = tpu.memref_slice %arg16[%mul3A_118, %dma_start3A_121] : memref<5248x128xf32, #tpu.memory_space<vmem_shared>> -> memref<32x128xf32, #tpu.memory_space<vmem_shared>>
        tpu.enqueue_dma source(%arg15 : memref<32x128xf32, #tpu.memory_space<vmem>>) target(%dma_start3A_122 : memref<32x128xf32, #tpu.memory_space<vmem_shared>>) target_semaphore(%run_scoped3A : memref<!tpu.dma_semaphore, #tpu.memory_space<semaphore_mem>>)
        %dma_wait3A_123 = arith.constant 0 : i32
        %dma_wait3A_124 = tpu.memref_slice %arg16[%mul3A_118, %dma_wait3A_123] : memref<5248x128xf32, #tpu.memory_space<vmem_shared>> -> memref<32x128xf32, #tpu.memory_space<vmem_shared>>
        %dma_wait3A_125 = arith.constant 0 : i32
        %dma_wait3A_126 = tpu.memref_slice %arg16[%mul3A_118, %dma_wait3A_125] : memref<5248x128xf32, #tpu.memory_space<vmem_shared>> -> memref<32x128xf32, #tpu.memory_space<vmem_shared>>
        tpu.wait_dma2 semaphore(%run_scoped3A : memref<!tpu.dma_semaphore, #tpu.memory_space<semaphore_mem>>) src(%arg15 : memref<32x128xf32, #tpu.memory_space<vmem>>) dst(%dma_wait3A_126 : memref<32x128xf32, #tpu.memory_space<vmem_shared>>)
        tpu.yield
      }) : () -> ()
    } else {
    }
    %add3A_13 = arith.constant 32 : i32
    %add3A_14 = arith.addi %arg1, %add3A_13 : i32
    %lt3A_15 = arith.constant 164 : i32
    %lt3A_16 = arith.cmpi slt, %add3A_14, %lt3A_15 : i32
    %convert_element_type3A_17 = arith.extui %lt3A_16 : i1 to i32
    %cond3A_18 = arith.constant 0 : i32
    %cond3A_19 = arith.cmpi ne, %convert_element_type3A_17, %cond3A_18 : i32
    scf.if %cond3A_19 {
      %mul3A_117 = arith.constant 32 : i32
      %mul3A_118 = arith.muli %add3A_14, %mul3A_117 : i32
      "tpu.region"() ({
        %run_scoped3A = tpu.sem_alloc : memref<!tpu.dma_semaphore, #tpu.memory_space<semaphore_mem>>
        %dma_start3A_119 = arith.constant 0 : i32
        %dma_start3A_120 = tpu.memref_slice %arg16[%mul3A_118, %dma_start3A_119] : memref<5248x128xf32, #tpu.memory_space<vmem_shared>> -> memref<32x128xf32, #tpu.memory_space<vmem_shared>>
        %dma_start3A_121 = arith.constant 0 : i32
        %dma_start3A_122 = tpu.memref_slice %arg16[%mul3A_118, %dma_start3A_121] : memref<5248x128xf32, #tpu.memory_space<vmem_shared>> -> memref<32x128xf32, #tpu.memory_space<vmem_shared>>
        tpu.enqueue_dma source(%arg15 : memref<32x128xf32, #tpu.memory_space<vmem>>) target(%dma_start3A_122 : memref<32x128xf32, #tpu.memory_space<vmem_shared>>) target_semaphore(%run_scoped3A : memref<!tpu.dma_semaphore, #tpu.memory_space<semaphore_mem>>)
        %dma_wait3A_123 = arith.constant 0 : i32
        %dma_wait3A_124 = tpu.memref_slice %arg16[%mul3A_118, %dma_wait3A_123] : memref<5248x128xf32, #tpu.memory_space<vmem_shared>> -> memref<32x128xf32, #tpu.memory_space<vmem_shared>>
        %dma_wait3A_125 = arith.constant 0 : i32
        %dma_wait3A_126 = tpu.memref_slice %arg16[%mul3A_118, %dma_wait3A_125] : memref<5248x128xf32, #tpu.memory_space<vmem_shared>> -> memref<32x128xf32, #tpu.memory_space<vmem_shared>>
        tpu.wait_dma2 semaphore(%run_scoped3A : memref<!tpu.dma_semaphore, #tpu.memory_space<semaphore_mem>>) src(%arg15 : memref<32x128xf32, #tpu.memory_space<vmem>>) dst(%dma_wait3A_126 : memref<32x128xf32, #tpu.memory_space<vmem_shared>>)
        tpu.yield
      }) : () -> ()
    } else {
    }
    %add3A_20 = arith.constant 48 : i32
    %add3A_21 = arith.addi %arg1, %add3A_20 : i32
    %lt3A_22 = arith.constant 164 : i32
    %lt3A_23 = arith.cmpi slt, %add3A_21, %lt3A_22 : i32
    %convert_element_type3A_24 = arith.extui %lt3A_23 : i1 to i32
    %cond3A_25 = arith.constant 0 : i32
    %cond3A_26 = arith.cmpi ne, %convert_element_type3A_24, %cond3A_25 : i32
    scf.if %cond3A_26 {
      %mul3A_117 = arith.constant 32 : i32
      %mul3A_118 = arith.muli %add3A_21, %mul3A_117 : i32
      "tpu.region"() ({
        %run_scoped3A = tpu.sem_alloc : memref<!tpu.dma_semaphore, #tpu.memory_space<semaphore_mem>>
        %dma_start3A_119 = arith.constant 0 : i32
        %dma_start3A_120 = tpu.memref_slice %arg16[%mul3A_118, %dma_start3A_119] : memref<5248x128xf32, #tpu.memory_space<vmem_shared>> -> memref<32x128xf32, #tpu.memory_space<vmem_shared>>
        %dma_start3A_121 = arith.constant 0 : i32
        %dma_start3A_122 = tpu.memref_slice %arg16[%mul3A_118, %dma_start3A_121] : memref<5248x128xf32, #tpu.memory_space<vmem_shared>> -> memref<32x128xf32, #tpu.memory_space<vmem_shared>>
        tpu.enqueue_dma source(%arg15 : memref<32x128xf32, #tpu.memory_space<vmem>>) target(%dma_start3A_122 : memref<32x128xf32, #tpu.memory_space<vmem_shared>>) target_semaphore(%run_scoped3A : memref<!tpu.dma_semaphore, #tpu.memory_space<semaphore_mem>>)
        %dma_wait3A_123 = arith.constant 0 : i32
        %dma_wait3A_124 = tpu.memref_slice %arg16[%mul3A_118, %dma_wait3A_123] : memref<5248x128xf32, #tpu.memory_space<vmem_shared>> -> memref<32x128xf32, #tpu.memory_space<vmem_shared>>
        %dma_wait3A_125 = arith.constant 0 : i32
        %dma_wait3A_126 = tpu.memref_slice %arg16[%mul3A_118, %dma_wait3A_125] : memref<5248x128xf32, #tpu.memory_space<vmem_shared>> -> memref<32x128xf32, #tpu.memory_space<vmem_shared>>
        tpu.wait_dma2 semaphore(%run_scoped3A : memref<!tpu.dma_semaphore, #tpu.memory_space<semaphore_mem>>) src(%arg15 : memref<32x128xf32, #tpu.memory_space<vmem>>) dst(%dma_wait3A_126 : memref<32x128xf32, #tpu.memory_space<vmem_shared>>)
        tpu.yield
      }) : () -> ()
    } else {
    }
    %add3A_27 = arith.constant 64 : i32
    %add3A_28 = arith.addi %arg1, %add3A_27 : i32
    %lt3A_29 = arith.constant 164 : i32
    %lt3A_30 = arith.cmpi slt, %add3A_28, %lt3A_29 : i32
    %convert_element_type3A_31 = arith.extui %lt3A_30 : i1 to i32
    %cond3A_32 = arith.constant 0 : i32
    %cond3A_33 = arith.cmpi ne, %convert_element_type3A_31, %cond3A_32 : i32
    scf.if %cond3A_33 {
      %mul3A_117 = arith.constant 32 : i32
      %mul3A_118 = arith.muli %add3A_28, %mul3A_117 : i32
      "tpu.region"() ({
        %run_scoped3A = tpu.sem_alloc : memref<!tpu.dma_semaphore, #tpu.memory_space<semaphore_mem>>
        %dma_start3A_119 = arith.constant 0 : i32
        %dma_start3A_120 = tpu.memref_slice %arg16[%mul3A_118, %dma_start3A_119] : memref<5248x128xf32, #tpu.memory_space<vmem_shared>> -> memref<32x128xf32, #tpu.memory_space<vmem_shared>>
        %dma_start3A_121 = arith.constant 0 : i32
        %dma_start3A_122 = tpu.memref_slice %arg16[%mul3A_118, %dma_start3A_121] : memref<5248x128xf32, #tpu.memory_space<vmem_shared>> -> memref<32x128xf32, #tpu.memory_space<vmem_shared>>
        tpu.enqueue_dma source(%arg15 : memref<32x128xf32, #tpu.memory_space<vmem>>) target(%dma_start3A_122 : memref<32x128xf32, #tpu.memory_space<vmem_shared>>) target_semaphore(%run_scoped3A : memref<!tpu.dma_semaphore, #tpu.memory_space<semaphore_mem>>)
        %dma_wait3A_123 = arith.constant 0 : i32
        %dma_wait3A_124 = tpu.memref_slice %arg16[%mul3A_118, %dma_wait3A_123] : memref<5248x128xf32, #tpu.memory_space<vmem_shared>> -> memref<32x128xf32, #tpu.memory_space<vmem_shared>>
        %dma_wait3A_125 = arith.constant 0 : i32
        %dma_wait3A_126 = tpu.memref_slice %arg16[%mul3A_118, %dma_wait3A_125] : memref<5248x128xf32, #tpu.memory_space<vmem_shared>> -> memref<32x128xf32, #tpu.memory_space<vmem_shared>>
        tpu.wait_dma2 semaphore(%run_scoped3A : memref<!tpu.dma_semaphore, #tpu.memory_space<semaphore_mem>>) src(%arg15 : memref<32x128xf32, #tpu.memory_space<vmem>>) dst(%dma_wait3A_126 : memref<32x128xf32, #tpu.memory_space<vmem_shared>>)
        tpu.yield
      }) : () -> ()
    } else {
    }
    %add3A_34 = arith.constant 80 : i32
    %add3A_35 = arith.addi %arg1, %add3A_34 : i32
    %lt3A_36 = arith.constant 164 : i32
    %lt3A_37 = arith.cmpi slt, %add3A_35, %lt3A_36 : i32
    %convert_element_type3A_38 = arith.extui %lt3A_37 : i1 to i32
    %cond3A_39 = arith.constant 0 : i32
    %cond3A_40 = arith.cmpi ne, %convert_element_type3A_38, %cond3A_39 : i32
    scf.if %cond3A_40 {
      %mul3A_117 = arith.constant 32 : i32
      %mul3A_118 = arith.muli %add3A_35, %mul3A_117 : i32
      "tpu.region"() ({
        %run_scoped3A = tpu.sem_alloc : memref<!tpu.dma_semaphore, #tpu.memory_space<semaphore_mem>>
        %dma_start3A_119 = arith.constant 0 : i32
        %dma_start3A_120 = tpu.memref_slice %arg16[%mul3A_118, %dma_start3A_119] : memref<5248x128xf32, #tpu.memory_space<vmem_shared>> -> memref<32x128xf32, #tpu.memory_space<vmem_shared>>
        %dma_start3A_121 = arith.constant 0 : i32
        %dma_start3A_122 = tpu.memref_slice %arg16[%mul3A_118, %dma_start3A_121] : memref<5248x128xf32, #tpu.memory_space<vmem_shared>> -> memref<32x128xf32, #tpu.memory_space<vmem_shared>>
        tpu.enqueue_dma source(%arg15 : memref<32x128xf32, #tpu.memory_space<vmem>>) target(%dma_start3A_122 : memref<32x128xf32, #tpu.memory_space<vmem_shared>>) target_semaphore(%run_scoped3A : memref<!tpu.dma_semaphore, #tpu.memory_space<semaphore_mem>>)
        %dma_wait3A_123 = arith.constant 0 : i32
        %dma_wait3A_124 = tpu.memref_slice %arg16[%mul3A_118, %dma_wait3A_123] : memref<5248x128xf32, #tpu.memory_space<vmem_shared>> -> memref<32x128xf32, #tpu.memory_space<vmem_shared>>
        %dma_wait3A_125 = arith.constant 0 : i32
        %dma_wait3A_126 = tpu.memref_slice %arg16[%mul3A_118, %dma_wait3A_125] : memref<5248x128xf32, #tpu.memory_space<vmem_shared>> -> memref<32x128xf32, #tpu.memory_space<vmem_shared>>
        tpu.wait_dma2 semaphore(%run_scoped3A : memref<!tpu.dma_semaphore, #tpu.memory_space<semaphore_mem>>) src(%arg15 : memref<32x128xf32, #tpu.memory_space<vmem>>) dst(%dma_wait3A_126 : memref<32x128xf32, #tpu.memory_space<vmem_shared>>)
        tpu.yield
      }) : () -> ()
    } else {
    }
    %add3A_41 = arith.constant 96 : i32
    %add3A_42 = arith.addi %arg1, %add3A_41 : i32
    %lt3A_43 = arith.constant 164 : i32
    %lt3A_44 = arith.cmpi slt, %add3A_42, %lt3A_43 : i32
    %convert_element_type3A_45 = arith.extui %lt3A_44 : i1 to i32
    %cond3A_46 = arith.constant 0 : i32
    %cond3A_47 = arith.cmpi ne, %convert_element_type3A_45, %cond3A_46 : i32
    scf.if %cond3A_47 {
      %mul3A_117 = arith.constant 32 : i32
      %mul3A_118 = arith.muli %add3A_42, %mul3A_117 : i32
      "tpu.region"() ({
        %run_scoped3A = tpu.sem_alloc : memref<!tpu.dma_semaphore, #tpu.memory_space<semaphore_mem>>
        %dma_start3A_119 = arith.constant 0 : i32
        %dma_start3A_120 = tpu.memref_slice %arg16[%mul3A_118, %dma_start3A_119] : memref<5248x128xf32, #tpu.memory_space<vmem_shared>> -> memref<32x128xf32, #tpu.memory_space<vmem_shared>>
        %dma_start3A_121 = arith.constant 0 : i32
        %dma_start3A_122 = tpu.memref_slice %arg16[%mul3A_118, %dma_start3A_121] : memref<5248x128xf32, #tpu.memory_space<vmem_shared>> -> memref<32x128xf32, #tpu.memory_space<vmem_shared>>
        tpu.enqueue_dma source(%arg15 : memref<32x128xf32, #tpu.memory_space<vmem>>) target(%dma_start3A_122 : memref<32x128xf32, #tpu.memory_space<vmem_shared>>) target_semaphore(%run_scoped3A : memref<!tpu.dma_semaphore, #tpu.memory_space<semaphore_mem>>)
        %dma_wait3A_123 = arith.constant 0 : i32
        %dma_wait3A_124 = tpu.memref_slice %arg16[%mul3A_118, %dma_wait3A_123] : memref<5248x128xf32, #tpu.memory_space<vmem_shared>> -> memref<32x128xf32, #tpu.memory_space<vmem_shared>>
        %dma_wait3A_125 = arith.constant 0 : i32
        %dma_wait3A_126 = tpu.memref_slice %arg16[%mul3A_118, %dma_wait3A_125] : memref<5248x128xf32, #tpu.memory_space<vmem_shared>> -> memref<32x128xf32, #tpu.memory_space<vmem_shared>>
        tpu.wait_dma2 semaphore(%run_scoped3A : memref<!tpu.dma_semaphore, #tpu.memory_space<semaphore_mem>>) src(%arg15 : memref<32x128xf32, #tpu.memory_space<vmem>>) dst(%dma_wait3A_126 : memref<32x128xf32, #tpu.memory_space<vmem_shared>>)
        tpu.yield
      }) : () -> ()
    } else {
    }
    %add3A_48 = arith.constant 112 : i32
    %add3A_49 = arith.addi %arg1, %add3A_48 : i32
    %lt3A_50 = arith.constant 164 : i32
    %lt3A_51 = arith.cmpi slt, %add3A_49, %lt3A_50 : i32
    %convert_element_type3A_52 = arith.extui %lt3A_51 : i1 to i32
    %cond3A_53 = arith.constant 0 : i32
    %cond3A_54 = arith.cmpi ne, %convert_element_type3A_52, %cond3A_53 : i32
    scf.if %cond3A_54 {
      %mul3A_117 = arith.constant 32 : i32
      %mul3A_118 = arith.muli %add3A_49, %mul3A_117 : i32
      "tpu.region"() ({
        %run_scoped3A = tpu.sem_alloc : memref<!tpu.dma_semaphore, #tpu.memory_space<semaphore_mem>>
        %dma_start3A_119 = arith.constant 0 : i32
        %dma_start3A_120 = tpu.memref_slice %arg16[%mul3A_118, %dma_start3A_119] : memref<5248x128xf32, #tpu.memory_space<vmem_shared>> -> memref<32x128xf32, #tpu.memory_space<vmem_shared>>
        %dma_start3A_121 = arith.constant 0 : i32
        %dma_start3A_122 = tpu.memref_slice %arg16[%mul3A_118, %dma_start3A_121] : memref<5248x128xf32, #tpu.memory_space<vmem_shared>> -> memref<32x128xf32, #tpu.memory_space<vmem_shared>>
        tpu.enqueue_dma source(%arg15 : memref<32x128xf32, #tpu.memory_space<vmem>>) target(%dma_start3A_122 : memref<32x128xf32, #tpu.memory_space<vmem_shared>>) target_semaphore(%run_scoped3A : memref<!tpu.dma_semaphore, #tpu.memory_space<semaphore_mem>>)
        %dma_wait3A_123 = arith.constant 0 : i32
        %dma_wait3A_124 = tpu.memref_slice %arg16[%mul3A_118, %dma_wait3A_123] : memref<5248x128xf32, #tpu.memory_space<vmem_shared>> -> memref<32x128xf32, #tpu.memory_space<vmem_shared>>
        %dma_wait3A_125 = arith.constant 0 : i32
        %dma_wait3A_126 = tpu.memref_slice %arg16[%mul3A_118, %dma_wait3A_125] : memref<5248x128xf32, #tpu.memory_space<vmem_shared>> -> memref<32x128xf32, #tpu.memory_space<vmem_shared>>
        tpu.wait_dma2 semaphore(%run_scoped3A : memref<!tpu.dma_semaphore, #tpu.memory_space<semaphore_mem>>) src(%arg15 : memref<32x128xf32, #tpu.memory_space<vmem>>) dst(%dma_wait3A_126 : memref<32x128xf32, #tpu.memory_space<vmem_shared>>)
        tpu.yield
      }) : () -> ()
    } else {
    }
    %add3A_55 = arith.constant 128 : i32
    %add3A_56 = arith.addi %arg1, %add3A_55 : i32
    %lt3A_57 = arith.constant 164 : i32
    %lt3A_58 = arith.cmpi slt, %add3A_56, %lt3A_57 : i32
    %convert_element_type3A_59 = arith.extui %lt3A_58 : i1 to i32
    %cond3A_60 = arith.constant 0 : i32
    %cond3A_61 = arith.cmpi ne, %convert_element_type3A_59, %cond3A_60 : i32
    scf.if %cond3A_61 {
      %mul3A_117 = arith.constant 32 : i32
      %mul3A_118 = arith.muli %add3A_56, %mul3A_117 : i32
      "tpu.region"() ({
        %run_scoped3A = tpu.sem_alloc : memref<!tpu.dma_semaphore, #tpu.memory_space<semaphore_mem>>
        %dma_start3A_119 = arith.constant 0 : i32
        %dma_start3A_120 = tpu.memref_slice %arg16[%mul3A_118, %dma_start3A_119] : memref<5248x128xf32, #tpu.memory_space<vmem_shared>> -> memref<32x128xf32, #tpu.memory_space<vmem_shared>>
        %dma_start3A_121 = arith.constant 0 : i32
        %dma_start3A_122 = tpu.memref_slice %arg16[%mul3A_118, %dma_start3A_121] : memref<5248x128xf32, #tpu.memory_space<vmem_shared>> -> memref<32x128xf32, #tpu.memory_space<vmem_shared>>
        tpu.enqueue_dma source(%arg15 : memref<32x128xf32, #tpu.memory_space<vmem>>) target(%dma_start3A_122 : memref<32x128xf32, #tpu.memory_space<vmem_shared>>) target_semaphore(%run_scoped3A : memref<!tpu.dma_semaphore, #tpu.memory_space<semaphore_mem>>)
        %dma_wait3A_123 = arith.constant 0 : i32
        %dma_wait3A_124 = tpu.memref_slice %arg16[%mul3A_118, %dma_wait3A_123] : memref<5248x128xf32, #tpu.memory_space<vmem_shared>> -> memref<32x128xf32, #tpu.memory_space<vmem_shared>>
        %dma_wait3A_125 = arith.constant 0 : i32
        %dma_wait3A_126 = tpu.memref_slice %arg16[%mul3A_118, %dma_wait3A_125] : memref<5248x128xf32, #tpu.memory_space<vmem_shared>> -> memref<32x128xf32, #tpu.memory_space<vmem_shared>>
        tpu.wait_dma2 semaphore(%run_scoped3A : memref<!tpu.dma_semaphore, #tpu.memory_space<semaphore_mem>>) src(%arg15 : memref<32x128xf32, #tpu.memory_space<vmem>>) dst(%dma_wait3A_126 : memref<32x128xf32, #tpu.memory_space<vmem_shared>>)
        tpu.yield
      }) : () -> ()
    } else {
    }
    %add3A_62 = arith.constant 144 : i32
    %add3A_63 = arith.addi %arg1, %add3A_62 : i32
    %lt3A_64 = arith.constant 164 : i32
    %lt3A_65 = arith.cmpi slt, %add3A_63, %lt3A_64 : i32
    %convert_element_type3A_66 = arith.extui %lt3A_65 : i1 to i32
    %cond3A_67 = arith.constant 0 : i32
    %cond3A_68 = arith.cmpi ne, %convert_element_type3A_66, %cond3A_67 : i32
    scf.if %cond3A_68 {
      %mul3A_117 = arith.constant 32 : i32
      %mul3A_118 = arith.muli %add3A_63, %mul3A_117 : i32
      "tpu.region"() ({
        %run_scoped3A = tpu.sem_alloc : memref<!tpu.dma_semaphore, #tpu.memory_space<semaphore_mem>>
        %dma_start3A_119 = arith.constant 0 : i32
        %dma_start3A_120 = tpu.memref_slice %arg16[%mul3A_118, %dma_start3A_119] : memref<5248x128xf32, #tpu.memory_space<vmem_shared>> -> memref<32x128xf32, #tpu.memory_space<vmem_shared>>
        %dma_start3A_121 = arith.constant 0 : i32
        %dma_start3A_122 = tpu.memref_slice %arg16[%mul3A_118, %dma_start3A_121] : memref<5248x128xf32, #tpu.memory_space<vmem_shared>> -> memref<32x128xf32, #tpu.memory_space<vmem_shared>>
        tpu.enqueue_dma source(%arg15 : memref<32x128xf32, #tpu.memory_space<vmem>>) target(%dma_start3A_122 : memref<32x128xf32, #tpu.memory_space<vmem_shared>>) target_semaphore(%run_scoped3A : memref<!tpu.dma_semaphore, #tpu.memory_space<semaphore_mem>>)
        %dma_wait3A_123 = arith.constant 0 : i32
        %dma_wait3A_124 = tpu.memref_slice %arg16[%mul3A_118, %dma_wait3A_123] : memref<5248x128xf32, #tpu.memory_space<vmem_shared>> -> memref<32x128xf32, #tpu.memory_space<vmem_shared>>
        %dma_wait3A_125 = arith.constant 0 : i32
        %dma_wait3A_126 = tpu.memref_slice %arg16[%mul3A_118, %dma_wait3A_125] : memref<5248x128xf32, #tpu.memory_space<vmem_shared>> -> memref<32x128xf32, #tpu.memory_space<vmem_shared>>
        tpu.wait_dma2 semaphore(%run_scoped3A : memref<!tpu.dma_semaphore, #tpu.memory_space<semaphore_mem>>) src(%arg15 : memref<32x128xf32, #tpu.memory_space<vmem>>) dst(%dma_wait3A_126 : memref<32x128xf32, #tpu.memory_space<vmem_shared>>)
        tpu.yield
      }) : () -> ()
    } else {
    }
    %add3A_69 = arith.constant 160 : i32
    %add3A_70 = arith.addi %arg1, %add3A_69 : i32
    %lt3A_71 = arith.constant 164 : i32
    %lt3A_72 = arith.cmpi slt, %add3A_70, %lt3A_71 : i32
    %convert_element_type3A_73 = arith.extui %lt3A_72 : i1 to i32
    %cond3A_74 = arith.constant 0 : i32
    %cond3A_75 = arith.cmpi ne, %convert_element_type3A_73, %cond3A_74 : i32
    scf.if %cond3A_75 {
      %mul3A_117 = arith.constant 32 : i32
      %mul3A_118 = arith.muli %add3A_70, %mul3A_117 : i32
      "tpu.region"() ({
        %run_scoped3A = tpu.sem_alloc : memref<!tpu.dma_semaphore, #tpu.memory_space<semaphore_mem>>
        %dma_start3A_119 = arith.constant 0 : i32
        %dma_start3A_120 = tpu.memref_slice %arg16[%mul3A_118, %dma_start3A_119] : memref<5248x128xf32, #tpu.memory_space<vmem_shared>> -> memref<32x128xf32, #tpu.memory_space<vmem_shared>>
        %dma_start3A_121 = arith.constant 0 : i32
        %dma_start3A_122 = tpu.memref_slice %arg16[%mul3A_118, %dma_start3A_121] : memref<5248x128xf32, #tpu.memory_space<vmem_shared>> -> memref<32x128xf32, #tpu.memory_space<vmem_shared>>
        tpu.enqueue_dma source(%arg15 : memref<32x128xf32, #tpu.memory_space<vmem>>) target(%dma_start3A_122 : memref<32x128xf32, #tpu.memory_space<vmem_shared>>) target_semaphore(%run_scoped3A : memref<!tpu.dma_semaphore, #tpu.memory_space<semaphore_mem>>)
        %dma_wait3A_123 = arith.constant 0 : i32
        %dma_wait3A_124 = tpu.memref_slice %arg16[%mul3A_118, %dma_wait3A_123] : memref<5248x128xf32, #tpu.memory_space<vmem_shared>> -> memref<32x128xf32, #tpu.memory_space<vmem_shared>>
        %dma_wait3A_125 = arith.constant 0 : i32
        %dma_wait3A_126 = tpu.memref_slice %arg16[%mul3A_118, %dma_wait3A_125] : memref<5248x128xf32, #tpu.memory_space<vmem_shared>> -> memref<32x128xf32, #tpu.memory_space<vmem_shared>>
        tpu.wait_dma2 semaphore(%run_scoped3A : memref<!tpu.dma_semaphore, #tpu.memory_space<semaphore_mem>>) src(%arg15 : memref<32x128xf32, #tpu.memory_space<vmem>>) dst(%dma_wait3A_126 : memref<32x128xf32, #tpu.memory_space<vmem_shared>>)
        tpu.yield
      }) : () -> ()
    } else {
    }
    %barrier3A = arith.constant 0 : index
    tpu.barrier barrier_id(%barrier3A)
    %mul3A_76 = arith.constant 20224 : i32
    %mul3A_77 = arith.muli %arg1, %mul3A_76 : i32
    %iota3A = tpu.iota {dimensions = array<i32: 0>} : vector<16xi32>
    "tpu.region"() ({
      %run_scoped3A = tpu.sem_alloc : memref<!tpu.dma_semaphore, #tpu.memory_space<semaphore_mem>>
      %dma_start3A_117 = arith.constant 0 : i32
      %dma_start3A_118 = tpu.memref_slice %arg3[%dma_start3A_117, %mul3A_77] : memref<2x323712xi32, #tpu.memory_space<hbm>> -> memref<2x128xi32, #tpu.memory_space<hbm>>
      %dma_start3A_119 = arith.constant 0 : i32
      %dma_start3A_120 = tpu.memref_slice %arg3[%dma_start3A_119, %mul3A_77] : memref<2x323712xi32, #tpu.memory_space<hbm>> -> memref<2x128xi32, #tpu.memory_space<hbm>>
      tpu.enqueue_dma source(%dma_start3A_120 : memref<2x128xi32, #tpu.memory_space<hbm>>) target(%arg7 : memref<2x128xi32, #tpu.memory_space<vmem>>) target_semaphore(%run_scoped3A : memref<!tpu.dma_semaphore, #tpu.memory_space<semaphore_mem>>)
      %dma_wait3A_121 = arith.constant 0 : i32
      %dma_wait3A_122 = tpu.memref_slice %arg3[%dma_wait3A_121, %mul3A_77] : memref<2x323712xi32, #tpu.memory_space<hbm>> -> memref<2x128xi32, #tpu.memory_space<hbm>>
      %dma_wait3A_123 = arith.constant 0 : i32
      %dma_wait3A_124 = tpu.memref_slice %arg3[%dma_wait3A_123, %mul3A_77] : memref<2x323712xi32, #tpu.memory_space<hbm>> -> memref<2x128xi32, #tpu.memory_space<hbm>>
      tpu.wait_dma2 semaphore(%run_scoped3A : memref<!tpu.dma_semaphore, #tpu.memory_space<semaphore_mem>>) src(%dma_wait3A_124 : memref<2x128xi32, #tpu.memory_space<hbm>>) dst(%arg7 : memref<2x128xi32, #tpu.memory_space<vmem>>)
      tpu.yield
    }) : () -> ()
    %dma_start3A = arith.constant 0 : i32
    %dma_start3A_78 = arith.constant 0 : i32
    %dma_start3A_79 = tpu.memref_slice %arg7[%dma_start3A, %dma_start3A_78] : memref<2x128xi32, #tpu.memory_space<vmem>> -> memref<1x128xi32, #tpu.memory_space<vmem>>
    %dma_start3A_80 = tpu.memref_squeeze %dma_start3A_79 : memref<1x128xi32, #tpu.memory_space<vmem>> -> memref<128xi32, #tpu.memory_space<vmem>>
    %dma_start3A_81 = arith.constant 0 : i32
    %dma_start3A_82 = arith.constant 0 : i32
    %dma_start3A_83 = tpu.memref_slice %arg2[%dma_start3A_81, %dma_start3A_82] : memref<10000x128xf32, #tpu.memory_space<hbm>> -> memref<10000x128xf32, #tpu.memory_space<hbm>>
    tpu.enqueue_indirect_dma source(%dma_start3A_83 : memref<10000x128xf32, #tpu.memory_space<hbm>>) target(%arg9 : memref<128x128xf32, #tpu.memory_space<vmem>>) offsets(%dma_start3A_80 : memref<128xi32, #tpu.memory_space<vmem>>) semaphore(%arg10 : memref<!tpu.dma_semaphore, #tpu.memory_space<semaphore_mem>>)
    %scan3A = arith.constant 0 : i32
    %scan3A_84 = arith.constant 0 : i32
    %scan3A_85 = arith.constant 79 : i32
    %scan3A_86 = arith.addi %scan3A_84, %scan3A_85 : i32
    %scan3A_87 = arith.constant 1 : i32
    scf.for %scan3A_117 = %scan3A_84 to %scan3A_86 step %scan3A_87  : i32 {
      %mul3A_118 = arith.constant 2 : i32
      %mul3A_119 = arith.muli %mul3A_118, %scan3A_117 : i32
      %mul3A_120 = arith.constant 128 : i32
      %mul3A_121 = arith.muli %mul3A_119, %mul3A_120 : i32
      %add3A_122 = arith.addi %mul3A_77, %mul3A_121 : i32
      %add3A_123 = arith.constant 128 : i32
      %add3A_124 = arith.addi %add3A_122, %add3A_123 : i32
      "tpu.region"() ({
        %run_scoped3A = tpu.sem_alloc : memref<!tpu.dma_semaphore, #tpu.memory_space<semaphore_mem>>
        %dma_start3A_456 = arith.constant 0 : i32
        %dma_start3A_457 = tpu.memref_slice %arg3[%dma_start3A_456, %add3A_124] : memref<2x323712xi32, #tpu.memory_space<hbm>> -> memref<2x128xi32, #tpu.memory_space<hbm>>
        %dma_start3A_458 = arith.constant 0 : i32
        %dma_start3A_459 = tpu.memref_slice %arg3[%dma_start3A_458, %add3A_124] : memref<2x323712xi32, #tpu.memory_space<hbm>> -> memref<2x128xi32, #tpu.memory_space<hbm>>
        tpu.enqueue_dma source(%dma_start3A_459 : memref<2x128xi32, #tpu.memory_space<hbm>>) target(%arg11 : memref<2x128xi32, #tpu.memory_space<vmem>>) target_semaphore(%run_scoped3A : memref<!tpu.dma_semaphore, #tpu.memory_space<semaphore_mem>>)
        %dma_wait3A_460 = arith.constant 0 : i32
        %dma_wait3A_461 = tpu.memref_slice %arg3[%dma_wait3A_460, %add3A_124] : memref<2x323712xi32, #tpu.memory_space<hbm>> -> memref<2x128xi32, #tpu.memory_space<hbm>>
        %dma_wait3A_462 = arith.constant 0 : i32
        %dma_wait3A_463 = tpu.memref_slice %arg3[%dma_wait3A_462, %add3A_124] : memref<2x323712xi32, #tpu.memory_space<hbm>> -> memref<2x128xi32, #tpu.memory_space<hbm>>
        tpu.wait_dma2 semaphore(%run_scoped3A : memref<!tpu.dma_semaphore, #tpu.memory_space<semaphore_mem>>) src(%dma_wait3A_463 : memref<2x128xi32, #tpu.memory_space<hbm>>) dst(%arg11 : memref<2x128xi32, #tpu.memory_space<vmem>>)
        tpu.yield
      }) : () -> ()
      %dma_start3A_125 = arith.constant 0 : i32
      %dma_start3A_126 = arith.constant 0 : i32
      %dma_start3A_127 = tpu.memref_slice %arg11[%dma_start3A_125, %dma_start3A_126] : memref<2x128xi32, #tpu.memory_space<vmem>> -> memref<1x128xi32, #tpu.memory_space<vmem>>
      %dma_start3A_128 = tpu.memref_squeeze %dma_start3A_127 : memref<1x128xi32, #tpu.memory_space<vmem>> -> memref<128xi32, #tpu.memory_space<vmem>>
      %dma_start3A_129 = arith.constant 0 : i32
      %dma_start3A_130 = arith.constant 0 : i32
      %dma_start3A_131 = tpu.memref_slice %arg2[%dma_start3A_129, %dma_start3A_130] : memref<10000x128xf32, #tpu.memory_space<hbm>> -> memref<10000x128xf32, #tpu.memory_space<hbm>>
      tpu.enqueue_indirect_dma source(%dma_start3A_131 : memref<10000x128xf32, #tpu.memory_space<hbm>>) target(%arg13 : memref<128x128xf32, #tpu.memory_space<vmem>>) offsets(%dma_start3A_128 : memref<128xi32, #tpu.memory_space<vmem>>) semaphore(%arg14 : memref<!tpu.dma_semaphore, #tpu.memory_space<semaphore_mem>>)
      %broadcast_in_dim3A = arith.constant 1.000000e+00 : f32
      %broadcast_in_dim3A_132 = vector.broadcast %broadcast_in_dim3A : f32 to vector<16xf32>
      %get3A = arith.constant 1 : i32
      %get3A_133 = arith.index_cast %get3A : i32 to index
      %get3A_134 = arith.constant 0 : index
      %get3A_135 = tpu.vector_load %arg7[%get3A_133, %get3A_134] {strides = array<i32>} : memref<2x128xi32, #tpu.memory_space<vmem>>, vector<16xi32>,
      %sub3A = vector.broadcast %mul3A_0 : i32 to vector<16xi32>
      %sub3A_136 = arith.subi %get3A_135, %sub3A : vector<16xi32>
      %ge3A = arith.constant 0 : i32
      %ge3A_137 = vector.broadcast %ge3A : i32 to vector<16xi32>
      %ge3A_138 = arith.cmpi sge, %sub3A_136, %ge3A_137 : vector<16xi32>
      %lt3A_139 = arith.constant 5120 : i32
      %lt3A_140 = vector.broadcast %lt3A_139 : i32 to vector<16xi32>
      %lt3A_141 = arith.cmpi slt, %sub3A_136, %lt3A_140 : vector<16xi32>
      %and3A = arith.andi %ge3A_138, %lt3A_141 : vector<16xi1>
      %add3A_142 = arith.constant 5120 : i32
      %add3A_143 = vector.broadcast %add3A_142 : i32 to vector<16xi32>
      %add3A_144 = arith.addi %add3A_143, %iota3A : vector<16xi32>
      %select_n3A = arith.select %and3A, %sub3A_136, %add3A_144 : vector<16xi1>, vector<16xi32>
      %swap3A = arith.constant 0 : index
      %swap3A_145 = tpu.vector_load %arg8[%swap3A] {strides = array<i32>} : memref<128xi32, #tpu.memory_space<vmem>>, vector<16xi32>,
      tpu.vector_store %arg8[%swap3A], %select_n3A {strides = array<i32>} : memref<128xi32, #tpu.memory_space<vmem>>, vector<16xi32>,
      %get3A_146 = arith.constant 1 : i32
      %get3A_147 = arith.index_cast %get3A_146 : i32 to index
      %get3A_148 = arith.constant 16 : index
      %get3A_149 = tpu.vector_load %arg7[%get3A_147, %get3A_148] {strides = array<i32>} : memref<2x128xi32, #tpu.memory_space<vmem>>, vector<16xi32>,
      %sub3A_150 = vector.broadcast %mul3A_0 : i32 to vector<16xi32>
      %sub3A_151 = arith.subi %get3A_149, %sub3A_150 : vector<16xi32>
      %ge3A_152 = arith.constant 0 : i32
      %ge3A_153 = vector.broadcast %ge3A_152 : i32 to vector<16xi32>
      %ge3A_154 = arith.cmpi sge, %sub3A_151, %ge3A_153 : vector<16xi32>
      %lt3A_155 = arith.constant 5120 : i32
      %lt3A_156 = vector.broadcast %lt3A_155 : i32 to vector<16xi32>
      %lt3A_157 = arith.cmpi slt, %sub3A_151, %lt3A_156 : vector<16xi32>
      %and3A_158 = arith.andi %ge3A_154, %lt3A_157 : vector<16xi1>
      %add3A_159 = arith.constant 5136 : i32
      %add3A_160 = vector.broadcast %add3A_159 : i32 to vector<16xi32>
      %add3A_161 = arith.addi %add3A_160, %iota3A : vector<16xi32>
      %select_n3A_162 = arith.select %and3A_158, %sub3A_151, %add3A_161 : vector<16xi1>, vector<16xi32>
      %swap3A_163 = arith.constant 16 : index
      %swap3A_164 = tpu.vector_load %arg8[%swap3A_163] {strides = array<i32>} : memref<128xi32, #tpu.memory_space<vmem>>, vector<16xi32>,
      tpu.vector_store %arg8[%swap3A_163], %select_n3A_162 {strides = array<i32>} : memref<128xi32, #tpu.memory_space<vmem>>, vector<16xi32>,
      %get3A_165 = arith.constant 1 : i32
      %get3A_166 = arith.index_cast %get3A_165 : i32 to index
      %get3A_167 = arith.constant 32 : index
      %get3A_168 = tpu.vector_load %arg7[%get3A_166, %get3A_167] {strides = array<i32>} : memref<2x128xi32, #tpu.memory_space<vmem>>, vector<16xi32>,
      %sub3A_169 = vector.broadcast %mul3A_0 : i32 to vector<16xi32>
      %sub3A_170 = arith.subi %get3A_168, %sub3A_169 : vector<16xi32>
      %ge3A_171 = arith.constant 0 : i32
      %ge3A_172 = vector.broadcast %ge3A_171 : i32 to vector<16xi32>
      %ge3A_173 = arith.cmpi sge, %sub3A_170, %ge3A_172 : vector<16xi32>
      %lt3A_174 = arith.constant 5120 : i32
      %lt3A_175 = vector.broadcast %lt3A_174 : i32 to vector<16xi32>
      %lt3A_176 = arith.cmpi slt, %sub3A_170, %lt3A_175 : vector<16xi32>
      %and3A_177 = arith.andi %ge3A_173, %lt3A_176 : vector<16xi1>
      %add3A_178 = arith.constant 5152 : i32
      %add3A_179 = vector.broadcast %add3A_178 : i32 to vector<16xi32>
      %add3A_180 = arith.addi %add3A_179, %iota3A : vector<16xi32>
      %select_n3A_181 = arith.select %and3A_177, %sub3A_170, %add3A_180 : vector<16xi1>, vector<16xi32>
      %swap3A_182 = arith.constant 32 : index
      %swap3A_183 = tpu.vector_load %arg8[%swap3A_182] {strides = array<i32>} : memref<128xi32, #tpu.memory_space<vmem>>, vector<16xi32>,
      tpu.vector_store %arg8[%swap3A_182], %select_n3A_181 {strides = array<i32>} : memref<128xi32, #tpu.memory_space<vmem>>, vector<16xi32>,
      %get3A_184 = arith.constant 1 : i32
      %get3A_185 = arith.index_cast %get3A_184 : i32 to index
      %get3A_186 = arith.constant 48 : index
      %get3A_187 = tpu.vector_load %arg7[%get3A_185, %get3A_186] {strides = array<i32>} : memref<2x128xi32, #tpu.memory_space<vmem>>, vector<16xi32>,
      %sub3A_188 = vector.broadcast %mul3A_0 : i32 to vector<16xi32>
      %sub3A_189 = arith.subi %get3A_187, %sub3A_188 : vector<16xi32>
      %ge3A_190 = arith.constant 0 : i32
      %ge3A_191 = vector.broadcast %ge3A_190 : i32 to vector<16xi32>
      %ge3A_192 = arith.cmpi sge, %sub3A_189, %ge3A_191 : vector<16xi32>
      %lt3A_193 = arith.constant 5120 : i32
      %lt3A_194 = vector.broadcast %lt3A_193 : i32 to vector<16xi32>
      %lt3A_195 = arith.cmpi slt, %sub3A_189, %lt3A_194 : vector<16xi32>
      %and3A_196 = arith.andi %ge3A_192, %lt3A_195 : vector<16xi1>
      %add3A_197 = arith.constant 5168 : i32
      %add3A_198 = vector.broadcast %add3A_197 : i32 to vector<16xi32>
      %add3A_199 = arith.addi %add3A_198, %iota3A : vector<16xi32>
      %select_n3A_200 = arith.select %and3A_196, %sub3A_189, %add3A_199 : vector<16xi1>, vector<16xi32>
      %swap3A_201 = arith.constant 48 : index
      %swap3A_202 = tpu.vector_load %arg8[%swap3A_201] {strides = array<i32>} : memref<128xi32, #tpu.memory_space<vmem>>, vector<16xi32>,
      tpu.vector_store %arg8[%swap3A_201], %select_n3A_200 {strides = array<i32>} : memref<128xi32, #tpu.memory_space<vmem>>, vector<16xi32>,
      %get3A_203 = arith.constant 1 : i32
      %get3A_204 = arith.index_cast %get3A_203 : i32 to index
      %get3A_205 = arith.constant 64 : index
      %get3A_206 = tpu.vector_load %arg7[%get3A_204, %get3A_205] {strides = array<i32>} : memref<2x128xi32, #tpu.memory_space<vmem>>, vector<16xi32>,
      %sub3A_207 = vector.broadcast %mul3A_0 : i32 to vector<16xi32>
      %sub3A_208 = arith.subi %get3A_206, %sub3A_207 : vector<16xi32>
      %ge3A_209 = arith.constant 0 : i32
      %ge3A_210 = vector.broadcast %ge3A_209 : i32 to vector<16xi32>
      %ge3A_211 = arith.cmpi sge, %sub3A_208, %ge3A_210 : vector<16xi32>
      %lt3A_212 = arith.constant 5120 : i32
      %lt3A_213 = vector.broadcast %lt3A_212 : i32 to vector<16xi32>
      %lt3A_214 = arith.cmpi slt, %sub3A_208, %lt3A_213 : vector<16xi32>
      %and3A_215 = arith.andi %ge3A_211, %lt3A_214 : vector<16xi1>
      %add3A_216 = arith.constant 5184 : i32
      %add3A_217 = vector.broadcast %add3A_216 : i32 to vector<16xi32>
      %add3A_218 = arith.addi %add3A_217, %iota3A : vector<16xi32>
      %select_n3A_219 = arith.select %and3A_215, %sub3A_208, %add3A_218 : vector<16xi1>, vector<16xi32>
      %swap3A_220 = arith.constant 64 : index
      %swap3A_221 = tpu.vector_load %arg8[%swap3A_220] {strides = array<i32>} : memref<128xi32, #tpu.memory_space<vmem>>, vector<16xi32>,
      tpu.vector_store %arg8[%swap3A_220], %select_n3A_219 {strides = array<i32>} : memref<128xi32, #tpu.memory_space<vmem>>, vector<16xi32>,
      %get3A_222 = arith.constant 1 : i32
      %get3A_223 = arith.index_cast %get3A_222 : i32 to index
      %get3A_224 = arith.constant 80 : index
      %get3A_225 = tpu.vector_load %arg7[%get3A_223, %get3A_224] {strides = array<i32>} : memref<2x128xi32, #tpu.memory_space<vmem>>, vector<16xi32>,
      %sub3A_226 = vector.broadcast %mul3A_0 : i32 to vector<16xi32>
      %sub3A_227 = arith.subi %get3A_225, %sub3A_226 : vector<16xi32>
      %ge3A_228 = arith.constant 0 : i32
      %ge3A_229 = vector.broadcast %ge3A_228 : i32 to vector<16xi32>
      %ge3A_230 = arith.cmpi sge, %sub3A_227, %ge3A_229 : vector<16xi32>
      %lt3A_231 = arith.constant 5120 : i32
      %lt3A_232 = vector.broadcast %lt3A_231 : i32 to vector<16xi32>
      %lt3A_233 = arith.cmpi slt, %sub3A_227, %lt3A_232 : vector<16xi32>
      %and3A_234 = arith.andi %ge3A_230, %lt3A_233 : vector<16xi1>
      %add3A_235 = arith.constant 5200 : i32
      %add3A_236 = vector.broadcast %add3A_235 : i32 to vector<16xi32>
      %add3A_237 = arith.addi %add3A_236, %iota3A : vector<16xi32>
      %select_n3A_238 = arith.select %and3A_234, %sub3A_227, %add3A_237 : vector<16xi1>, vector<16xi32>
      %swap3A_239 = arith.constant 80 : index
      %swap3A_240 = tpu.vector_load %arg8[%swap3A_239] {strides = array<i32>} : memref<128xi32, #tpu.memory_space<vmem>>, vector<16xi32>,
      tpu.vector_store %arg8[%swap3A_239], %select_n3A_238 {strides = array<i32>} : memref<128xi32, #tpu.memory_space<vmem>>, vector<16xi32>,
      %get3A_241 = arith.constant 1 : i32
      %get3A_242 = arith.index_cast %get3A_241 : i32 to index
      %get3A_243 = arith.constant 96 : index
      %get3A_244 = tpu.vector_load %arg7[%get3A_242, %get3A_243] {strides = array<i32>} : memref<2x128xi32, #tpu.memory_space<vmem>>, vector<16xi32>,
      %sub3A_245 = vector.broadcast %mul3A_0 : i32 to vector<16xi32>
      %sub3A_246 = arith.subi %get3A_244, %sub3A_245 : vector<16xi32>
      %ge3A_247 = arith.constant 0 : i32
      %ge3A_248 = vector.broadcast %ge3A_247 : i32 to vector<16xi32>
      %ge3A_249 = arith.cmpi sge, %sub3A_246, %ge3A_248 : vector<16xi32>
      %lt3A_250 = arith.constant 5120 : i32
      %lt3A_251 = vector.broadcast %lt3A_250 : i32 to vector<16xi32>
      %lt3A_252 = arith.cmpi slt, %sub3A_246, %lt3A_251 : vector<16xi32>
      %and3A_253 = arith.andi %ge3A_249, %lt3A_252 : vector<16xi1>
      %add3A_254 = arith.constant 5216 : i32
      %add3A_255 = vector.broadcast %add3A_254 : i32 to vector<16xi32>
      %add3A_256 = arith.addi %add3A_255, %iota3A : vector<16xi32>
      %select_n3A_257 = arith.select %and3A_253, %sub3A_246, %add3A_256 : vector<16xi1>, vector<16xi32>
      %swap3A_258 = arith.constant 96 : index
      %swap3A_259 = tpu.vector_load %arg8[%swap3A_258] {strides = array<i32>} : memref<128xi32, #tpu.memory_space<vmem>>, vector<16xi32>,
      tpu.vector_store %arg8[%swap3A_258], %select_n3A_257 {strides = array<i32>} : memref<128xi32, #tpu.memory_space<vmem>>, vector<16xi32>,
      %get3A_260 = arith.constant 1 : i32
      %get3A_261 = arith.index_cast %get3A_260 : i32 to index
      %get3A_262 = arith.constant 112 : index
      %get3A_263 = tpu.vector_load %arg7[%get3A_261, %get3A_262] {strides = array<i32>} : memref<2x128xi32, #tpu.memory_space<vmem>>, vector<16xi32>,
      %sub3A_264 = vector.broadcast %mul3A_0 : i32 to vector<16xi32>
      %sub3A_265 = arith.subi %get3A_263, %sub3A_264 : vector<16xi32>
      %ge3A_266 = arith.constant 0 : i32
      %ge3A_267 = vector.broadcast %ge3A_266 : i32 to vector<16xi32>
      %ge3A_268 = arith.cmpi sge, %sub3A_265, %ge3A_267 : vector<16xi32>
      %lt3A_269 = arith.constant 5120 : i32
      %lt3A_270 = vector.broadcast %lt3A_269 : i32 to vector<16xi32>
      %lt3A_271 = arith.cmpi slt, %sub3A_265, %lt3A_270 : vector<16xi32>
      %and3A_272 = arith.andi %ge3A_268, %lt3A_271 : vector<16xi1>
      %add3A_273 = arith.constant 5232 : i32
      %add3A_274 = vector.broadcast %add3A_273 : i32 to vector<16xi32>
      %add3A_275 = arith.addi %add3A_274, %iota3A : vector<16xi32>
      %select_n3A_276 = arith.select %and3A_272, %sub3A_265, %add3A_275 : vector<16xi1>, vector<16xi32>
      %swap3A_277 = arith.constant 112 : index
      %swap3A_278 = tpu.vector_load %arg8[%swap3A_277] {strides = array<i32>} : memref<128xi32, #tpu.memory_space<vmem>>, vector<16xi32>,
      tpu.vector_store %arg8[%swap3A_277], %select_n3A_276 {strides = array<i32>} : memref<128xi32, #tpu.memory_space<vmem>>, vector<16xi32>,
      %dma_wait3A_279 = arith.constant 0 : i32
      %dma_wait3A_280 = arith.constant 0 : i32
      %dma_wait3A_281 = tpu.memref_slice %arg7[%dma_wait3A_279, %dma_wait3A_280] : memref<2x128xi32, #tpu.memory_space<vmem>> -> memref<1x128xi32, #tpu.memory_space<vmem>>
      %dma_wait3A_282 = tpu.memref_squeeze %dma_wait3A_281 : memref<1x128xi32, #tpu.memory_space<vmem>> -> memref<128xi32, #tpu.memory_space<vmem>>
      %dma_wait3A_283 = arith.constant 0 : i32
      %dma_wait3A_284 = arith.constant 0 : i32
      %dma_wait3A_285 = tpu.memref_slice %arg2[%dma_wait3A_283, %dma_wait3A_284] : memref<10000x128xf32, #tpu.memory_space<hbm>> -> memref<10000x128xf32, #tpu.memory_space<hbm>>
      tpu.wait_indirect_dma semaphore(%arg10 : memref<!tpu.dma_semaphore, #tpu.memory_space<semaphore_mem>>) src(%dma_wait3A_285 : memref<10000x128xf32, #tpu.memory_space<hbm>>) dst(%arg9 : memref<128x128xf32, #tpu.memory_space<vmem>>)
      "tpu.region"() ({
        %run_scoped3A = tpu.sem_alloc : memref<!tpu.dma_semaphore, #tpu.memory_space<semaphore_mem>>
        %dma_start3A_456 = arith.constant 0 : i32
        %dma_start3A_457 = arith.constant 0 : i32
        %dma_start3A_458 = tpu.memref_slice %arg16[%dma_start3A_456, %dma_start3A_457] : memref<5248x128xf32, #tpu.memory_space<vmem_shared>> -> memref<5248x128xf32, #tpu.memory_space<vmem_shared>>
        tpu.enqueue_indirect_dma source(%arg9 : memref<128x128xf32, #tpu.memory_space<vmem>>) target(%dma_start3A_458 : memref<5248x128xf32, #tpu.memory_space<vmem_shared>>) offsets(%arg8 : memref<128xi32, #tpu.memory_space<vmem>>) semaphore(%run_scoped3A : memref<!tpu.dma_semaphore, #tpu.memory_space<semaphore_mem>>) {add = true}
        %dma_wait3A_459 = arith.constant 0 : i32
        %dma_wait3A_460 = arith.constant 0 : i32
        %dma_wait3A_461 = tpu.memref_slice %arg16[%dma_wait3A_459, %dma_wait3A_460] : memref<5248x128xf32, #tpu.memory_space<vmem_shared>> -> memref<5248x128xf32, #tpu.memory_space<vmem_shared>>
        tpu.wait_indirect_dma semaphore(%run_scoped3A : memref<!tpu.dma_semaphore, #tpu.memory_space<semaphore_mem>>) src(%arg9 : memref<128x128xf32, #tpu.memory_space<vmem>>) dst(%dma_wait3A_461 : memref<5248x128xf32, #tpu.memory_space<vmem_shared>>)
        tpu.yield
      }) : () -> ()
      %add3A_286 = arith.constant 256 : i32
      %add3A_287 = arith.addi %add3A_122, %add3A_286 : i32
      "tpu.region"() ({
        %run_scoped3A = tpu.sem_alloc : memref<!tpu.dma_semaphore, #tpu.memory_space<semaphore_mem>>
        %dma_start3A_456 = arith.constant 0 : i32
        %dma_start3A_457 = tpu.memref_slice %arg3[%dma_start3A_456, %add3A_287] : memref<2x323712xi32, #tpu.memory_space<hbm>> -> memref<2x128xi32, #tpu.memory_space<hbm>>
        %dma_start3A_458 = arith.constant 0 : i32
        %dma_start3A_459 = tpu.memref_slice %arg3[%dma_start3A_458, %add3A_287] : memref<2x323712xi32, #tpu.memory_space<hbm>> -> memref<2x128xi32, #tpu.memory_space<hbm>>
        tpu.enqueue_dma source(%dma_start3A_459 : memref<2x128xi32, #tpu.memory_space<hbm>>) target(%arg7 : memref<2x128xi32, #tpu.memory_space<vmem>>) target_semaphore(%run_scoped3A : memref<!tpu.dma_semaphore, #tpu.memory_space<semaphore_mem>>)
        %dma_wait3A_460 = arith.constant 0 : i32
        %dma_wait3A_461 = tpu.memref_slice %arg3[%dma_wait3A_460, %add3A_287] : memref<2x323712xi32, #tpu.memory_space<hbm>> -> memref<2x128xi32, #tpu.memory_space<hbm>>
        %dma_wait3A_462 = arith.constant 0 : i32
        %dma_wait3A_463 = tpu.memref_slice %arg3[%dma_wait3A_462, %add3A_287] : memref<2x323712xi32, #tpu.memory_space<hbm>> -> memref<2x128xi32, #tpu.memory_space<hbm>>
        tpu.wait_dma2 semaphore(%run_scoped3A : memref<!tpu.dma_semaphore, #tpu.memory_space<semaphore_mem>>) src(%dma_wait3A_463 : memref<2x128xi32, #tpu.memory_space<hbm>>) dst(%arg7 : memref<2x128xi32, #tpu.memory_space<vmem>>)
        tpu.yield
      }) : () -> ()
      %dma_start3A_288 = arith.constant 0 : i32
      %dma_start3A_289 = arith.constant 0 : i32
      %dma_start3A_290 = tpu.memref_slice %arg7[%dma_start3A_288, %dma_start3A_289] : memref<2x128xi32, #tpu.memory_space<vmem>> -> memref<1x128xi32, #tpu.memory_space<vmem>>
      %dma_start3A_291 = tpu.memref_squeeze %dma_start3A_290 : memref<1x128xi32, #tpu.memory_space<vmem>> -> memref<128xi32, #tpu.memory_space<vmem>>
      %dma_start3A_292 = arith.constant 0 : i32
      %dma_start3A_293 = arith.constant 0 : i32
      %dma_start3A_294 = tpu.memref_slice %arg2[%dma_start3A_292, %dma_start3A_293] : memref<10000x128xf32, #tpu.memory_space<hbm>> -> memref<10000x128xf32, #tpu.memory_space<hbm>>
      tpu.enqueue_indirect_dma source(%dma_start3A_294 : memref<10000x128xf32, #tpu.memory_space<hbm>>) target(%arg9 : memref<128x128xf32, #tpu.memory_space<vmem>>) offsets(%dma_start3A_291 : memref<128xi32, #tpu.memory_space<vmem>>) semaphore(%arg10 : memref<!tpu.dma_semaphore, #tpu.memory_space<semaphore_mem>>)
      %broadcast_in_dim3A_295 = arith.constant 1.000000e+00 : f32
      %broadcast_in_dim3A_296 = vector.broadcast %broadcast_in_dim3A_295 : f32 to vector<16xf32>
      %get3A_297 = arith.constant 1 : i32
      %get3A_298 = arith.index_cast %get3A_297 : i32 to index
      %get3A_299 = arith.constant 0 : index
      %get3A_300 = tpu.vector_load %arg11[%get3A_298, %get3A_299] {strides = array<i32>} : memref<2x128xi32, #tpu.memory_space<vmem>>, vector<16xi32>,
      %sub3A_301 = vector.broadcast %mul3A_0 : i32 to vector<16xi32>
      %sub3A_302 = arith.subi %get3A_300, %sub3A_301 : vector<16xi32>
      %ge3A_303 = arith.constant 0 : i32
      %ge3A_304 = vector.broadcast %ge3A_303 : i32 to vector<16xi32>
      %ge3A_305 = arith.cmpi sge, %sub3A_302, %ge3A_304 : vector<16xi32>
      %lt3A_306 = arith.constant 5120 : i32
      %lt3A_307 = vector.broadcast %lt3A_306 : i32 to vector<16xi32>
      %lt3A_308 = arith.cmpi slt, %sub3A_302, %lt3A_307 : vector<16xi32>
      %and3A_309 = arith.andi %ge3A_305, %lt3A_308 : vector<16xi1>
      %add3A_310 = arith.constant 5120 : i32
      %add3A_311 = vector.broadcast %add3A_310 : i32 to vector<16xi32>
      %add3A_312 = arith.addi %add3A_311, %iota3A : vector<16xi32>
      %select_n3A_313 = arith.select %and3A_309, %sub3A_302, %add3A_312 : vector<16xi1>, vector<16xi32>
      %swap3A_314 = arith.constant 0 : index
      %swap3A_315 = tpu.vector_load %arg12[%swap3A_314] {strides = array<i32>} : memref<128xi32, #tpu.memory_space<vmem>>, vector<16xi32>,
      tpu.vector_store %arg12[%swap3A_314], %select_n3A_313 {strides = array<i32>} : memref<128xi32, #tpu.memory_space<vmem>>, vector<16xi32>,
      %get3A_316 = arith.constant 1 : i32
      %get3A_317 = arith.index_cast %get3A_316 : i32 to index
      %get3A_318 = arith.constant 16 : index
      %get3A_319 = tpu.vector_load %arg11[%get3A_317, %get3A_318] {strides = array<i32>} : memref<2x128xi32, #tpu.memory_space<vmem>>, vector<16xi32>,
      %sub3A_320 = vector.broadcast %mul3A_0 : i32 to vector<16xi32>
      %sub3A_321 = arith.subi %get3A_319, %sub3A_320 : vector<16xi32>
      %ge3A_322 = arith.constant 0 : i32
      %ge3A_323 = vector.broadcast %ge3A_322 : i32 to vector<16xi32>
      %ge3A_324 = arith.cmpi sge, %sub3A_321, %ge3A_323 : vector<16xi32>
      %lt3A_325 = arith.constant 5120 : i32
      %lt3A_326 = vector.broadcast %lt3A_325 : i32 to vector<16xi32>
      %lt3A_327 = arith.cmpi slt, %sub3A_321, %lt3A_326 : vector<16xi32>
      %and3A_328 = arith.andi %ge3A_324, %lt3A_327 : vector<16xi1>
      %add3A_329 = arith.constant 5136 : i32
      %add3A_330 = vector.broadcast %add3A_329 : i32 to vector<16xi32>
      %add3A_331 = arith.addi %add3A_330, %iota3A : vector<16xi32>
      %select_n3A_332 = arith.select %and3A_328, %sub3A_321, %add3A_331 : vector<16xi1>, vector<16xi32>
      %swap3A_333 = arith.constant 16 : index
      %swap3A_334 = tpu.vector_load %arg12[%swap3A_333] {strides = array<i32>} : memref<128xi32, #tpu.memory_space<vmem>>, vector<16xi32>,
      tpu.vector_store %arg12[%swap3A_333], %select_n3A_332 {strides = array<i32>} : memref<128xi32, #tpu.memory_space<vmem>>, vector<16xi32>,
      %get3A_335 = arith.constant 1 : i32
      %get3A_336 = arith.index_cast %get3A_335 : i32 to index
      %get3A_337 = arith.constant 32 : index
      %get3A_338 = tpu.vector_load %arg11[%get3A_336, %get3A_337] {strides = array<i32>} : memref<2x128xi32, #tpu.memory_space<vmem>>, vector<16xi32>,
      %sub3A_339 = vector.broadcast %mul3A_0 : i32 to vector<16xi32>
      %sub3A_340 = arith.subi %get3A_338, %sub3A_339 : vector<16xi32>
      %ge3A_341 = arith.constant 0 : i32
      %ge3A_342 = vector.broadcast %ge3A_341 : i32 to vector<16xi32>
      %ge3A_343 = arith.cmpi sge, %sub3A_340, %ge3A_342 : vector<16xi32>
      %lt3A_344 = arith.constant 5120 : i32
      %lt3A_345 = vector.broadcast %lt3A_344 : i32 to vector<16xi32>
      %lt3A_346 = arith.cmpi slt, %sub3A_340, %lt3A_345 : vector<16xi32>
      %and3A_347 = arith.andi %ge3A_343, %lt3A_346 : vector<16xi1>
      %add3A_348 = arith.constant 5152 : i32
      %add3A_349 = vector.broadcast %add3A_348 : i32 to vector<16xi32>
      %add3A_350 = arith.addi %add3A_349, %iota3A : vector<16xi32>
      %select_n3A_351 = arith.select %and3A_347, %sub3A_340, %add3A_350 : vector<16xi1>, vector<16xi32>
      %swap3A_352 = arith.constant 32 : index
      %swap3A_353 = tpu.vector_load %arg12[%swap3A_352] {strides = array<i32>} : memref<128xi32, #tpu.memory_space<vmem>>, vector<16xi32>,
      tpu.vector_store %arg12[%swap3A_352], %select_n3A_351 {strides = array<i32>} : memref<128xi32, #tpu.memory_space<vmem>>, vector<16xi32>,
      %get3A_354 = arith.constant 1 : i32
      %get3A_355 = arith.index_cast %get3A_354 : i32 to index
      %get3A_356 = arith.constant 48 : index
      %get3A_357 = tpu.vector_load %arg11[%get3A_355, %get3A_356] {strides = array<i32>} : memref<2x128xi32, #tpu.memory_space<vmem>>, vector<16xi32>,
      %sub3A_358 = vector.broadcast %mul3A_0 : i32 to vector<16xi32>
      %sub3A_359 = arith.subi %get3A_357, %sub3A_358 : vector<16xi32>
      %ge3A_360 = arith.constant 0 : i32
      %ge3A_361 = vector.broadcast %ge3A_360 : i32 to vector<16xi32>
      %ge3A_362 = arith.cmpi sge, %sub3A_359, %ge3A_361 : vector<16xi32>
      %lt3A_363 = arith.constant 5120 : i32
      %lt3A_364 = vector.broadcast %lt3A_363 : i32 to vector<16xi32>
      %lt3A_365 = arith.cmpi slt, %sub3A_359, %lt3A_364 : vector<16xi32>
      %and3A_366 = arith.andi %ge3A_362, %lt3A_365 : vector<16xi1>
      %add3A_367 = arith.constant 5168 : i32
      %add3A_368 = vector.broadcast %add3A_367 : i32 to vector<16xi32>
      %add3A_369 = arith.addi %add3A_368, %iota3A : vector<16xi32>
      %select_n3A_370 = arith.select %and3A_366, %sub3A_359, %add3A_369 : vector<16xi1>, vector<16xi32>
      %swap3A_371 = arith.constant 48 : index
      %swap3A_372 = tpu.vector_load %arg12[%swap3A_371] {strides = array<i32>} : memref<128xi32, #tpu.memory_space<vmem>>, vector<16xi32>,
      tpu.vector_store %arg12[%swap3A_371], %select_n3A_370 {strides = array<i32>} : memref<128xi32, #tpu.memory_space<vmem>>, vector<16xi32>,
      %get3A_373 = arith.constant 1 : i32
      %get3A_374 = arith.index_cast %get3A_373 : i32 to index
      %get3A_375 = arith.constant 64 : index
      %get3A_376 = tpu.vector_load %arg11[%get3A_374, %get3A_375] {strides = array<i32>} : memref<2x128xi32, #tpu.memory_space<vmem>>, vector<16xi32>,
      %sub3A_377 = vector.broadcast %mul3A_0 : i32 to vector<16xi32>
      %sub3A_378 = arith.subi %get3A_376, %sub3A_377 : vector<16xi32>
      %ge3A_379 = arith.constant 0 : i32
      %ge3A_380 = vector.broadcast %ge3A_379 : i32 to vector<16xi32>
      %ge3A_381 = arith.cmpi sge, %sub3A_378, %ge3A_380 : vector<16xi32>
      %lt3A_382 = arith.constant 5120 : i32
      %lt3A_383 = vector.broadcast %lt3A_382 : i32 to vector<16xi32>
      %lt3A_384 = arith.cmpi slt, %sub3A_378, %lt3A_383 : vector<16xi32>
      %and3A_385 = arith.andi %ge3A_381, %lt3A_384 : vector<16xi1>
      %add3A_386 = arith.constant 5184 : i32
      %add3A_387 = vector.broadcast %add3A_386 : i32 to vector<16xi32>
      %add3A_388 = arith.addi %add3A_387, %iota3A : vector<16xi32>
      %select_n3A_389 = arith.select %and3A_385, %sub3A_378, %add3A_388 : vector<16xi1>, vector<16xi32>
      %swap3A_390 = arith.constant 64 : index
      %swap3A_391 = tpu.vector_load %arg12[%swap3A_390] {strides = array<i32>} : memref<128xi32, #tpu.memory_space<vmem>>, vector<16xi32>,
      tpu.vector_store %arg12[%swap3A_390], %select_n3A_389 {strides = array<i32>} : memref<128xi32, #tpu.memory_space<vmem>>, vector<16xi32>,
      %get3A_392 = arith.constant 1 : i32
      %get3A_393 = arith.index_cast %get3A_392 : i32 to index
      %get3A_394 = arith.constant 80 : index
      %get3A_395 = tpu.vector_load %arg11[%get3A_393, %get3A_394] {strides = array<i32>} : memref<2x128xi32, #tpu.memory_space<vmem>>, vector<16xi32>,
      %sub3A_396 = vector.broadcast %mul3A_0 : i32 to vector<16xi32>
      %sub3A_397 = arith.subi %get3A_395, %sub3A_396 : vector<16xi32>
      %ge3A_398 = arith.constant 0 : i32
      %ge3A_399 = vector.broadcast %ge3A_398 : i32 to vector<16xi32>
      %ge3A_400 = arith.cmpi sge, %sub3A_397, %ge3A_399 : vector<16xi32>
      %lt3A_401 = arith.constant 5120 : i32
      %lt3A_402 = vector.broadcast %lt3A_401 : i32 to vector<16xi32>
      %lt3A_403 = arith.cmpi slt, %sub3A_397, %lt3A_402 : vector<16xi32>
      %and3A_404 = arith.andi %ge3A_400, %lt3A_403 : vector<16xi1>
      %add3A_405 = arith.constant 5200 : i32
      %add3A_406 = vector.broadcast %add3A_405 : i32 to vector<16xi32>
      %add3A_407 = arith.addi %add3A_406, %iota3A : vector<16xi32>
      %select_n3A_408 = arith.select %and3A_404, %sub3A_397, %add3A_407 : vector<16xi1>, vector<16xi32>
      %swap3A_409 = arith.constant 80 : index
      %swap3A_410 = tpu.vector_load %arg12[%swap3A_409] {strides = array<i32>} : memref<128xi32, #tpu.memory_space<vmem>>, vector<16xi32>,
      tpu.vector_store %arg12[%swap3A_409], %select_n3A_408 {strides = array<i32>} : memref<128xi32, #tpu.memory_space<vmem>>, vector<16xi32>,
      %get3A_411 = arith.constant 1 : i32
      %get3A_412 = arith.index_cast %get3A_411 : i32 to index
      %get3A_413 = arith.constant 96 : index
      %get3A_414 = tpu.vector_load %arg11[%get3A_412, %get3A_413] {strides = array<i32>} : memref<2x128xi32, #tpu.memory_space<vmem>>, vector<16xi32>,
      %sub3A_415 = vector.broadcast %mul3A_0 : i32 to vector<16xi32>
      %sub3A_416 = arith.subi %get3A_414, %sub3A_415 : vector<16xi32>
      %ge3A_417 = arith.constant 0 : i32
      %ge3A_418 = vector.broadcast %ge3A_417 : i32 to vector<16xi32>
      %ge3A_419 = arith.cmpi sge, %sub3A_416, %ge3A_418 : vector<16xi32>
      %lt3A_420 = arith.constant 5120 : i32
      %lt3A_421 = vector.broadcast %lt3A_420 : i32 to vector<16xi32>
      %lt3A_422 = arith.cmpi slt, %sub3A_416, %lt3A_421 : vector<16xi32>
      %and3A_423 = arith.andi %ge3A_419, %lt3A_422 : vector<16xi1>
      %add3A_424 = arith.constant 5216 : i32
      %add3A_425 = vector.broadcast %add3A_424 : i32 to vector<16xi32>
      %add3A_426 = arith.addi %add3A_425, %iota3A : vector<16xi32>
      %select_n3A_427 = arith.select %and3A_423, %sub3A_416, %add3A_426 : vector<16xi1>, vector<16xi32>
      %swap3A_428 = arith.constant 96 : index
      %swap3A_429 = tpu.vector_load %arg12[%swap3A_428] {strides = array<i32>} : memref<128xi32, #tpu.memory_space<vmem>>, vector<16xi32>,
      tpu.vector_store %arg12[%swap3A_428], %select_n3A_427 {strides = array<i32>} : memref<128xi32, #tpu.memory_space<vmem>>, vector<16xi32>,
      %get3A_430 = arith.constant 1 : i32
      %get3A_431 = arith.index_cast %get3A_430 : i32 to index
      %get3A_432 = arith.constant 112 : index
      %get3A_433 = tpu.vector_load %arg11[%get3A_431, %get3A_432] {strides = array<i32>} : memref<2x128xi32, #tpu.memory_space<vmem>>, vector<16xi32>,
      %sub3A_434 = vector.broadcast %mul3A_0 : i32 to vector<16xi32>
      %sub3A_435 = arith.subi %get3A_433, %sub3A_434 : vector<16xi32>
      %ge3A_436 = arith.constant 0 : i32
      %ge3A_437 = vector.broadcast %ge3A_436 : i32 to vector<16xi32>
      %ge3A_438 = arith.cmpi sge, %sub3A_435, %ge3A_437 : vector<16xi32>
      %lt3A_439 = arith.constant 5120 : i32
      %lt3A_440 = vector.broadcast %lt3A_439 : i32 to vector<16xi32>
      %lt3A_441 = arith.cmpi slt, %sub3A_435, %lt3A_440 : vector<16xi32>
      %and3A_442 = arith.andi %ge3A_438, %lt3A_441 : vector<16xi1>
      %add3A_443 = arith.constant 5232 : i32
      %add3A_444 = vector.broadcast %add3A_443 : i32 to vector<16xi32>
      %add3A_445 = arith.addi %add3A_444, %iota3A : vector<16xi32>
      %select_n3A_446 = arith.select %and3A_442, %sub3A_435, %add3A_445 : vector<16xi1>, vector<16xi32>
      %swap3A_447 = arith.constant 112 : index
      %swap3A_448 = tpu.vector_load %arg12[%swap3A_447] {strides = array<i32>} : memref<128xi32, #tpu.memory_space<vmem>>, vector<16xi32>,
      tpu.vector_store %arg12[%swap3A_447], %select_n3A_446 {strides = array<i32>} : memref<128xi32, #tpu.memory_space<vmem>>, vector<16xi32>,
      %dma_wait3A_449 = arith.constant 0 : i32
      %dma_wait3A_450 = arith.constant 0 : i32
      %dma_wait3A_451 = tpu.memref_slice %arg11[%dma_wait3A_449, %dma_wait3A_450] : memref<2x128xi32, #tpu.memory_space<vmem>> -> memref<1x128xi32, #tpu.memory_space<vmem>>
      %dma_wait3A_452 = tpu.memref_squeeze %dma_wait3A_451 : memref<1x128xi32, #tpu.memory_space<vmem>> -> memref<128xi32, #tpu.memory_space<vmem>>
      %dma_wait3A_453 = arith.constant 0 : i32
      %dma_wait3A_454 = arith.constant 0 : i32
      %dma_wait3A_455 = tpu.memref_slice %arg2[%dma_wait3A_453, %dma_wait3A_454] : memref<10000x128xf32, #tpu.memory_space<hbm>> -> memref<10000x128xf32, #tpu.memory_space<hbm>>
      tpu.wait_indirect_dma semaphore(%arg14 : memref<!tpu.dma_semaphore, #tpu.memory_space<semaphore_mem>>) src(%dma_wait3A_455 : memref<10000x128xf32, #tpu.memory_space<hbm>>) dst(%arg13 : memref<128x128xf32, #tpu.memory_space<vmem>>)
      "tpu.region"() ({
        %run_scoped3A = tpu.sem_alloc : memref<!tpu.dma_semaphore, #tpu.memory_space<semaphore_mem>>
        %dma_start3A_456 = arith.constant 0 : i32
        %dma_start3A_457 = arith.constant 0 : i32
        %dma_start3A_458 = tpu.memref_slice %arg16[%dma_start3A_456, %dma_start3A_457] : memref<5248x128xf32, #tpu.memory_space<vmem_shared>> -> memref<5248x128xf32, #tpu.memory_space<vmem_shared>>
        tpu.enqueue_indirect_dma source(%arg13 : memref<128x128xf32, #tpu.memory_space<vmem>>) target(%dma_start3A_458 : memref<5248x128xf32, #tpu.memory_space<vmem_shared>>) offsets(%arg12 : memref<128xi32, #tpu.memory_space<vmem>>) semaphore(%run_scoped3A : memref<!tpu.dma_semaphore, #tpu.memory_space<semaphore_mem>>) {add = true}
        %dma_wait3A_459 = arith.constant 0 : i32
        %dma_wait3A_460 = arith.constant 0 : i32
        %dma_wait3A_461 = tpu.memref_slice %arg16[%dma_wait3A_459, %dma_wait3A_460] : memref<5248x128xf32, #tpu.memory_space<vmem_shared>> -> memref<5248x128xf32, #tpu.memory_space<vmem_shared>>
        tpu.wait_indirect_dma semaphore(%run_scoped3A : memref<!tpu.dma_semaphore, #tpu.memory_space<semaphore_mem>>) src(%arg13 : memref<128x128xf32, #tpu.memory_space<vmem>>) dst(%dma_wait3A_461 : memref<5248x128xf32, #tpu.memory_space<vmem_shared>>)
        tpu.yield
      }) : () -> ()
    }
    %scan3A_88 = arith.constant 79 : i32
    %dma_wait3A = arith.constant 0 : i32
    %dma_wait3A_89 = arith.constant 0 : i32
    %dma_wait3A_90 = tpu.memref_slice %arg7[%dma_wait3A, %dma_wait3A_89] : memref<2x128xi32, #tpu.memory_space<vmem>> -> memref<1x128xi32, #tpu.memory_space<vmem>>
    %dma_wait3A_91 = tpu.memref_squeeze %dma_wait3A_90 : memref<1x128xi32, #tpu.memory_space<vmem>> -> memref<128xi32, #tpu.memory_space<vmem>>
    %dma_wait3A_92 = arith.constant 0 : i32
    %dma_wait3A_93 = arith.constant 0 : i32
    %dma_wait3A_94 = tpu.memref_slice %arg2[%dma_wait3A_92, %dma_wait3A_93] : memref<10000x128xf32, #tpu.memory_space<hbm>> -> memref<10000x128xf32, #tpu.memory_space<hbm>>
    tpu.wait_indirect_dma semaphore(%arg10 : memref<!tpu.dma_semaphore, #tpu.memory_space<semaphore_mem>>) src(%dma_wait3A_94 : memref<10000x128xf32, #tpu.memory_space<hbm>>) dst(%arg9 : memref<128x128xf32, #tpu.memory_space<vmem>>)
    %barrier3A_95 = arith.constant 0 : index
    tpu.barrier barrier_id(%barrier3A_95)
    %add3A_96 = arith.constant 0 : i32
    %add3A_97 = arith.addi %arg1, %add3A_96 : i32
    %lt3A_98 = arith.constant 40 : i32
    %lt3A_99 = arith.cmpi slt, %add3A_97, %lt3A_98 : i32
    %convert_element_type3A_100 = arith.extui %lt3A_99 : i1 to i32
    %cond3A_101 = arith.constant 0 : i32
    %cond3A_102 = arith.cmpi ne, %convert_element_type3A_100, %cond3A_101 : i32
    scf.if %cond3A_102 {
      %mul3A_117 = arith.constant 128 : i32
      %mul3A_118 = arith.muli %add3A_97, %mul3A_117 : i32
      %mul3A_119 = arith.constant 128 : i32
      %mul3A_120 = arith.muli %add3A_97, %mul3A_119 : i32
      %add3A_121 = arith.addi %mul3A_0, %mul3A_120 : i32
      "tpu.region"() ({
        %run_scoped3A = tpu.sem_alloc : memref<!tpu.dma_semaphore, #tpu.memory_space<semaphore_mem>>
        %dma_start3A_122 = arith.constant 0 : i32
        %dma_start3A_123 = tpu.memref_slice %arg6[%add3A_121, %dma_start3A_122] : memref<10240x128xf32, #tpu.memory_space<hbm>> -> memref<128x128xf32, #tpu.memory_space<hbm>>
        %dma_start3A_124 = arith.constant 0 : i32
        %dma_start3A_125 = tpu.memref_slice %arg16[%mul3A_118, %dma_start3A_124] : memref<5248x128xf32, #tpu.memory_space<vmem_shared>> -> memref<128x128xf32, #tpu.memory_space<vmem_shared>>
        tpu.enqueue_dma source(%dma_start3A_125 : memref<128x128xf32, #tpu.memory_space<vmem_shared>>) target(%dma_start3A_123 : memref<128x128xf32, #tpu.memory_space<hbm>>) target_semaphore(%run_scoped3A : memref<!tpu.dma_semaphore, #tpu.memory_space<semaphore_mem>>)
        %dma_wait3A_126 = arith.constant 0 : i32
        %dma_wait3A_127 = tpu.memref_slice %arg6[%add3A_121, %dma_wait3A_126] : memref<10240x128xf32, #tpu.memory_space<hbm>> -> memref<128x128xf32, #tpu.memory_space<hbm>>
        %dma_wait3A_128 = arith.constant 0 : i32
        %dma_wait3A_129 = tpu.memref_slice %arg16[%mul3A_118, %dma_wait3A_128] : memref<5248x128xf32, #tpu.memory_space<vmem_shared>> -> memref<128x128xf32, #tpu.memory_space<vmem_shared>>
        tpu.wait_dma2 semaphore(%run_scoped3A : memref<!tpu.dma_semaphore, #tpu.memory_space<semaphore_mem>>) src(%dma_wait3A_129 : memref<128x128xf32, #tpu.memory_space<vmem_shared>>) dst(%dma_wait3A_127 : memref<128x128xf32, #tpu.memory_space<hbm>>)
        tpu.yield
      }) : () -> ()
    } else {
    }
    %add3A_103 = arith.constant 16 : i32
    %add3A_104 = arith.addi %arg1, %add3A_103 : i32
    %lt3A_105 = arith.constant 40 : i32
    %lt3A_106 = arith.cmpi slt, %add3A_104, %lt3A_105 : i32
    %convert_element_type3A_107 = arith.extui %lt3A_106 : i1 to i32
    %cond3A_108 = arith.constant 0 : i32
    %cond3A_109 = arith.cmpi ne, %convert_element_type3A_107, %cond3A_108 : i32
    scf.if %cond3A_109 {
      %mul3A_117 = arith.constant 128 : i32
      %mul3A_118 = arith.muli %add3A_104, %mul3A_117 : i32
      %mul3A_119 = arith.constant 128 : i32
      %mul3A_120 = arith.muli %add3A_104, %mul3A_119 : i32
      %add3A_121 = arith.addi %mul3A_0, %mul3A_120 : i32
      "tpu.region"() ({
        %run_scoped3A = tpu.sem_alloc : memref<!tpu.dma_semaphore, #tpu.memory_space<semaphore_mem>>
        %dma_start3A_122 = arith.constant 0 : i32
        %dma_start3A_123 = tpu.memref_slice %arg6[%add3A_121, %dma_start3A_122] : memref<10240x128xf32, #tpu.memory_space<hbm>> -> memref<128x128xf32, #tpu.memory_space<hbm>>
        %dma_start3A_124 = arith.constant 0 : i32
        %dma_start3A_125 = tpu.memref_slice %arg16[%mul3A_118, %dma_start3A_124] : memref<5248x128xf32, #tpu.memory_space<vmem_shared>> -> memref<128x128xf32, #tpu.memory_space<vmem_shared>>
        tpu.enqueue_dma source(%dma_start3A_125 : memref<128x128xf32, #tpu.memory_space<vmem_shared>>) target(%dma_start3A_123 : memref<128x128xf32, #tpu.memory_space<hbm>>) target_semaphore(%run_scoped3A : memref<!tpu.dma_semaphore, #tpu.memory_space<semaphore_mem>>)
        %dma_wait3A_126 = arith.constant 0 : i32
        %dma_wait3A_127 = tpu.memref_slice %arg6[%add3A_121, %dma_wait3A_126] : memref<10240x128xf32, #tpu.memory_space<hbm>> -> memref<128x128xf32, #tpu.memory_space<hbm>>
        %dma_wait3A_128 = arith.constant 0 : i32
        %dma_wait3A_129 = tpu.memref_slice %arg16[%mul3A_118, %dma_wait3A_128] : memref<5248x128xf32, #tpu.memory_space<vmem_shared>> -> memref<128x128xf32, #tpu.memory_space<vmem_shared>>
        tpu.wait_dma2 semaphore(%run_scoped3A : memref<!tpu.dma_semaphore, #tpu.memory_space<semaphore_mem>>) src(%dma_wait3A_129 : memref<128x128xf32, #tpu.memory_space<vmem_shared>>) dst(%dma_wait3A_127 : memref<128x128xf32, #tpu.memory_space<hbm>>)
        tpu.yield
      }) : () -> ()
    } else {
    }
    %add3A_110 = arith.constant 32 : i32
    %add3A_111 = arith.addi %arg1, %add3A_110 : i32
    %lt3A_112 = arith.constant 40 : i32
    %lt3A_113 = arith.cmpi slt, %add3A_111, %lt3A_112 : i32
    %convert_element_type3A_114 = arith.extui %lt3A_113 : i1 to i32
    %cond3A_115 = arith.constant 0 : i32
    %cond3A_116 = arith.cmpi ne, %convert_element_type3A_114, %cond3A_115 : i32
    scf.if %cond3A_116 {
      %mul3A_117 = arith.constant 128 : i32
      %mul3A_118 = arith.muli %add3A_111, %mul3A_117 : i32
      %mul3A_119 = arith.constant 128 : i32
      %mul3A_120 = arith.muli %add3A_111, %mul3A_119 : i32
      %add3A_121 = arith.addi %mul3A_0, %mul3A_120 : i32
      "tpu.region"() ({
        %run_scoped3A = tpu.sem_alloc : memref<!tpu.dma_semaphore, #tpu.memory_space<semaphore_mem>>
        %dma_start3A_122 = arith.constant 0 : i32
        %dma_start3A_123 = tpu.memref_slice %arg6[%add3A_121, %dma_start3A_122] : memref<10240x128xf32, #tpu.memory_space<hbm>> -> memref<128x128xf32, #tpu.memory_space<hbm>>
        %dma_start3A_124 = arith.constant 0 : i32
        %dma_start3A_125 = tpu.memref_slice %arg16[%mul3A_118, %dma_start3A_124] : memref<5248x128xf32, #tpu.memory_space<vmem_shared>> -> memref<128x128xf32, #tpu.memory_space<vmem_shared>>
        tpu.enqueue_dma source(%dma_start3A_125 : memref<128x128xf32, #tpu.memory_space<vmem_shared>>) target(%dma_start3A_123 : memref<128x128xf32, #tpu.memory_space<hbm>>) target_semaphore(%run_scoped3A : memref<!tpu.dma_semaphore, #tpu.memory_space<semaphore_mem>>)
        %dma_wait3A_126 = arith.constant 0 : i32
        %dma_wait3A_127 = tpu.memref_slice %arg6[%add3A_121, %dma_wait3A_126] : memref<10240x128xf32, #tpu.memory_space<hbm>> -> memref<128x128xf32, #tpu.memory_space<hbm>>
        %dma_wait3A_128 = arith.constant 0 : i32
        %dma_wait3A_129 = tpu.memref_slice %arg16[%mul3A_118, %dma_wait3A_128] : memref<5248x128xf32, #tpu.memory_space<vmem_shared>> -> memref<128x128xf32, #tpu.memory_space<vmem_shared>>
        tpu.wait_dma2 semaphore(%run_scoped3A : memref<!tpu.dma_semaphore, #tpu.memory_space<semaphore_mem>>) src(%dma_wait3A_129 : memref<128x128xf32, #tpu.memory_space<vmem_shared>>) dst(%dma_wait3A_127 : memref<128x128xf32, #tpu.memory_space<hbm>>)
        tpu.yield
      }) : () -> ()
    } else {
    }
    return
  }
}

module attributes {stable_mosaic.version = 14 : i64} {
  func.func @_lin_pair_body(%arg0: i32, %arg1: memref<512x128xf32, #tpu.memory_space<vmem>>, %arg2: memref<128x128xf32, #tpu.memory_space<vmem>>, %arg3: memref<128x128xf32, #tpu.memory_space<vmem>>, %arg4: memref<128xf32, #tpu.memory_space<vmem>>, %arg5: memref<512x128xf32, #tpu.memory_space<vmem>>, %arg6: memref<512x128xf32, #tpu.memory_space<vmem>>) attributes {dimension_semantics = [#tpu.dimension_semantics<arbitrary>], iteration_bounds = array<i64: 20>, scalar_prefetch = 0 : i64, scratch_operands = 0 : i64, tpu.core_type = #tpu.core_type<tc>, window_params = [{transform_indices = @transform_0, window_bounds = array<i64: 512, 128>}, {pipeline_mode = #tpu.pipeline_mode<synchronous>, transform_indices = @transform_1, window_bounds = array<i64: 128, 128>}, {pipeline_mode = #tpu.pipeline_mode<synchronous>, transform_indices = @transform_2, window_bounds = array<i64: 128, 128>}, {pipeline_mode = #tpu.pipeline_mode<synchronous>, transform_indices = @transform_3, window_bounds = array<i64: 128>}, {transform_indices = @transform_4, window_bounds = array<i64: 512, 128>}, {transform_indices = @transform_5, window_bounds = array<i64: 512, 128>}]} {
    %get3A = arith.constant 0 : index
    %get3A_0 = arith.constant 0 : index
    %get3A_1 = vector.load %arg1[%get3A, %get3A_0] : memref<512x128xf32, #tpu.memory_space<vmem>>, vector<512x128xf32>
    %get3A_2 = arith.constant 0 : index
    %get3A_3 = arith.constant 0 : index
    %get3A_4 = vector.load %arg2[%get3A_2, %get3A_3] : memref<128x128xf32, #tpu.memory_space<vmem>>, vector<128x128xf32>
    %dot_general3A = arith.constant dense<0.000000e+00> : vector<512x128xf32>
    %dot_general3A_5 = tpu.matmul %get3A_1, %get3A_4, %dot_general3A {dimension_numbers = #tpu.dot_dimension_numbers<[1], [1], [0], [0], [0, 0, 1, 0], [], []>, transpose_lhs_hint = false} : vector<512x128xf32>, vector<128x128xf32>, vector<512x128xf32> -> vector<512x128xf32>
    %swap3A = arith.constant 0 : index
    %swap3A_6 = arith.constant 0 : index
    %swap3A_7 = vector.load %arg5[%swap3A, %swap3A_6] : memref<512x128xf32, #tpu.memory_space<vmem>>, vector<512x128xf32>
    tpu.vector_store %arg5[%swap3A, %swap3A_6], %dot_general3A_5 {strides = array<i32>} : memref<512x128xf32, #tpu.memory_space<vmem>>, vector<512x128xf32>,
    %get3A_8 = arith.constant 0 : index
    %get3A_9 = arith.constant 0 : index
    %get3A_10 = vector.load %arg3[%get3A_8, %get3A_9] : memref<128x128xf32, #tpu.memory_space<vmem>>, vector<128x128xf32>
    %dot_general3A_11 = arith.constant dense<0.000000e+00> : vector<512x128xf32>
    %dot_general3A_12 = tpu.matmul %get3A_1, %get3A_10, %dot_general3A_11 {dimension_numbers = #tpu.dot_dimension_numbers<[1], [1], [0], [0], [0, 0, 1, 0], [], []>, transpose_lhs_hint = false} : vector<512x128xf32>, vector<128x128xf32>, vector<512x128xf32> -> vector<512x128xf32>
    %get3A_13 = arith.constant 0 : index
    %get3A_14 = vector.load %arg4[%get3A_13] : memref<128xf32, #tpu.memory_space<vmem>>, vector<128xf32>
    %broadcast_in_dim3A = vector.shape_cast %get3A_14 : vector<128xf32> to vector<1x128xf32>
    %add3A = vector.broadcast %broadcast_in_dim3A : vector<1x128xf32> to vector<512x128xf32>
    %add3A_15 = arith.addf %dot_general3A_12, %add3A : vector<512x128xf32>
    %swap3A_16 = arith.constant 0 : index
    %swap3A_17 = arith.constant 0 : index
    %swap3A_18 = vector.load %arg6[%swap3A_16, %swap3A_17] : memref<512x128xf32, #tpu.memory_space<vmem>>, vector<512x128xf32>
    tpu.vector_store %arg6[%swap3A_16, %swap3A_17], %add3A_15 {strides = array<i32>} : memref<512x128xf32, #tpu.memory_space<vmem>>, vector<512x128xf32>,
    return
  }
  func.func @transform_0(%arg0: i32) -> (i32, i32) {
    %c0_i32 = arith.constant 0 : i32
    %c0_i32_0 = arith.constant 0 : i32
    return %arg0, %c0_i32 : i32, i32
  }
  func.func @transform_1(%arg0: i32) -> (i32, i32) {
    %c0_i32 = arith.constant 0 : i32
    %c0_i32_0 = arith.constant 0 : i32
    %c0_i32_1 = arith.constant 0 : i32
    return %c0_i32, %c0_i32_0 : i32, i32
  }
  func.func @transform_2(%arg0: i32) -> (i32, i32) {
    %c0_i32 = arith.constant 0 : i32
    %c0_i32_0 = arith.constant 0 : i32
    %c0_i32_1 = arith.constant 0 : i32
    return %c0_i32, %c0_i32_0 : i32, i32
  }
  func.func @transform_3(%arg0: i32) -> i32 {
    %c0_i32 = arith.constant 0 : i32
    %c0_i32_0 = arith.constant 0 : i32
    return %c0_i32 : i32
  }
  func.func @transform_4(%arg0: i32) -> (i32, i32) {
    %c0_i32 = arith.constant 0 : i32
    %c0_i32_0 = arith.constant 0 : i32
    return %arg0, %c0_i32 : i32, i32
  }
  func.func @transform_5(%arg0: i32) -> (i32, i32) {
    %c0_i32 = arith.constant 0 : i32
    %c0_i32_0 = arith.constant 0 : i32
    return %arg0, %c0_i32 : i32, i32
  }
}

module attributes {stable_mosaic.version = 14 : i64} {
  func.func @_final_body(%arg0: i32, %arg1: memref<512x128xf32, #tpu.memory_space<vmem>>, %arg2: memref<512xf32, #tpu.memory_space<vmem>>, %arg3: memref<512x128xf32, #tpu.memory_space<vmem>>, %arg4: memref<512x128xf32, #tpu.memory_space<vmem>>) attributes {dimension_semantics = [#tpu.dimension_semantics<arbitrary>], iteration_bounds = array<i64: 20>, scalar_prefetch = 0 : i64, scratch_operands = 0 : i64, tpu.core_type = #tpu.core_type<tc>, window_params = [{transform_indices = @transform_0, window_bounds = array<i64: 512, 128>}, {transform_indices = @transform_1, window_bounds = array<i64: 512>}, {transform_indices = @transform_2, window_bounds = array<i64: 512, 128>}, {transform_indices = @transform_3, window_bounds = array<i64: 512, 128>}]} {
    %get3A = arith.constant 0 : index
    %get3A_0 = arith.constant 0 : index
    %get3A_1 = vector.load %arg1[%get3A, %get3A_0] : memref<512x128xf32, #tpu.memory_space<vmem>>, vector<512x128xf32>
    %get3A_2 = arith.constant 0 : index
    %get3A_3 = vector.load %arg2[%get3A_2] : memref<512xf32, #tpu.memory_space<vmem>>, vector<512xf32>
    %broadcast_in_dim3A = vector.shape_cast %get3A_3 : vector<512xf32> to vector<512x1xf32>
    %mul3A = vector.broadcast %broadcast_in_dim3A : vector<512x1xf32> to vector<512x128xf32>
    %mul3A_4 = arith.mulf %get3A_1, %mul3A : vector<512x128xf32>
    %get3A_5 = arith.constant 0 : index
    %get3A_6 = arith.constant 0 : index
    %get3A_7 = vector.load %arg3[%get3A_5, %get3A_6] : memref<512x128xf32, #tpu.memory_space<vmem>>, vector<512x128xf32>
    %add3A = arith.addf %mul3A_4, %get3A_7 : vector<512x128xf32>
    %swap3A = arith.constant 0 : index
    %swap3A_8 = arith.constant 0 : index
    %swap3A_9 = vector.load %arg4[%swap3A, %swap3A_8] : memref<512x128xf32, #tpu.memory_space<vmem>>, vector<512x128xf32>
    tpu.vector_store %arg4[%swap3A, %swap3A_8], %add3A {strides = array<i32>} : memref<512x128xf32, #tpu.memory_space<vmem>>, vector<512x128xf32>,
    return
  }
  func.func @transform_0(%arg0: i32) -> (i32, i32) {
    %c0_i32 = arith.constant 0 : i32
    %c0_i32_0 = arith.constant 0 : i32
    return %arg0, %c0_i32 : i32, i32
  }
  func.func @transform_1(%arg0: i32) -> i32 {
    %c0_i32 = arith.constant 0 : i32
    return %arg0 : i32
  }
  func.func @transform_2(%arg0: i32) -> (i32, i32) {
    %c0_i32 = arith.constant 0 : i32
    %c0_i32_0 = arith.constant 0 : i32
    return %arg0, %c0_i32 : i32, i32
  }
  func.func @transform_3(%arg0: i32) -> (i32, i32) {
    %c0_i32 = arith.constant 0 : i32
    %c0_i32_0 = arith.constant 0 : i32
    return %arg0, %c0_i32 : i32, i32
  }
}

module attributes {stable_mosaic.version = 14 : i64} {
  func.func @_mid_body(%arg0: i32, %arg1: memref<512x128xf32, #tpu.memory_space<vmem>>, %arg2: memref<1x16x512xf32, #tpu.memory_space<vmem>>, %arg3: memref<512x128xf32, #tpu.memory_space<vmem>>, %arg4: memref<128x128xf32, #tpu.memory_space<vmem>>, %arg5: memref<128x128xf32, #tpu.memory_space<vmem>>, %arg6: memref<128xf32, #tpu.memory_space<vmem>>, %arg7: memref<512x128xf32, #tpu.memory_space<vmem>>, %arg8: memref<512x128xf32, #tpu.memory_space<vmem>>, %arg9: memref<512xf32, #tpu.memory_space<vmem>>) attributes {dimension_semantics = [#tpu.dimension_semantics<arbitrary>], iteration_bounds = array<i64: 20>, scalar_prefetch = 0 : i64, scratch_operands = 0 : i64, tpu.core_type = #tpu.core_type<tc>, window_params = [{transform_indices = @transform_0, window_bounds = array<i64: 512, 128>}, {transform_indices = @transform_1, window_bounds = array<i64: 1, 16, 512>}, {transform_indices = @transform_2, window_bounds = array<i64: 512, 128>}, {pipeline_mode = #tpu.pipeline_mode<synchronous>, transform_indices = @transform_3, window_bounds = array<i64: 128, 128>}, {pipeline_mode = #tpu.pipeline_mode<synchronous>, transform_indices = @transform_4, window_bounds = array<i64: 128, 128>}, {pipeline_mode = #tpu.pipeline_mode<synchronous>, transform_indices = @transform_5, window_bounds = array<i64: 128>}, {transform_indices = @transform_6, window_bounds = array<i64: 512, 128>}, {transform_indices = @transform_7, window_bounds = array<i64: 512, 128>}, {transform_indices = @transform_8, window_bounds = array<i64: 512>}]} {
    %get3A = arith.constant 0 : index
    %get3A_0 = arith.constant 0 : index
    %get3A_1 = arith.constant 0 : index
    %get3A_2 = vector.load %arg2[%get3A, %get3A_0, %get3A_1] : memref<1x16x512xf32, #tpu.memory_space<vmem>>, vector<1x16x512xf32>
    %get3A_3 = vector.shape_cast %get3A_2 : vector<1x16x512xf32> to vector<16x512xf32>
    %reduce_sum3A = arith.constant dense<0.000000e+00> : vector<512xf32>
    %reduce_sum3A_4 = vector.multi_reduction <add>, %get3A_3, %reduce_sum3A [0] : vector<16x512xf32> to vector<512xf32>
    %max3A = arith.constant 1.000000e+00 : f32
    %max3A_5 = vector.broadcast %max3A : f32 to vector<512xf32>
    %max3A_6 = arith.maximumf %reduce_sum3A_4, %max3A_5 : vector<512xf32>
    %div3A = arith.constant 1.000000e+00 : f32
    %div3A_7 = vector.broadcast %div3A : f32 to vector<512xf32>
    %div3A_8 = arith.divf %div3A_7, %max3A_6 : vector<512xf32>
    %get3A_9 = arith.constant 0 : index
    %get3A_10 = arith.constant 0 : index
    %get3A_11 = vector.load %arg1[%get3A_9, %get3A_10] : memref<512x128xf32, #tpu.memory_space<vmem>>, vector<512x128xf32>
    %broadcast_in_dim3A = vector.shape_cast %div3A_8 : vector<512xf32> to vector<512x1xf32>
    %mul3A = vector.broadcast %broadcast_in_dim3A : vector<512x1xf32> to vector<512x128xf32>
    %mul3A_12 = arith.mulf %get3A_11, %mul3A : vector<512x128xf32>
    %get3A_13 = arith.constant 0 : index
    %get3A_14 = arith.constant 0 : index
    %get3A_15 = vector.load %arg3[%get3A_13, %get3A_14] : memref<512x128xf32, #tpu.memory_space<vmem>>, vector<512x128xf32>
    %add3A = arith.addf %mul3A_12, %get3A_15 : vector<512x128xf32>
    %max3A_16 = arith.constant 0.000000e+00 : f32
    %max3A_17 = vector.broadcast %max3A_16 : f32 to vector<512x128xf32>
    %max3A_18 = arith.maximumf %add3A, %max3A_17 : vector<512x128xf32>
    %get3A_19 = arith.constant 0 : index
    %get3A_20 = arith.constant 0 : index
    %get3A_21 = vector.load %arg4[%get3A_19, %get3A_20] : memref<128x128xf32, #tpu.memory_space<vmem>>, vector<128x128xf32>
    %dot_general3A = arith.constant dense<0.000000e+00> : vector<512x128xf32>
    %dot_general3A_22 = tpu.matmul %max3A_18, %get3A_21, %dot_general3A {dimension_numbers = #tpu.dot_dimension_numbers<[1], [1], [0], [0], [0, 0, 1, 0], [], []>, transpose_lhs_hint = false} : vector<512x128xf32>, vector<128x128xf32>, vector<512x128xf32> -> vector<512x128xf32>
    %swap3A = arith.constant 0 : index
    %swap3A_23 = arith.constant 0 : index
    %swap3A_24 = vector.load %arg7[%swap3A, %swap3A_23] : memref<512x128xf32, #tpu.memory_space<vmem>>, vector<512x128xf32>
    tpu.vector_store %arg7[%swap3A, %swap3A_23], %dot_general3A_22 {strides = array<i32>} : memref<512x128xf32, #tpu.memory_space<vmem>>, vector<512x128xf32>,
    %get3A_25 = arith.constant 0 : index
    %get3A_26 = arith.constant 0 : index
    %get3A_27 = vector.load %arg5[%get3A_25, %get3A_26] : memref<128x128xf32, #tpu.memory_space<vmem>>, vector<128x128xf32>
    %dot_general3A_28 = arith.constant dense<0.000000e+00> : vector<512x128xf32>
    %dot_general3A_29 = tpu.matmul %max3A_18, %get3A_27, %dot_general3A_28 {dimension_numbers = #tpu.dot_dimension_numbers<[1], [1], [0], [0], [0, 0, 1, 0], [], []>, transpose_lhs_hint = false} : vector<512x128xf32>, vector<128x128xf32>, vector<512x128xf32> -> vector<512x128xf32>
    %get3A_30 = arith.constant 0 : index
    %get3A_31 = vector.load %arg6[%get3A_30] : memref<128xf32, #tpu.memory_space<vmem>>, vector<128xf32>
    %broadcast_in_dim3A_32 = vector.shape_cast %get3A_31 : vector<128xf32> to vector<1x128xf32>
    %add3A_33 = vector.broadcast %broadcast_in_dim3A_32 : vector<1x128xf32> to vector<512x128xf32>
    %add3A_34 = arith.addf %dot_general3A_29, %add3A_33 : vector<512x128xf32>
    %swap3A_35 = arith.constant 0 : index
    %swap3A_36 = arith.constant 0 : index
    %swap3A_37 = vector.load %arg8[%swap3A_35, %swap3A_36] : memref<512x128xf32, #tpu.memory_space<vmem>>, vector<512x128xf32>
    tpu.vector_store %arg8[%swap3A_35, %swap3A_36], %add3A_34 {strides = array<i32>} : memref<512x128xf32, #tpu.memory_space<vmem>>, vector<512x128xf32>,
    %swap3A_38 = arith.constant 0 : index
    %swap3A_39 = vector.load %arg9[%swap3A_38] : memref<512xf32, #tpu.memory_space<vmem>>, vector<512xf32>
    tpu.vector_store %arg9[%swap3A_38], %div3A_8 {strides = array<i32>} : memref<512xf32, #tpu.memory_space<vmem>>, vector<512xf32>,
    return
  }
  func.func @transform_0(%arg0: i32) -> (i32, i32) {
    %c0_i32 = arith.constant 0 : i32
    %c0_i32_0 = arith.constant 0 : i32
    return %arg0, %c0_i32 : i32, i32
  }
  func.func @transform_1(%arg0: i32) -> (i32, i32, i32) {
    %jit3A = arith.constant 10 : i32
    %div3A = arith.divsi %arg0, %jit3A : i32
    %sign3A = arith.constant 0 : i32
    %sign3A_0 = arith.cmpi sgt, %arg0, %sign3A : i32
    %sign3A_1 = arith.extui %sign3A_0 : i1 to i32
    %sign3A_2 = arith.constant 0 : i32
    %sign3A_3 = arith.cmpi slt, %arg0, %sign3A_2 : i32
    %sign3A_4 = arith.extui %sign3A_3 : i1 to i32
    %sign3A_5 = arith.subi %sign3A_1, %sign3A_4 : i32
    %sign3A_6 = arith.constant 0 : i32
    %sign3A_7 = arith.cmpi sgt, %jit3A, %sign3A_6 : i32
    %sign3A_8 = arith.extui %sign3A_7 : i1 to i32
    %sign3A_9 = arith.constant 0 : i32
    %sign3A_10 = arith.cmpi slt, %jit3A, %sign3A_9 : i32
    %sign3A_11 = arith.extui %sign3A_10 : i1 to i32
    %sign3A_12 = arith.subi %sign3A_8, %sign3A_11 : i32
    %ne3A = arith.cmpi ne, %sign3A_5, %sign3A_12 : i32
    %rem3A = arith.remsi %arg0, %jit3A : i32
    %ne3A_13 = arith.constant 0 : i32
    %ne3A_14 = arith.cmpi ne, %rem3A, %ne3A_13 : i32
    %and3A = arith.andi %ne3A, %ne3A_14 : i1
    %sub3A = arith.constant 1 : i32
    %sub3A_15 = arith.subi %div3A, %sub3A : i32
    %select_n3A = arith.select %and3A, %sub3A_15, %div3A : i32
    %jit3A_16 = arith.constant 10 : i32
    %eq3A = arith.constant 0 : i32
    %eq3A_17 = arith.cmpi eq, %jit3A_16, %eq3A : i32
    %jit3A_18 = arith.constant 1 : i32
    %select_n3A_19 = arith.select %eq3A_17, %jit3A_18, %jit3A_16 : i32
    %rem3A_20 = arith.remsi %arg0, %select_n3A_19 : i32
    %ne3A_21 = arith.constant 0 : i32
    %ne3A_22 = arith.cmpi ne, %rem3A_20, %ne3A_21 : i32
    %lt3A = arith.constant 0 : i32
    %lt3A_23 = arith.cmpi slt, %rem3A_20, %lt3A : i32
    %lt3A_24 = arith.constant 0 : i32
    %lt3A_25 = arith.cmpi slt, %select_n3A_19, %lt3A_24 : i32
    %ne3A_26 = arith.xori %lt3A_23, %lt3A_25 : i1
    %and3A_27 = arith.andi %ne3A_26, %ne3A_22 : i1
    %add3A = arith.addi %rem3A_20, %select_n3A_19 : i32
    %select_n3A_28 = arith.select %and3A_27, %add3A, %rem3A_20 : i32
    %c0_i32 = arith.constant 0 : i32
    %c0_i32_29 = arith.constant 0 : i32
    return %select_n3A, %c0_i32, %select_n3A_28 : i32, i32, i32
  }
  func.func @transform_2(%arg0: i32) -> (i32, i32) {
    %c0_i32 = arith.constant 0 : i32
    %c0_i32_0 = arith.constant 0 : i32
    return %arg0, %c0_i32 : i32, i32
  }
  func.func @transform_3(%arg0: i32) -> (i32, i32) {
    %c0_i32 = arith.constant 0 : i32
    %c0_i32_0 = arith.constant 0 : i32
    %c0_i32_1 = arith.constant 0 : i32
    return %c0_i32, %c0_i32_0 : i32, i32
  }
  func.func @transform_4(%arg0: i32) -> (i32, i32) {
    %c0_i32 = arith.constant 0 : i32
    %c0_i32_0 = arith.constant 0 : i32
    %c0_i32_1 = arith.constant 0 : i32
    return %c0_i32, %c0_i32_0 : i32, i32
  }
  func.func @transform_5(%arg0: i32) -> i32 {
    %c0_i32 = arith.constant 0 : i32
    %c0_i32_0 = arith.constant 0 : i32
    return %c0_i32 : i32
  }
  func.func @transform_6(%arg0: i32) -> (i32, i32) {
    %c0_i32 = arith.constant 0 : i32
    %c0_i32_0 = arith.constant 0 : i32
    return %arg0, %c0_i32 : i32, i32
  }
  func.func @transform_7(%arg0: i32) -> (i32, i32) {
    %c0_i32 = arith.constant 0 : i32
    %c0_i32_0 = arith.constant 0 : i32
    return %arg0, %c0_i32 : i32, i32
  }
  func.func @transform_8(%arg0: i32) -> i32 {
    %c0_i32 = arith.constant 0 : i32
    return %arg0 : i32
  }
}

</mosaic_0001>

<sc_bundles>
// kernel: kernel.10.cloned.1.call-start
scs
__scs_entry_jumppad:
0x0: {  	(pc) =	sbr.rel $0x88, $3  }
0x1: {  	(tag) =	ssettag $0x0;
	lr =	simm.s32 $0x1  }
0x2: {  	[smem:$0x3F99] =	sst lr;
	_ =	strace $0xD0000000  }
0x3: {  	_ = 	snop  }
0x4: {  	_ = 	snop  }
0x5: {  	_ = 	snop  }
0x6: {  	_ = 	snop  }
0x7: {  	_ = 	snop  }
__scs_overlays_trampoline_lowered:
0x8: {  	[smem:$0x3FA8] =	sst s0  }
0x9: {  	[smem:$0x3FA9] =	sst s1  }
0xa: {  	[smem:$0x3FAA] =	sst s2  }
0xb: {  	[smem:$0x3FAB] =	sst s3  }
0xc: {  	[smem:$0x3FAC] =	sst s4  }
0xd: {  	[smem:$0x3FAD] =	sst s5  }
0xe: {  	[smem:$0x3FAE] =	sst s6  }
0xf: {  	[smem:$0x3FAF] =	sst s7  }
0x10: {  	[smem:$0x3FB0] =	sst s8  }
0x11: {  	[smem:$0x3FB1] =	sst s9;
	s0 =	simm.s32 @!p0 $0x0  }
0x12: {  	s1 =	sld [smem:$0x3F97];
	s0 =	simm.s32 @p0 $0x1  }
0x13: {  	[smem:$0x3FB2] =	sst s0;
	s0 =	simm.s32 @!p1 $0x0  }
0x14: {  	s2 =	sld [smem:$0x3F96];
	s0 =	simm.s32 @p1 $0x1  }
0x15: {  	[smem:$0x3FB3] =	sst s0;
	s0 =	simm.s32 @!p2 $0x0  }
0x16: {  	s3 =	sld [smem:$0x3FDB];
	s0 =	simm.s32 @p2 $0x1  }
0x17: {  	s4 =	simm.s32 $0x1BF5;
	[smem:$0x3FB5] =	sst s0  }
0x18: {  	s0 =	sld [smem:$0x3F98];
	_ =	swait.ge [sflag:s4], $0x0  }
0x19: {  	s7 =	sld [smem:$0x3F99]  }
0x1a: {  	s8 =	sadd.s32 $0xFFFFE003, lr  }
0x1b: {  	s9 =	sadd.s32 $0xFFFFFEF7, lr;
	s5 =	simm.s32 $0xFFFFFFFF;
	p2 =	slt.u32 s8, $0xFFFFF086  }
0x1c: {  	p1 =	slt.u32 s9, $0xF7A;
	s5 =	simm.s32 @!p2 $0x0  }
0x1d: {  	s5 =	simm.s32 @p1 $0x1;
	p0 =	seq.s32 s7, s2  }
0x1e: {  	s7 =	smul.u32 @!p0 $0xF7A, s2;
	p2 =	seq.s32 @!p0 s5, $0x0  }
0x1f: {  	s9 =	smul.u32 $0xF7A, s1;
	s8 =	simm.s32 @!p0 $0x1BF5;
	p2 =	por !p2, p0  }
0x20: {  	[sflag:s8] =	ssyncset.s32 @!p0 $0xFFFFF086;
	s6 =	sadd.s32 @!p0 s3, s7;
	s7 =	simm.s32 @!p0 $0x108  }
0x21: {  	s3 =	sadd.s32 s3, s9;
	s6 =	sadd.s32 @!p0 $0x88, s6;
	s7 =	simm.s32 @p2 $0x1082  }
0x22: {  	[simem:s7], [sflag:s8] =	dma.local @!p0 [hbm:s6], $0xF7A  }
0x23: {  	s9 =	sor.u32 $0xD0000000, s2;
	s6 =	simm.s32 $0x108;
	_ =	swait.ge @!p0 [sflag:s8], $0x0  }
0x24: {  	s3 =	sadd.s32 $0x88, s3;
	s6 =	simm.s32 @!p1 $0x1082;
	[sflag:s4] =	ssyncset.s32 $0xFFFFF086  }
0x25: {  	[simem:s6], [sflag:s4] =	dma.local [hbm:s3], $0xF7A  }
0x26: {  	[smem:$0x3F99] =	sst s1;
	(tag) =	ssettag s2;
	_ =	strace s9  }
0x27: {  	s1 =	sld [smem:$0x3FA9]  }
0x28: {  	s2 =	sld [smem:$0x3FAA]  }
0x29: {  	s4 =	sld [smem:$0x3FAC]  }
0x2a: {  	p0 =	seq.s32 s5, $0x0;
	s5 =	sld [smem:$0x3FAD]  }
0x2b: {  	s6 =	sld [smem:$0x3FAE]  }
0x2c: {  	s7 =	sld [smem:$0x3FAF]  }
0x2d: {  	s3 =	simm.s32 $0x108;
	s8 =	sld [smem:$0x3FB0]  }
0x2e: {  	s3 =	simm.s32 @!p0 $0x1082;
	s9 =	sld [smem:$0x3FB1]  }
0x2f: {  	lr =	sadd.s32 s0, s3;
	s0 =	sld [smem:$0x3FA8]  }
0x30: {  	s3 =	sld [smem:$0x3FAB]  }
0x31: {  	[smem:$0x3FB4] =	sst s10  }
0x32: {  	s10 =	sld [smem:$0x3FB2];
	_ =	sdelay $0x3  }
0x33: {  	p0 =	seq.s32 s10, $0x1;
	s10 =	sld [smem:$0x3FB4];
	_ =	sdelay $0x3  }
0x34: {  	[smem:$0x3FB4] =	sst s10  }
0x35: {  	s10 =	sld [smem:$0x3FB3];
	_ =	sdelay $0x3  }
0x36: {  	p1 =	seq.s32 s10, $0x1;
	s10 =	sld [smem:$0x3FB4];
	_ =	sdelay $0x3  }
0x37: {  	[smem:$0x3FB4] =	sst s10  }
0x38: {  	s10 =	sld [smem:$0x3FB5]  }
0x39: {  	_ = 	snop;
	(pc) =	sbr.ind lr, $3  }
0x3a: {  	_ = 	snop  }
0x3b: {  	_ = 	snop  }
0x3c: {  	p2 =	seq.s32 s10, $0x1;
	s10 =	sld [smem:$0x3FB4]  }
0x3d: {  	_ =	shalt  }
0x3e: {  	_ =	shalt  }
0x3f: {  	_ =	shalt  }
0x40: {  	_ =	shalt  }
0x41: {  	_ =	shalt  }
0x42: {  	_ =	shalt  }
0x43: {  	_ =	shalt  }
0x44: {  	_ =	shalt  }
0x45: {  	_ =	shalt  }
0x46: {  	_ =	shalt  }
0x47: {  	_ =	shalt  }
0x48: {  	_ =	shalt  }
0x49: {  	_ =	shalt  }
0x4a: {  	_ =	shalt  }
0x4b: {  	_ =	shalt  }
0x4c: {  	_ =	shalt  }
0x4d: {  	_ =	shalt  }
0x4e: {  	_ =	shalt  }
0x4f: {  	_ =	shalt  }
0x50: {  	_ =	shalt  }
0x51: {  	_ =	shalt  }
0x52: {  	_ =	shalt  }
0x53: {  	_ =	shalt  }
0x54: {  	_ =	shalt  }
0x55: {  	_ =	shalt  }
0x56: {  	_ =	shalt  }
0x57: {  	_ =	shalt  }
0x58: {  	_ =	shalt  }
0x59: {  	_ =	shalt  }
0x5a: {  	_ =	shalt  }
0x5b: {  	_ =	shalt  }
0x5c: {  	_ =	shalt  }
0x5d: {  	_ =	shalt  }
0x5e: {  	_ =	shalt  }
0x5f: {  	_ =	shalt  }
0x60: {  	_ =	shalt  }
0x61: {  	_ =	shalt  }
0x62: {  	_ =	shalt  }
0x63: {  	_ =	shalt  }
0x64: {  	_ =	shalt  }
0x65: {  	_ =	shalt  }
0x66: {  	_ =	shalt  }
0x67: {  	_ =	shalt  }
0x68: {  	_ =	shalt  }
0x69: {  	_ =	shalt  }
0x6a: {  	_ =	shalt  }
0x6b: {  	_ =	shalt  }
0x6c: {  	_ =	shalt  }
0x6d: {  	_ =	shalt  }
0x6e: {  	_ =	shalt  }
0x6f: {  	_ =	shalt  }
0x70: {  	_ =	shalt  }
0x71: {  	_ =	shalt  }
0x72: {  	_ =	shalt  }
0x73: {  	_ =	shalt  }
0x74: {  	_ =	shalt  }
0x75: {  	_ =	shalt  }
0x76: {  	_ =	shalt  }
0x77: {  	_ =	shalt  }
0x78: {  	_ =	shalt  }
0x79: {  	_ =	shalt  }
0x7a: {  	_ =	shalt  }
0x7b: {  	_ =	shalt  }
0x7c: {  	_ =	shalt  }
0x7d: {  	_ =	shalt  }
0x7e: {  	_ =	shalt  }
0x7f: {  	_ =	shalt  }
0x80: {  	_ =	shalt  }
0x81: {  	_ =	shalt  }
0x82: {  	_ =	shalt  }
0x83: {  	_ =	shalt  }
0x84: {  	_ =	shalt  }
0x85: {  	_ =	shalt  }
0x86: {  	_ =	shalt  }
0x87: {  	_ =	shalt  }
.Lfunc_end0:
.L_simem_size_0:
called_computation.1_lowered:
.L_overlay_start_0:
0x88: {  	s2 =	sld [smem:$0x3FD9]  }
0x89: {  	s3 =	sld [smem:$0x3FFE];
	_ =	sdelay $0x1  }
0x8a: {  	s1 =	srdreg.scid  }
0x8b: {  	s0 =	sand.u32 $0x1, s1  }
0x8c: {  	s17 =	sshll.u32 s0, $0xA;
	s2 =	sadd.s32 s3, s2  }
0x8d: {  	s2 =	sadd.s32 s2, s17  }
0x8e: {  	[smem:$0x3FC0] =	sst s2  }
0x8f: {  	_ = 	snop  }
0x90: {  	s2 =	sld [smem:$0x3FD0];
	(tm) =	ssettm $0x1  }
0x91: {  	s18 =	sld [smem:$0x3FFB];
	_ =	sdelay $0x3  }
0x92: {  	_ =	strace s18  }
0x93: {  	s3 =	sld [smem:$0x3FFC];
	_ =	sdelay $0x3  }
0x94: {  	_ =	strace s3  }
0x95: {  	s3 =	sld [smem:$0x3FFD];
	_ =	sdelay $0x3  }
0x96: {  	_ =	strace s3  }
0x97: {  	_ =	strace $0x8FFFFFFF  }
0x98: {  	s19 =	sld [smem:$0x3FDB];
	_ =	sdelay $0x1  }
0x99: {  	s4 =	simm.s32 $_scs_section_size  }
0x9a: {  	s5 =	simm.s32 $_size__tile_overlayer_lowered;
	s6 =	simm.s32 $_tile_overlayer_lowered  }
0x9b: {  	s22 =	simm.s32 $0x1BFF;
	s21 =	sshll.u32 s6, $0x1;
	s3 =	sadd.s32 s4, s19  }
0x9c: {  	s7 =	simm.s32 $0x0;
	s20 =	sshll.u32 s5, $0x1;
	s5 =	sadd.s32 s21, s3  }
0x9d: {  	[timem:s7], [sflag:s22] =	dma.local [hbm:s5], s20  }
0x9e: {  	_ =	swait.ge [sflag:s22], s20  }
0x9f: {  	s4 =	ssub.s32 $0x0, s20;
	[sflag:s22] =	ssyncset.done $0x0  }
0xa0: {  	[sflag:s22] =	ssyncadd.s32 s4;
	_ =	sdelay $0x1  }
0xa1: {  	s23 =	simm.s32 $0x1B8B  }
0xa2: {  	_ =	swait.ge [sflag:s23], $0x1  }
0xa3: {  	[sflag:s23] =	ssyncset.done $0x0  }
0xa4: {  	s25 =	simm.s32 $0x1B8E;
	s24 =	sld [smem:$0x3FFE];
	[sflag:s23] =	ssyncadd.s32 $0xFFFFFFFF  }
0xa5: {  	s26 =	simm.s32 $execute0_lowered;
	[smem:$0x3FD2] =	sst s25  }
0xa6: {  	s5 =	sshll.u32 s26, $0x1;
	_ =	strace $0x80000049;
	[dreg:$0x1] =	wrdreg $0xFFFFFFFF  }
0xa7: {  	s28 =	simm.s32 $_size_execute0_lowered;
	s3 =	sadd.s32 s3, s5;
	[dreg:$0x0] =	wrdreg $0x0  }
0xa8: {  	s5 =	sshll.u32 s28, $0x1;
	[dreg:$0x2] =	wrdreg s3  }
0xa9: {  	[dreg:$0x3] =	wrdreg s5  }
0xaa: {  	[dreg:$0x4] =	wrdreg $0xC0  }
0xab: {  	_ =	task [dreg:s7], $0x5FFFF  }
0xac: {  	[dreg:$0x1] =	wrdreg $0xFFFFFFFF  }
0xad: {  	[dreg:$0x0] =	wrdreg $0x60  }
0xae: {  	[dreg:$0x2] =	wrdreg s2  }
0xaf: {  	[dreg:$0x3] =	wrdreg s24  }
0xb0: {  	[dreg:$0x4] =	wrdreg $0x93000  }
0xb1: {  	[dreg:$0x5] =	wrdreg $0x9  }
0xb2: {  	_ =	task.clear_ibuf [dreg:s7], $0x6FFFF;
	_ =	strace $0x90000049  }
0xb3: {  	s29 =	simm.s32 $0x9;
	_ =	strace $0x8000004B  }
0xb4: {  	_ =	swait.ge [sflag:s29], $0x1  }
0xb5: {  	[sflag:s29] =	ssyncadd.s32 $0xFFFFFFFF  }
0xb6: {  	_ =	strace $0x9000004B  }
0xb7: {  	_ =	sfence  }
0xb8: {  	s30 =	sld [smem:$0x0];
	_ =	sdelay $0x2  }
0xb9: {  	s31 =	sshll.u32 s1, $0xD;
	s1 =	sshrl.u32 s1, $0x2  }
0xba: {  	s3 =	sand.u32 $0x4000, s31;
	s1 =	sadd.s32 s1, s30  }
0xbb: {  	s0 =	sor.u32 s3, s0;
	s1 =	sshll.u32 s1, $0x11  }
0xbc: {  	s0 =	sor.u32 s1, s0  }
0xbd: {  	s0 =	sadd.s32 $0x8F2B, s0  }
0xbe: {  	[sflag:s0] =	ssyncadd.remote.s32 $0x1  }
0xbf: {  	_ =	sfence.sel $0xFFFF  }
0xc0: {  	[dreg:$0x0] =	wrdreg $0xFFFFFFFF;
	(pc) =	sbr.abs _section_cstart, $3  }
0xc1: {  	[dreg:$0x1] =	wrdreg $0xFFFFFFFF  }
0xc2: {  	_ =	task.clear_ibuf [dreg:s7], $0x2FFFF;
	_ =	strace $0x9FFFFFFF  }
0xc3: {  	(tm) =	ssettm $0x7FFFFFFF  }
tec
execute0_lowered:
.L_overlay_start_1:
0x0: {  	(tag) =	ssettag $0x1  }
0x1: {  	s1 =	rddreg [dreg:$0x0]  }
0x2: {  	s0 =	rddreg [dreg:$0x1]  }
0x3: {  	s3 =	rddreg [dreg:$0x2];
	s4 =	simm.s32 $0x0;
	s22 =	stileid.u32  }
0x4: {  	s2 =	srdreg.scid;
	s28 =	simm.s32 $0x80;
	s29 =	simm.s32 $0x180  }
0x5: {  	s30 =	simm.s32 $0x4180;
	s31 =	simm.s32 $0x4300;
	[smem:$0x7FF] =	sst s4  }
0x6: {  	s5 =	smul.u32 $0x13C0, s22;
	s2 =	sand.u32 $0x1, s2;
	s7 =	sadd.s32 $0x16200, s0  }
0x7: {  	s8 =	sshll.u32 s22, $0xE;
	p0 =	sgt.u32 s22, $0x3;
	p1 =	sgt.u32 s22, $0x7  }
0x8: {  	_ =	strace $0x8000004A;
	s6 =	ssub.s32 $0x2, s2;
	[dreg:$0x4] =	wrdreg s7  }
0x9: {  	s9 =	smul.u32 $0x1400, s2;
	s10 =	sor.u32 $0x40000, s8;
	s21 =	sor.u32 $0x80000, s8  }
0xa: {  	s18 =	sshrl.u32 s8, $0x2;
	s2 =	smul.u32 $0xA0000, s2;
	s25 =	sadd.s32 s8, s3  }
0xb: {  	s5 =	sadd.s32 s5, s0;
	s17 =	sshrl.u32 s6, $0x1;
	s0 =	sadd.s32 $0x16800, s0  }
0xc: {  	s11 =	sshrl.u32 s10, $0x2;
	s12 =	sshrl.u32 s21, $0x2;
	s26 =	sadd.s32 s10, s3  }
0xd: {  	s22 =	sshrl.u32 s25, $0x3;
	s25 =	simm.s32 $0x8300;
	s7 =	ssub.s32 s6, s17  }
0xe: {  	s6 =	sadd.s32 s18, s3;
	s11 =	sadd.s32 s11, s3;
	s19 =	sadd.s32 s12, s3  }
0xf: {  	s16 =	sadd.s32 s2, s8;
	s17 =	sadd.s32 s2, s10;
	[dreg:$0x5] =	wrdreg s11  }
0x10: {  	s2 =	sadd.s32 s2, s21;
	s8 =	simm.s32 $0x0;
	[dreg:$0x6] =	wrdreg s19  }
0x11: {  	s20 =	sadd.s32 $0x30000, s6;
	s23 =	sadd.s32 $0x40000, s6;
	s24 =	sadd.s32 $0x50000, s6  }
0x12: {  	s12 =	sadd.s32 $0x60000, s6;
	s13 =	sadd.s32 $0x70000, s6;
	s14 =	sadd.s32 $0x80000, s6  }
0x13: {  	s15 =	sadd.s32 $0x90000, s6;
	s16 =	sshrl.u32 s16, $0x3;
	[dreg:$0x7] =	wrdreg s20  }
0x14: {  	s17 =	sshrl.u32 s17, $0x3;
	s2 =	sshrl.u32 s2, $0x3;
	[dreg:$0x8] =	wrdreg s23  }
0x15: {  	s19 =	sadd.s32 $0xA0000, s6;
	[dreg:$0x9] =	wrdreg s24;
	s16 =	sadd.s32 s0, s16  }
0x16: {  	v8 =	vlaneseq.u32;
	s17 =	sadd.s32 s0, s17;
	s18 =	sadd.s32 s0, s2;
	s20 =	sadd.s32 $0x2400, s5  }
0x17: {  	v1 =	vor.u32 $0x1400, v8;
	v2 =	vor.u32 $0x1410, v8;
	v3 =	vor.u32 $0x1420, v8;
	s5 =	sadd.s32 s21, s3;
	s21 =	smax.u32 s7, $0x1;
	s23 =	sshrl.u32 s26, $0x3  }
0x18: {  	v4 =	vor.u32 $0x1430, v8;
	v5 =	vor.u32 $0x1440, v8;
	v6 =	vor.u32 $0x1450, v8;
	s26 =	simm.s32 $0x3;
	s0 =	simm.s32 $0x1;
	s2 =	simm.s32 $0x100  }
0x19: {  	v7 =	vor.u32 $0x1460, v8;
	v8 =	vor.u32 $0x1470, v8;
	v0 =	vmov s9;
	s7 =	simm.s32 $0x4280;
	s24 =	sshrl.u32 @!p1 s5, $0x3;
	s5 =	simm.s32 $0x2  }
.LBB2_1:
0x1a: {  	s9 =	rddreg [dreg:$0x4]  }
0x1b: {  	[tilespmem:s25], [sflag:$0x3] =	stream.linear.gather [hbm4b:s9+s4], $0x1000, $0x38;
	[tilespmem:$0x13700] =	vst v63  }
0x1c: {  	_ =	swait.ge [sflag:s26], $0x1000  }
0x1d: {  	[sflag:s26] =	ssyncset.done $0x0  }
0x1e: {  	[sflag:s26] =	ssyncadd.s32 $0xFFFFF000  }
0x1f: {  	[spmem:s6] =	stream.linear.scatter [tilespmem:s25], [sflag:$0x3], $0x1000, $0x38;
	[tilespmem:$0x13700] =	vst v63  }
0x20: {  	_ =	swait.ge [sflag:s26], $0x1000  }
0x21: {  	[sflag:s26] =	ssyncset.done $0x0  }
0x22: {  	s10 =	rddreg [dreg:$0x5];
	[sflag:s26] =	ssyncadd.s32 $0xFFFFF000  }
0x23: {  	[spmem:s10] =	stream.linear.scatter [tilespmem:s25], [sflag:$0x3], $0x1000, $0x38;
	[tilespmem:$0x13700] =	vst v63  }
0x24: {  	_ =	swait.ge [sflag:s26], $0x1000  }
0x25: {  	[sflag:s26] =	ssyncset.done $0x0  }
0x26: {  	s11 =	rddreg [dreg:$0x6];
	[sflag:s26] =	ssyncadd.s32 $0xFFFFF000  }
0x27: {  	[spmem:s11] =	stream.linear.scatter [tilespmem:s25], [sflag:$0x3], $0x1000, $0x38;
	[tilespmem:$0x13700] =	vst v63  }
0x28: {  	_ =	swait.ge [sflag:s26], $0x1000  }
0x29: {  	[sflag:s26] =	ssyncset.done $0x0  }
0x2a: {  	s10 =	rddreg [dreg:$0x7];
	[sflag:s26] =	ssyncadd.s32 $0xFFFFF000  }
0x2b: {  	[spmem:s10] =	stream.linear.scatter [tilespmem:s25], [sflag:$0x3], $0x1000, $0x38;
	[tilespmem:$0x13700] =	vst v63  }
0x2c: {  	_ =	swait.ge [sflag:s26], $0x1000  }
0x2d: {  	[sflag:s26] =	ssyncset.done $0x0  }
0x2e: {  	s11 =	rddreg [dreg:$0x8];
	[sflag:s26] =	ssyncadd.s32 $0xFFFFF000  }
0x2f: {  	[spmem:s11] =	stream.linear.scatter [tilespmem:s25], [sflag:$0x3], $0x1000, $0x38;
	[tilespmem:$0x13700] =	vst v63  }
0x30: {  	_ =	swait.ge [sflag:s26], $0x1000  }
0x31: {  	[sflag:s26] =	ssyncset.done $0x0  }
0x32: {  	s10 =	rddreg [dreg:$0x9];
	[sflag:s26] =	ssyncadd.s32 $0xFFFFF000  }
0x33: {  	[spmem:s10] =	stream.linear.scatter [tilespmem:s25], [sflag:$0x3], $0x1000, $0x38;
	[tilespmem:$0x13700] =	vst v63  }
0x34: {  	_ =	swait.ge [sflag:s26], $0x1000  }
0x35: {  	[sflag:s26] =	ssyncset.done $0x0  }
0x36: {  	[sflag:s26] =	ssyncadd.s32 $0xFFFFF000  }
0x37: {  	[spmem:s12] =	stream.linear.scatter [tilespmem:s25], [sflag:$0x3], $0x1000, $0x38;
	[tilespmem:$0x13700] =	vst v63  }
0x38: {  	_ =	swait.ge [sflag:s26], $0x1000  }
0x39: {  	[sflag:s26] =	ssyncset.done $0x0  }
0x3a: {  	[sflag:s26] =	ssyncadd.s32 $0xFFFFF000  }
0x3b: {  	[spmem:s13] =	stream.linear.scatter [tilespmem:s25], [sflag:$0x3], $0x1000, $0x38;
	[tilespmem:$0x13700] =	vst v63  }
0x3c: {  	_ =	swait.ge [sflag:s26], $0x1000  }
0x3d: {  	[sflag:s26] =	ssyncset.done $0x0  }
0x3e: {  	[sflag:s26] =	ssyncadd.s32 $0xFFFFF000  }
0x3f: {  	[spmem:s14] =	stream.linear.scatter [tilespmem:s25], [sflag:$0x3], $0x1000, $0x38;
	[tilespmem:$0x13700] =	vst v63  }
0x40: {  	_ =	swait.ge [sflag:s26], $0x1000  }
0x41: {  	[sflag:s26] =	ssyncset.done $0x0  }
0x42: {  	[sflag:s26] =	ssyncadd.s32 $0xFFFFF000  }
0x43: {  	[spmem:s15] =	stream.linear.scatter [tilespmem:s25], [sflag:$0x3], $0x1000, $0x38;
	[tilespmem:$0x13700] =	vst v63  }
0x44: {  	_ =	swait.ge [sflag:s26], $0x1000  }
0x45: {  	[sflag:s26] =	ssyncset.done $0x0  }
0x46: {  	s9 =	simm.s32 @!p0 $0x8300;
	[sflag:s26] =	ssyncadd.s32 $0xFFFFF000  }
0x47: {  	[spmem:s19] =	stream.linear.scatter @!p0 [tilespmem:s9], [sflag:$0x3], $0x1000, $0x38;
	[tilespmem:$0x13700] =	vst v63  }
0x48: {  	s9 =	simm.s32 @!p0 $0x3  }
0x49: {  	_ =	swait.ge @!p0 [sflag:s9], $0x1000  }
0x4a: {  	[sflag:s9] =	ssyncset.done @!p0 $0x0  }
0x4b: {  	[sflag:s9] =	ssyncadd.s32 @!p0 $0xFFFFF000  }
0x4c: {  	[bflag:$0x0] =	sbarrier.arrive $0xFFFF  }
0x4d: {  	[tilespmem:s4], [sflag:$0x3] =	stream.linear.gather [hbm4b:s20+s4], $0x100, $0x38;
	[tilespmem:$0x13700] =	vst v63  }
0x4e: {  	_ =	swait.ge [sflag:s26], $0x100  }
0x4f: {  	[sflag:s26] =	ssyncset.done $0x0  }
0x50: {  	s11 =	sadd.s32 $0xFFFFEC40, s20;
	[sflag:s26] =	ssyncadd.s32 $0xFFFFFF00  }
0x51: {  	[tilespmem:s29], [sflag:$0x1] =	stream.indirect.gather [hbm4b:s1+s28], $0x80, s4, s28, $0xb8;
	[tilespmem:$0x13700] =	vst v63  }
0x52: {  	s10 =	sadd.s32 $0x13E0, s11  }
0x53: {  	[tilespmem:s30], [sflag:$0x3] =	stream.linear.gather [hbm4b:s10+s4], $0x100, $0x38;
	[tilespmem:$0x13700] =	vst v63  }
0x54: {  	_ =	swait.ge [sflag:s26], $0x100  }
0x55: {  	[sflag:s26] =	ssyncset.done $0x0  }
0x56: {  	[sflag:s26] =	ssyncadd.s32 $0xFFFFFF00  }
0x57: {  	[tilespmem:s31], [sflag:$0x2] =	stream.indirect.gather [hbm4b:s1+s28], $0x80, s30, s28, $0xb8;
	[tilespmem:$0x13700] =	vst v63  }
0x58: {  	v9 =	vld [tilespmem:$0xF0]  }
0x59: {  	v10 =	vld [tilespmem:$0xA0]  }
0x5a: {  	v11 =	vld [tilespmem:$0x90]  }
0x5b: {  	v12 =	vld [tilespmem:$0xE0]  }
0x5c: {  	v13 =	vld [tilespmem:$0xB0]  }
0x5d: {  	v14 =	vld [tilespmem:$0xD0];
	v9 =	vsub.s32 v9, v0  }
0x5e: {  	v15 =	vld [tilespmem:$0xC0];
	v10 =	vsub.s32 v10, v0;
	vm0 =	vlt.u32 v9, $0x1400  }
0x5f: {  	v16 =	vld [tilespmem:$0x80];
	v11 =	vsub.s32 v11, v0;
	vm1 =	vlt.u32 v10, $0x1400;
	v9 =	vsel vm0, v9, v8  }
0x60: {  	v12 =	vsub.s32 v12, v0;
	vm10 =	vlt.u32 v11, $0x1400;
	v10 =	vsel vm1, v10, v3;
	[tilespmem:$0x170] =	vst v9  }
0x61: {  	vm11 =	vlt.u32 v12, $0x1400;
	v9 =	vsel vm10, v11, v2;
	[tilespmem:$0x120] =	vst v10;
	v10 =	vsub.s32 v13, v0  }
0x62: {  	v11 =	vsel vm11, v12, v7;
	[tilespmem:$0x110] =	vst v9;
	vm12 =	vlt.u32 v10, $0x1400;
	v9 =	vsub.s32 v14, v0  }
0x63: {  	v12 =	vsub.s32 v15, v0;
	[tilespmem:$0x160] =	vst v11;
	v10 =	vsel vm12, v10, v4;
	vm13 =	vlt.u32 v9, $0x1400  }
0x64: {  	v11 =	vsub.s32 v16, v0;
	vm14 =	vlt.u32 v12, $0x1400;
	[tilespmem:$0x130] =	vst v10;
	v9 =	vsel vm13, v9, v6  }
0x65: {  	vm15 =	vlt.u32 v11, $0x1400;
	v10 =	vsel vm14, v12, v5;
	[tilespmem:$0x150] =	vst v9  }
0x66: {  	v9 =	vsel vm15, v11, v1;
	[tilespmem:$0x140] =	vst v10  }
0x67: {  	[tilespmem:$0x100] =	vst v9  }
0x68: {  	_ =	swait.ge [sflag:s0], $0x4000  }
0x69: {  	[sflag:s0] =	ssyncset.done $0x0  }
0x6a: {  	[sflag:s0] =	ssyncadd.s32 $0xFFFFC000  }
0x6b: {  	[spmem:s3] =	stream.indirect.scatter.add.f32 [tilespmem:s29], [sflag:$0x3], $0x80, s2, s28, $0xb8;
	[tilespmem:$0x13700] =	vst v63  }
0x6c: {  	_ =	swait.ge [sflag:s26], $0x4000  }
0x6d: {  	[sflag:s26] =	ssyncset.done $0x0  }
0x6e: {  	s9 =	sadd.s32 $0x1400, s11;
	[sflag:s26] =	ssyncadd.s32 $0xFFFFC000  }
0x6f: {  	[tilespmem:s4], [sflag:$0x3] =	stream.linear.gather [hbm4b:s9+s4], $0x100, $0x38;
	[tilespmem:$0x13700] =	vst v63  }
0x70: {  	_ =	swait.ge [sflag:s26], $0x100  }
0x71: {  	[sflag:s26] =	ssyncset.done $0x0  }
0x72: {  	[sflag:s26] =	ssyncadd.s32 $0xFFFFFF00  }
0x73: {  	[tilespmem:s29], [sflag:$0x1] =	stream.indirect.gather [hbm4b:s1+s28], $0x80, s4, s28, $0xb8;
	[tilespmem:$0x13700] =	vst v63  }
0x74: {  	v12 =	vld [tilespmem:$0x4270]  }
0x75: {  	v11 =	vld [tilespmem:$0x4210]  }
0x76: {  	v9 =	vld [tilespmem:$0x4230]  }
0x77: {  	s9 =	simm.s32 $0xFFFFEC80;
	v10 =	vld [tilespmem:$0x4240]  }
.LBB2_2:
0x78: {  	p2 =	sne.s32 s9, $0xFFFFFFC0;
	v13 =	vld [tilespmem:$0x4220];
	s10 =	smov.u32 s9;
	s9 =	sadd.s32 $0x40, s9  }
0x79: {  	v14 =	vld [tilespmem:$0x4200];
	v12 =	vsub.s32 v12, v0  }
0x7a: {  	v11 =	vsub.s32 v11, v0;
	v15 =	vld [tilespmem:$0x4250];
	vm0 =	vlt.u32 v12, $0x1400  }
0x7b: {  	vm1 =	vlt.u32 v11, $0x1400;
	v16 =	vld [tilespmem:$0x4260];
	v12 =	vsel vm0, v12, v8  }
0x7c: {  	v9 =	vsub.s32 v9, v0;
	v11 =	vsel vm1, v11, v2;
	v10 =	vsub.s32 v10, v0;
	[tilespmem:$0x42F0] =	vst v12  }
0x7d: {  	vm0 =	vlt.u32 v9, $0x1400;
	[tilespmem:$0x4290] =	vst v11;
	v11 =	vsub.s32 v13, v0;
	vm1 =	vlt.u32 v10, $0x1400  }
0x7e: {  	v9 =	vsel vm0, v9, v4;
	vm2 =	vlt.u32 v11, $0x1400;
	v10 =	vsel vm1, v10, v5  }
0x7f: {  	v12 =	vsub.s32 v14, v0;
	v11 =	vsel vm2, v11, v3;
	[tilespmem:$0x42B0] =	vst v9;
	v9 =	vsub.s32 v15, v0  }
0x80: {  	vm0 =	vlt.u32 v12, $0x1400;
	[tilespmem:$0x42C0] =	vst v10;
	vm1 =	vlt.u32 v9, $0x1400;
	v10 =	vsub.s32 v16, v0  }
0x81: {  	v12 =	vsel vm0, v12, v1;
	[tilespmem:$0x42A0] =	vst v11;
	v9 =	vsel vm1, v9, v6;
	vm0 =	vlt.u32 v10, $0x1400  }
0x82: {  	[tilespmem:$0x42D0] =	vst v9;
	v9 =	vsel vm0, v10, v7  }
0x83: {  	[tilespmem:$0x4280] =	vst v12  }
0x84: {  	[tilespmem:$0x42E0] =	vst v9  }
0x85: {  	_ =	swait.ge [sflag:s5], $0x4000  }
0x86: {  	[sflag:s5] =	ssyncset.done $0x0  }
0x87: {  	[sflag:s5] =	ssyncadd.s32 $0xFFFFC000  }
0x88: {  	[spmem:s3] =	stream.indirect.scatter.add.f32 [tilespmem:s31], [sflag:$0x3], $0x80, s7, s28, $0xb8;
	[tilespmem:$0x13700] =	vst v63  }
0x89: {  	_ =	swait.ge [sflag:s26], $0x4000  }
0x8a: {  	s10 =	sadd.s32 s10, s20;
	[sflag:s26] =	ssyncset.done $0x0  }
0x8b: {  	s11 =	sadd.s32 $0x13E0, s10;
	[sflag:s26] =	ssyncadd.s32 $0xFFFFC000  }
0x8c: {  	[tilespmem:s30], [sflag:$0x3] =	stream.linear.gather [hbm4b:s11+s4], $0x100, $0x38;
	[tilespmem:$0x13700] =	vst v63  }
0x8d: {  	_ =	swait.ge [sflag:s26], $0x100  }
0x8e: {  	[sflag:s26] =	ssyncset.done $0x0  }
0x8f: {  	[sflag:s26] =	ssyncadd.s32 $0xFFFFFF00  }
0x90: {  	[tilespmem:s31], [sflag:$0x2] =	stream.indirect.gather [hbm4b:s1+s28], $0x80, s30, s28, $0xb8;
	[tilespmem:$0x13700] =	vst v63  }
0x91: {  	v9 =	vld [tilespmem:$0xF0]  }
0x92: {  	v10 =	vld [tilespmem:$0xA0]  }
0x93: {  	v11 =	vld [tilespmem:$0xC0]  }
0x94: {  	v12 =	vld [tilespmem:$0x90]  }
0x95: {  	v13 =	vld [tilespmem:$0xE0]  }
0x96: {  	v14 =	vld [tilespmem:$0xB0];
	v9 =	vsub.s32 v9, v0  }
0x97: {  	v15 =	vld [tilespmem:$0xD0];
	vm0 =	vlt.u32 v9, $0x1400  }
0x98: {  	v10 =	vsub.s32 v10, v0;
	v16 =	vld [tilespmem:$0x80];
	v11 =	vsub.s32 v11, v0  }
0x99: {  	vm1 =	vlt.u32 v10, $0x1400;
	v9 =	vsel vm0, v9, v8;
	v12 =	vsub.s32 v12, v0  }
0x9a: {  	v10 =	vsel vm1, v10, v3;
	vm0 =	vlt.u32 v12, $0x1400;
	v13 =	vsub.s32 v13, v0;
	[tilespmem:$0x170] =	vst v9  }
0x9b: {  	v9 =	vsel vm0, v12, v2;
	[tilespmem:$0x120] =	vst v10;
	v10 =	vsub.s32 v14, v0;
	vm0 =	vlt.u32 v13, $0x1400  }
0x9c: {  	[tilespmem:$0x110] =	vst v9;
	vm1 =	vlt.u32 v10, $0x1400;
	v9 =	vsub.s32 v15, v0;
	v12 =	vsel vm0, v13, v7  }
0x9d: {  	v13 =	vsub.s32 v16, v0;
	v10 =	vsel vm1, v10, v4;
	vm0 =	vlt.u32 v9, $0x1400;
	[tilespmem:$0x160] =	vst v12  }
0x9e: {  	vm2 =	vlt.u32 v11, $0x1400;
	vm1 =	vlt.u32 v13, $0x1400;
	[tilespmem:$0x130] =	vst v10;
	v9 =	vsel vm0, v9, v6  }
0x9f: {  	v11 =	vsel vm2, v11, v5;
	v10 =	vsel vm1, v13, v1;
	[tilespmem:$0x150] =	vst v9  }
0xa0: {  	[tilespmem:$0x140] =	vst v11  }
0xa1: {  	[tilespmem:$0x100] =	vst v10  }
0xa2: {  	_ =	swait.ge [sflag:s0], $0x4000  }
0xa3: {  	[sflag:s0] =	ssyncset.done $0x0  }
0xa4: {  	[sflag:s0] =	ssyncadd.s32 $0xFFFFC000  }
0xa5: {  	[spmem:s3] =	stream.indirect.scatter.add.f32 [tilespmem:s29], [sflag:$0x3], $0x80, s2, s28, $0xb8;
	[tilespmem:$0x13700] =	vst v63  }
0xa6: {  	_ =	swait.ge [sflag:s26], $0x4000  }
0xa7: {  	[sflag:s26] =	ssyncset.done $0x0  }
0xa8: {  	s10 =	sadd.s32 $0x1400, s10;
	[sflag:s26] =	ssyncadd.s32 $0xFFFFC000  }
0xa9: {  	[tilespmem:s4], [sflag:$0x3] =	stream.linear.gather [hbm4b:s10+s4], $0x100, $0x38;
	[tilespmem:$0x13700] =	vst v63  }
0xaa: {  	_ =	swait.ge [sflag:s26], $0x100  }
0xab: {  	[sflag:s26] =	ssyncset.done $0x0  }
0xac: {  	[sflag:s26] =	ssyncadd.s32 $0xFFFFFF00  }
0xad: {  	[tilespmem:s29], [sflag:$0x1] =	stream.indirect.gather [hbm4b:s1+s28], $0x80, s4, s28, $0xb8;
	[tilespmem:$0x13700] =	vst v63  }
.Ltmp0:
0xae: {  	_ = 	snop;
	(pc) =	sbr.rel @p2 .LBB2_2-.Ltmp0, $4  }
0xaf: {  	v12 =	vld [tilespmem:$0x4270]  }
0xb0: {  	v11 =	vld [tilespmem:$0x4210]  }
0xb1: {  	v9 =	vld [tilespmem:$0x4230]  }
0xb2: {  	v10 =	vld [tilespmem:$0x4240]  }
0xb3: {  	v13 =	vld [tilespmem:$0x4220]  }
0xb4: {  	v14 =	vld [tilespmem:$0x4250];
	v12 =	vsub.s32 v12, v0  }
0xb5: {  	v15 =	vld [tilespmem:$0x4200];
	v11 =	vsub.s32 v11, v0;
	vm0 =	vlt.u32 v12, $0x1400  }
0xb6: {  	v16 =	vld [tilespmem:$0x4260];
	vm1 =	vlt.u32 v11, $0x1400;
	v12 =	vsel vm0, v12, v8;
	v9 =	vsub.s32 v9, v0  }
0xb7: {  	v11 =	vsel vm1, v11, v2;
	v10 =	vsub.s32 v10, v0;
	[tilespmem:$0x42F0] =	vst v12;
	vm10 =	vlt.u32 v9, $0x1400  }
0xb8: {  	[tilespmem:$0x4290] =	vst v11;
	v11 =	vsub.s32 v13, v0;
	vm11 =	vlt.u32 v10, $0x1400;
	v9 =	vsel vm10, v9, v4  }
0xb9: {  	vm12 =	vlt.u32 v11, $0x1400;
	v10 =	vsel vm11, v10, v5;
	[tilespmem:$0x42B0] =	vst v9;
	v9 =	vsub.s32 v14, v0  }
0xba: {  	v63 =	vsub.s32 v15, v0;
	v11 =	vsel vm12, v11, v3;
	[tilespmem:$0x42C0] =	vst v10;
	vm13 =	vlt.u32 v9, $0x1400  }
0xbb: {  	vm14 =	vlt.u32 v63, $0x1400;
	v10 =	vsub.s32 v16, v0;
	[tilespmem:$0x42A0] =	vst v11;
	v9 =	vsel vm13, v9, v6  }
0xbc: {  	v11 =	vsel vm14, v63, v1;
	vm15 =	vlt.u32 v10, $0x1400;
	[tilespmem:$0x42D0] =	vst v9  }
0xbd: {  	v9 =	vsel vm15, v10, v7;
	[tilespmem:$0x4280] =	vst v11  }
0xbe: {  	[tilespmem:$0x42E0] =	vst v9  }
0xbf: {  	_ =	swait.ge [sflag:s5], $0x4000  }
0xc0: {  	[sflag:s5] =	ssyncset.done $0x0  }
0xc1: {  	[sflag:s5] =	ssyncadd.s32 $0xFFFFC000  }
0xc2: {  	[spmem:s3] =	stream.indirect.scatter.add.f32 [tilespmem:s31], [sflag:$0x3], $0x80, s7, s28, $0xb8;
	[tilespmem:$0x13700] =	vst v63  }
0xc3: {  	_ =	swait.ge [sflag:s26], $0x4000  }
0xc4: {  	[sflag:s26] =	ssyncset.done $0x0  }
0xc5: {  	[sflag:s26] =	ssyncadd.s32 $0xFFFFC000  }
0xc6: {  	_ =	swait.ge [sflag:s0], $0x4000  }
0xc7: {  	s9 =	stileid.u32;
	[sflag:s0] =	ssyncset.done $0x0  }
0xc8: {  	s9 =	sshll.u32 s9, $0x6;
	[sflag:s0] =	ssyncadd.s32 $0xFFFFC000  }
0xc9: {  	s9 =	sor.u32 $0x1C03, s9;
	[bflag:$0x0] =	sbarrier.arrive $0xFFFF  }
0xca: {  	[hbm:s16], [sflag:s9] =	dma.local [spmem:s22], $0x800  }
0xcb: {  	_ =	swait.ge [sflag:s26], $0x800  }
0xcc: {  	[sflag:s26] =	ssyncset.done $0x0  }
0xcd: {  	[sflag:s26] =	ssyncadd.s32 $0xFFFFF800  }
0xce: {  	[hbm:s17], [sflag:s9] =	dma.local [spmem:s23], $0x800  }
0xcf: {  	_ =	swait.ge [sflag:s26], $0x800  }
0xd0: {  	s8 =	sadd.s32 $0x1, s8;
	[sflag:s26] =	ssyncset.done $0x0  }
0xd1: {  	p2 =	sne.s32 s8, s21;
	[sflag:s26] =	ssyncadd.s32 $0xFFFFF800  }
0xd2: {  	[hbm:s18], [sflag:s9] =	dma.local @!p1 [spmem:s24], $0x800  }
.Ltmp1:
0xd3: {  	_ = 	snop;
	(pc) =	sbr.rel @p2 .LBB2_1-.Ltmp1, $4  }
0xd4: {  	s9 =	simm.s32 @!p1 $0x3  }
0xd5: {  	_ =	swait.ge @!p1 [sflag:s9], $0x800  }
0xd6: {  	[sflag:s9] =	ssyncset.done @!p1 $0x0  }
0xd7: {  	[sflag:s9] =	ssyncadd.s32 @!p1 $0xFFFFF800  }
0xd8: {  	_ =	sfence.sel $0x180000  }
0xd9: {  	[bflag:$0x0] =	sbarrier.arrive $0xFFFF  }
0xda: {  	_ =	strace $0x9000004A  }
0xdb: {  	s0 =	stileid.u32;
	[bflag:$0x2] =	sbarrier.arrive $0xFFFF  }
0xdc: {  	p0 =	sne.s32 s0, $0x0;
	s0 =	rddreg [dreg:$0x3]  }
0xdd: {  	s0 =	sadd.s32 @!p0 $0x100000, s0  }
0xde: {  	[sflag:s0] =	ssyncadd.tile.s32 @!p0 $0x1;
	_ =	shalt  }
.Lfunc_end2:
_tile_overlayer_lowered:
.L_overlay_start_2:
0xdf: {  	(tag) =	ssettag $0x2  }
0xe0: {  	s0 =	rddreg [dreg:$0x0];
	s2 =	stileid.u32  }
0xe1: {  	s1 =	rddreg [dreg:$0x1];
	p0 =	sne.s32 s2, $0x0  }
0xe2: {  	s3 =	rddreg [dreg:$0x2];
	[bflag:$0x3] =	sbarrier.arrive $0xFFFF;
	s2 =	simm.s32 @!p0 $0x1C03  }
0xe3: {  	[timem:s3], [sflag:s2] =	dma.local @!p0 [hbm:s0], s1  }
0xe4: {  	s0 =	simm.s32 @!p0 $0x3  }
0xe5: {  	_ =	swait.ge @!p0 [sflag:s0], s1  }
0xe6: {  	s1 =	ssub.s32 @!p0 $0x0, s1;
	[sflag:s0] =	ssyncset.done @!p0 $0x0  }
0xe7: {  	[sflag:s0] =	ssyncadd.s32 @!p0 s1  }
0xe8: {  	[bflag:$0x3] =	sbarrier.arrive $0xFFFF  }
0xe9: {  	_ =	shalt  }

// kernel: kernel.7.cloned.1.call-start
scs
__scs_entry_jumppad:
0x0: {  	(pc) =	sbr.rel $0x88, $3  }
0x1: {  	(tag) =	ssettag $0x0;
	lr =	simm.s32 $0x1  }
0x2: {  	[smem:$0x3F99] =	sst lr;
	_ =	strace $0xD0000000  }
0x3: {  	_ = 	snop  }
0x4: {  	_ = 	snop  }
0x5: {  	_ = 	snop  }
0x6: {  	_ = 	snop  }
0x7: {  	_ = 	snop  }
__scs_overlays_trampoline_lowered:
0x8: {  	[smem:$0x3FA8] =	sst s0  }
0x9: {  	[smem:$0x3FA9] =	sst s1  }
0xa: {  	[smem:$0x3FAA] =	sst s2  }
0xb: {  	[smem:$0x3FAB] =	sst s3  }
0xc: {  	[smem:$0x3FAC] =	sst s4  }
0xd: {  	[smem:$0x3FAD] =	sst s5  }
0xe: {  	[smem:$0x3FAE] =	sst s6  }
0xf: {  	[smem:$0x3FAF] =	sst s7  }
0x10: {  	[smem:$0x3FB0] =	sst s8  }
0x11: {  	[smem:$0x3FB1] =	sst s9;
	s0 =	simm.s32 @!p0 $0x0  }
0x12: {  	s1 =	sld [smem:$0x3F97];
	s0 =	simm.s32 @p0 $0x1  }
0x13: {  	[smem:$0x3FB2] =	sst s0;
	s0 =	simm.s32 @!p1 $0x0  }
0x14: {  	s2 =	sld [smem:$0x3F96];
	s0 =	simm.s32 @p1 $0x1  }
0x15: {  	[smem:$0x3FB3] =	sst s0;
	s0 =	simm.s32 @!p2 $0x0  }
0x16: {  	s3 =	sld [smem:$0x3FDB];
	s0 =	simm.s32 @p2 $0x1  }
0x17: {  	s4 =	simm.s32 $0x1BF5;
	[smem:$0x3FB5] =	sst s0  }
0x18: {  	s0 =	sld [smem:$0x3F98];
	_ =	swait.ge [sflag:s4], $0x0  }
0x19: {  	s7 =	sld [smem:$0x3F99]  }
0x1a: {  	s8 =	sadd.s32 $0xFFFFE003, lr  }
0x1b: {  	s9 =	sadd.s32 $0xFFFFFEF7, lr;
	s5 =	simm.s32 $0xFFFFFFFF;
	p2 =	slt.u32 s8, $0xFFFFF086  }
0x1c: {  	p1 =	slt.u32 s9, $0xF7A;
	s5 =	simm.s32 @!p2 $0x0  }
0x1d: {  	s5 =	simm.s32 @p1 $0x1;
	p0 =	seq.s32 s7, s2  }
0x1e: {  	s7 =	smul.u32 @!p0 $0xF7A, s2;
	p2 =	seq.s32 @!p0 s5, $0x0  }
0x1f: {  	s9 =	smul.u32 $0xF7A, s1;
	s8 =	simm.s32 @!p0 $0x1BF5;
	p2 =	por !p2, p0  }
0x20: {  	[sflag:s8] =	ssyncset.s32 @!p0 $0xFFFFF086;
	s6 =	sadd.s32 @!p0 s3, s7;
	s7 =	simm.s32 @!p0 $0x108  }
0x21: {  	s3 =	sadd.s32 s3, s9;
	s6 =	sadd.s32 @!p0 $0x88, s6;
	s7 =	simm.s32 @p2 $0x1082  }
0x22: {  	[simem:s7], [sflag:s8] =	dma.local @!p0 [hbm:s6], $0xF7A  }
0x23: {  	s9 =	sor.u32 $0xD0000000, s2;
	s6 =	simm.s32 $0x108;
	_ =	swait.ge @!p0 [sflag:s8], $0x0  }
0x24: {  	s3 =	sadd.s32 $0x88, s3;
	s6 =	simm.s32 @!p1 $0x1082;
	[sflag:s4] =	ssyncset.s32 $0xFFFFF086  }
0x25: {  	[simem:s6], [sflag:s4] =	dma.local [hbm:s3], $0xF7A  }
0x26: {  	[smem:$0x3F99] =	sst s1;
	(tag) =	ssettag s2;
	_ =	strace s9  }
0x27: {  	s1 =	sld [smem:$0x3FA9]  }
0x28: {  	s2 =	sld [smem:$0x3FAA]  }
0x29: {  	s4 =	sld [smem:$0x3FAC]  }
0x2a: {  	p0 =	seq.s32 s5, $0x0;
	s5 =	sld [smem:$0x3FAD]  }
0x2b: {  	s6 =	sld [smem:$0x3FAE]  }
0x2c: {  	s7 =	sld [smem:$0x3FAF]  }
0x2d: {  	s3 =	simm.s32 $0x108;
	s8 =	sld [smem:$0x3FB0]  }
0x2e: {  	s3 =	simm.s32 @!p0 $0x1082;
	s9 =	sld [smem:$0x3FB1]  }
0x2f: {  	lr =	sadd.s32 s0, s3;
	s0 =	sld [smem:$0x3FA8]  }
0x30: {  	s3 =	sld [smem:$0x3FAB]  }
0x31: {  	[smem:$0x3FB4] =	sst s10  }
0x32: {  	s10 =	sld [smem:$0x3FB2];
	_ =	sdelay $0x3  }
0x33: {  	p0 =	seq.s32 s10, $0x1;
	s10 =	sld [smem:$0x3FB4];
	_ =	sdelay $0x3  }
0x34: {  	[smem:$0x3FB4] =	sst s10  }
0x35: {  	s10 =	sld [smem:$0x3FB3];
	_ =	sdelay $0x3  }
0x36: {  	p1 =	seq.s32 s10, $0x1;
	s10 =	sld [smem:$0x3FB4];
	_ =	sdelay $0x3  }
0x37: {  	[smem:$0x3FB4] =	sst s10  }
0x38: {  	s10 =	sld [smem:$0x3FB5]  }
0x39: {  	_ = 	snop;
	(pc) =	sbr.ind lr, $3  }
0x3a: {  	_ = 	snop  }
0x3b: {  	_ = 	snop  }
0x3c: {  	p2 =	seq.s32 s10, $0x1;
	s10 =	sld [smem:$0x3FB4]  }
0x3d: {  	_ =	shalt  }
0x3e: {  	_ =	shalt  }
0x3f: {  	_ =	shalt  }
0x40: {  	_ =	shalt  }
0x41: {  	_ =	shalt  }
0x42: {  	_ =	shalt  }
0x43: {  	_ =	shalt  }
0x44: {  	_ =	shalt  }
0x45: {  	_ =	shalt  }
0x46: {  	_ =	shalt  }
0x47: {  	_ =	shalt  }
0x48: {  	_ =	shalt  }
0x49: {  	_ =	shalt  }
0x4a: {  	_ =	shalt  }
0x4b: {  	_ =	shalt  }
0x4c: {  	_ =	shalt  }
0x4d: {  	_ =	shalt  }
0x4e: {  	_ =	shalt  }
0x4f: {  	_ =	shalt  }
0x50: {  	_ =	shalt  }
0x51: {  	_ =	shalt  }
0x52: {  	_ =	shalt  }
0x53: {  	_ =	shalt  }
0x54: {  	_ =	shalt  }
0x55: {  	_ =	shalt  }
0x56: {  	_ =	shalt  }
0x57: {  	_ =	shalt  }
0x58: {  	_ =	shalt  }
0x59: {  	_ =	shalt  }
0x5a: {  	_ =	shalt  }
0x5b: {  	_ =	shalt  }
0x5c: {  	_ =	shalt  }
0x5d: {  	_ =	shalt  }
0x5e: {  	_ =	shalt  }
0x5f: {  	_ =	shalt  }
0x60: {  	_ =	shalt  }
0x61: {  	_ =	shalt  }
0x62: {  	_ =	shalt  }
0x63: {  	_ =	shalt  }
0x64: {  	_ =	shalt  }
0x65: {  	_ =	shalt  }
0x66: {  	_ =	shalt  }
0x67: {  	_ =	shalt  }
0x68: {  	_ =	shalt  }
0x69: {  	_ =	shalt  }
0x6a: {  	_ =	shalt  }
0x6b: {  	_ =	shalt  }
0x6c: {  	_ =	shalt  }
0x6d: {  	_ =	shalt  }
0x6e: {  	_ =	shalt  }
0x6f: {  	_ =	shalt  }
0x70: {  	_ =	shalt  }
0x71: {  	_ =	shalt  }
0x72: {  	_ =	shalt  }
0x73: {  	_ =	shalt  }
0x74: {  	_ =	shalt  }
0x75: {  	_ =	shalt  }
0x76: {  	_ =	shalt  }
0x77: {  	_ =	shalt  }
0x78: {  	_ =	shalt  }
0x79: {  	_ =	shalt  }
0x7a: {  	_ =	shalt  }
0x7b: {  	_ =	shalt  }
0x7c: {  	_ =	shalt  }
0x7d: {  	_ =	shalt  }
0x7e: {  	_ =	shalt  }
0x7f: {  	_ =	shalt  }
0x80: {  	_ =	shalt  }
0x81: {  	_ =	shalt  }
0x82: {  	_ =	shalt  }
0x83: {  	_ =	shalt  }
0x84: {  	_ =	shalt  }
0x85: {  	_ =	shalt  }
0x86: {  	_ =	shalt  }
0x87: {  	_ =	shalt  }
.Lfunc_end0:
.L_simem_size_0:
called_computation_lowered:
.L_overlay_start_0:
0x88: {  	s2 =	sld [smem:$0x3FD9]  }
0x89: {  	s3 =	sld [smem:$0x3FFE];
	_ =	sdelay $0x1  }
0x8a: {  	s1 =	srdreg.scid  }
0x8b: {  	s0 =	sand.u32 $0x1, s1  }
0x8c: {  	s17 =	sshll.u32 s0, $0xA;
	s2 =	sadd.s32 s3, s2  }
0x8d: {  	s2 =	sadd.s32 s2, s17  }
0x8e: {  	[smem:$0x3FC0] =	sst s2  }
0x8f: {  	_ = 	snop  }
0x90: {  	s2 =	sld [smem:$0x3FD0];
	(tm) =	ssettm $0x1  }
0x91: {  	s18 =	sld [smem:$0x3FFB];
	_ =	sdelay $0x3  }
0x92: {  	_ =	strace s18  }
0x93: {  	s3 =	sld [smem:$0x3FFC];
	_ =	sdelay $0x3  }
0x94: {  	_ =	strace s3  }
0x95: {  	s3 =	sld [smem:$0x3FFD];
	_ =	sdelay $0x3  }
0x96: {  	_ =	strace s3  }
0x97: {  	_ =	strace $0x8FFFFFFF  }
0x98: {  	s19 =	sld [smem:$0x3FDB];
	_ =	sdelay $0x1  }
0x99: {  	s4 =	simm.s32 $_scs_section_size  }
0x9a: {  	s5 =	simm.s32 $_size__tile_overlayer_lowered;
	s6 =	simm.s32 $_tile_overlayer_lowered  }
0x9b: {  	s22 =	simm.s32 $0x1BFF;
	s21 =	sshll.u32 s6, $0x1;
	s3 =	sadd.s32 s4, s19  }
0x9c: {  	s7 =	simm.s32 $0x0;
	s20 =	sshll.u32 s5, $0x1;
	s5 =	sadd.s32 s21, s3  }
0x9d: {  	[timem:s7], [sflag:s22] =	dma.local [hbm:s5], s20  }
0x9e: {  	_ =	swait.ge [sflag:s22], s20  }
0x9f: {  	s4 =	ssub.s32 $0x0, s20;
	[sflag:s22] =	ssyncset.done $0x0  }
0xa0: {  	[sflag:s22] =	ssyncadd.s32 s4;
	_ =	sdelay $0x1  }
0xa1: {  	s23 =	simm.s32 $0x1B8B  }
0xa2: {  	_ =	swait.ge [sflag:s23], $0x1  }
0xa3: {  	[sflag:s23] =	ssyncset.done $0x0  }
0xa4: {  	s25 =	simm.s32 $0x1B8E;
	s24 =	sld [smem:$0x3FFE];
	[sflag:s23] =	ssyncadd.s32 $0xFFFFFFFF  }
0xa5: {  	s26 =	simm.s32 $execute0_lowered;
	[smem:$0x3FD2] =	sst s25  }
0xa6: {  	s5 =	sshll.u32 s26, $0x1;
	_ =	strace $0x80000046;
	[dreg:$0x1] =	wrdreg $0xFFFFFFFF  }
0xa7: {  	s28 =	simm.s32 $_size_execute0_lowered;
	s3 =	sadd.s32 s3, s5;
	[dreg:$0x0] =	wrdreg $0x0  }
0xa8: {  	s5 =	sshll.u32 s28, $0x1;
	[dreg:$0x2] =	wrdreg s3  }
0xa9: {  	[dreg:$0x3] =	wrdreg s5  }
0xaa: {  	[dreg:$0x4] =	wrdreg $0xC0  }
0xab: {  	_ =	task [dreg:s7], $0x5FFFF  }
0xac: {  	[dreg:$0x1] =	wrdreg $0xFFFFFFFF  }
0xad: {  	[dreg:$0x0] =	wrdreg $0x60  }
0xae: {  	[dreg:$0x2] =	wrdreg s2  }
0xaf: {  	[dreg:$0x3] =	wrdreg s24  }
0xb0: {  	[dreg:$0x4] =	wrdreg $0x93000  }
0xb1: {  	[dreg:$0x5] =	wrdreg $0x9  }
0xb2: {  	_ =	task.clear_ibuf [dreg:s7], $0x6FFFF;
	_ =	strace $0x90000046  }
0xb3: {  	s29 =	simm.s32 $0x9;
	_ =	strace $0x80000048  }
0xb4: {  	_ =	swait.ge [sflag:s29], $0x1  }
0xb5: {  	[sflag:s29] =	ssyncadd.s32 $0xFFFFFFFF  }
0xb6: {  	_ =	strace $0x90000048  }
0xb7: {  	_ =	sfence  }
0xb8: {  	s30 =	sld [smem:$0x0];
	_ =	sdelay $0x2  }
0xb9: {  	s31 =	sshll.u32 s1, $0xD;
	s1 =	sshrl.u32 s1, $0x2  }
0xba: {  	s3 =	sand.u32 $0x4000, s31;
	s1 =	sadd.s32 s1, s30  }
0xbb: {  	s0 =	sor.u32 s3, s0;
	s1 =	sshll.u32 s1, $0x11  }
0xbc: {  	s0 =	sor.u32 s1, s0  }
0xbd: {  	s0 =	sadd.s32 $0x8F2B, s0  }
0xbe: {  	[sflag:s0] =	ssyncadd.remote.s32 $0x1  }
0xbf: {  	_ =	sfence.sel $0xFFFF  }
0xc0: {  	[dreg:$0x0] =	wrdreg $0xFFFFFFFF;
	(pc) =	sbr.abs _section_cstart, $3  }
0xc1: {  	[dreg:$0x1] =	wrdreg $0xFFFFFFFF  }
0xc2: {  	_ =	task.clear_ibuf [dreg:s7], $0x2FFFF;
	_ =	strace $0x9FFFFFFF  }
0xc3: {  	(tm) =	ssettm $0x7FFFFFFF  }
tec
execute0_lowered:
.L_overlay_start_1:
0x0: {  	(tag) =	ssettag $0x1  }
0x1: {  	s2 =	rddreg [dreg:$0x0]  }
0x2: {  	s0 =	rddreg [dreg:$0x1]  }
0x3: {  	s3 =	rddreg [dreg:$0x2]  }
0x4: {  	s22 =	stileid.u32;
	s1 =	srdreg.scid  }
0x5: {  	s4 =	simm.s32 $0x0;
	s28 =	simm.s32 $0x8300;
	s29 =	simm.s32 $0x3  }
0x6: {  	s30 =	simm.s32 $0x13700;
	s31 =	simm.s32 $0x80;
	s5 =	smul.u32 $0x13C0, s22  }
0x7: {  	s1 =	sand.u32 $0x1, s1;
	s7 =	sshrl.u32 s22, $0x3;
	[smem:$0x7FF] =	sst s4  }
0x8: {  	s8 =	sshll.u32 s22, $0x7;
	s9 =	sadd.s32 $0x16200, s0;
	s23 =	sadd.s32 $0x16400, s0  }
0x9: {  	s26 =	sshll.u32 s22, $0xE;
	p0 =	sgt.u32 s22, $0x3;
	p1 =	sgt.u32 s22, $0x7  }
0xa: {  	s6 =	smul.u32 $0x18000, s1;
	_ =	strace $0x80000047;
	[dreg:$0x4] =	wrdreg s9  }
0xb: {  	s7 =	smul.u32 $0xC000, s7;
	s21 =	sand.u32 $0x380, s8;
	[dreg:$0x5] =	wrdreg s23  }
0xc: {  	s24 =	ssub.s32 $0x2, s1;
	s8 =	sadd.s32 $0x16800, s0;
	s10 =	smul.u32 $0x1400, s1  }
0xd: {  	s11 =	sor.u32 $0x40000, s26;
	s12 =	sor.u32 $0x80000, s26;
	s17 =	sshrl.u32 s26, $0x2  }
0xe: {  	s1 =	smul.u32 $0xA0000, s1;
	s9 =	simm.s32 $0x2;
	s5 =	sadd.s32 s5, s0  }
0xf: {  	s25 =	sshrl.u32 s24, $0x1;
	s13 =	sshrl.u32 s11, $0x2;
	s14 =	sshrl.u32 s12, $0x2  }
0x10: {  	s6 =	sadd.s32 s6, s7;
	s7 =	sadd.s32 s17, s3;
	s13 =	sadd.s32 s13, s3  }
0x11: {  	s18 =	sadd.s32 s14, s3;
	s15 =	sadd.s32 s1, s26;
	s16 =	sadd.s32 s1, s11  }
0x12: {  	s1 =	sadd.s32 s1, s12;
	v0 =	vmov s10;
	s10 =	simm.s32 $0x4280;
	[dreg:$0x6] =	wrdreg s13  }
0x13: {  	s6 =	sor.u32 s21, s6;
	[dreg:$0x7] =	wrdreg s18;
	s19 =	sadd.s32 $0x30000, s7  }
0x14: {  	s20 =	sadd.s32 $0x40000, s7;
	s21 =	sadd.s32 $0x50000, s7;
	[dreg:$0x8] =	wrdreg s19  }
0x15: {  	s23 =	sadd.s32 $0x60000, s7;
	s15 =	sshrl.u32 s15, $0x3;
	[dreg:$0x9] =	wrdreg s20  }
0x16: {  	s16 =	sshrl.u32 s16, $0x3;
	s1 =	sshrl.u32 s1, $0x3;
	[dreg:$0xa] =	wrdreg s21  }
0x17: {  	s18 =	sadd.s32 $0x80000, s7;
	s6 =	sshrl.u32 s6, $0x3;
	[dreg:$0xb] =	wrdreg s23  }
0x18: {  	s15 =	sadd.s32 s8, s15;
	s16 =	sadd.s32 s8, s16;
	s17 =	sadd.s32 s8, s1  }
0x19: {  	s19 =	sadd.s32 $0x2400, s5;
	s5 =	sadd.s32 s12, s3;
	s1 =	simm.s32 $0x4180  }
0x1a: {  	s8 =	simm.s32 $0x100;
	s0 =	sadd.s32 s6, s0;
	s6 =	ssub.s32 s24, s25  }
0x1b: {  	s24 =	sadd.s32 $0x70000, s7;
	s25 =	sadd.s32 s26, s3;
	s26 =	sadd.s32 s11, s3  }
0x1c: {  	v9 =	vlaneseq.u32;
	s11 =	simm.s32 $0x0;
	[dreg:$0xc] =	wrdreg s24;
	s20 =	sadd.s32 $0x3E800, s0  }
0x1d: {  	v2 =	vimm.f32 $1.000000000e+00;
	v1 =	vor.u32 $0x1400, v9;
	v3 =	vor.u32 $0x1410, v9;
	s21 =	smax.u32 s6, $0x1;
	s22 =	sshrl.u32 s25, $0x3;
	s23 =	sshrl.u32 s26, $0x3  }
0x1e: {  	v4 =	vor.u32 $0x1420, v9;
	v5 =	vor.u32 $0x1430, v9;
	v6 =	vor.u32 $0x1440, v9;
	s24 =	sshrl.u32 @!p1 s5, $0x3;
	s25 =	sadd.s32 $0x90000, s7;
	s26 =	sadd.s32 $0xA0000, s7  }
0x1f: {  	v7 =	vor.u32 $0x1450, v9;
	v8 =	vor.u32 $0x1460, v9;
	v9 =	vor.u32 $0x1470, v9;
	s0 =	simm.s32 $0x180;
	s5 =	simm.s32 $0x4300;
	s6 =	simm.s32 $0x1  }
.LBB2_1:
0x20: {  	s12 =	rddreg [dreg:$0x4]  }
0x21: {  	[tilespmem:s28], [sflag:$0x3] =	stream.linear.gather [hbm4b:s12+s4], $0x1000, $0x38;
	[tilespmem:$0x14F00] =	vst v63  }
0x22: {  	_ =	swait.ge [sflag:s29], $0x1000  }
0x23: {  	[sflag:s29] =	ssyncset.done $0x0  }
0x24: {  	[sflag:s29] =	ssyncadd.s32 $0xFFFFF000  }
0x25: {  	[spmem:s7] =	stream.linear.scatter [tilespmem:s28], [sflag:$0x3], $0x1000, $0x38;
	[tilespmem:$0x14F00] =	vst v63  }
0x26: {  	_ =	swait.ge [sflag:s29], $0x1000  }
0x27: {  	[sflag:s29] =	ssyncset.done $0x0  }
0x28: {  	s13 =	rddreg [dreg:$0x6];
	[sflag:s29] =	ssyncadd.s32 $0xFFFFF000  }
0x29: {  	[spmem:s13] =	stream.linear.scatter [tilespmem:s28], [sflag:$0x3], $0x1000, $0x38;
	[tilespmem:$0x14F00] =	vst v63  }
0x2a: {  	_ =	swait.ge [sflag:s29], $0x1000  }
0x2b: {  	[sflag:s29] =	ssyncset.done $0x0  }
0x2c: {  	s14 =	rddreg [dreg:$0x7];
	[sflag:s29] =	ssyncadd.s32 $0xFFFFF000  }
0x2d: {  	[spmem:s14] =	stream.linear.scatter [tilespmem:s28], [sflag:$0x3], $0x1000, $0x38;
	[tilespmem:$0x14F00] =	vst v63  }
0x2e: {  	_ =	swait.ge [sflag:s29], $0x1000  }
0x2f: {  	[sflag:s29] =	ssyncset.done $0x0  }
0x30: {  	s13 =	rddreg [dreg:$0x8];
	[sflag:s29] =	ssyncadd.s32 $0xFFFFF000  }
0x31: {  	[spmem:s13] =	stream.linear.scatter [tilespmem:s28], [sflag:$0x3], $0x1000, $0x38;
	[tilespmem:$0x14F00] =	vst v63  }
0x32: {  	_ =	swait.ge [sflag:s29], $0x1000  }
0x33: {  	[sflag:s29] =	ssyncset.done $0x0  }
0x34: {  	s14 =	rddreg [dreg:$0x9];
	[sflag:s29] =	ssyncadd.s32 $0xFFFFF000  }
0x35: {  	[spmem:s14] =	stream.linear.scatter [tilespmem:s28], [sflag:$0x3], $0x1000, $0x38;
	[tilespmem:$0x14F00] =	vst v63  }
0x36: {  	_ =	swait.ge [sflag:s29], $0x1000  }
0x37: {  	[sflag:s29] =	ssyncset.done $0x0  }
0x38: {  	s13 =	rddreg [dreg:$0xa];
	[sflag:s29] =	ssyncadd.s32 $0xFFFFF000  }
0x39: {  	[spmem:s13] =	stream.linear.scatter [tilespmem:s28], [sflag:$0x3], $0x1000, $0x38;
	[tilespmem:$0x14F00] =	vst v63  }
0x3a: {  	_ =	swait.ge [sflag:s29], $0x1000  }
0x3b: {  	[sflag:s29] =	ssyncset.done $0x0  }
0x3c: {  	s14 =	rddreg [dreg:$0xb];
	[sflag:s29] =	ssyncadd.s32 $0xFFFFF000  }
0x3d: {  	[spmem:s14] =	stream.linear.scatter [tilespmem:s28], [sflag:$0x3], $0x1000, $0x38;
	[tilespmem:$0x14F00] =	vst v63  }
0x3e: {  	_ =	swait.ge [sflag:s29], $0x1000  }
0x3f: {  	[sflag:s29] =	ssyncset.done $0x0  }
0x40: {  	s13 =	rddreg [dreg:$0xc];
	[sflag:s29] =	ssyncadd.s32 $0xFFFFF000  }
0x41: {  	[spmem:s13] =	stream.linear.scatter [tilespmem:s28], [sflag:$0x3], $0x1000, $0x38;
	[tilespmem:$0x14F00] =	vst v63  }
0x42: {  	_ =	swait.ge [sflag:s29], $0x1000  }
0x43: {  	[sflag:s29] =	ssyncset.done $0x0  }
0x44: {  	[sflag:s29] =	ssyncadd.s32 $0xFFFFF000  }
0x45: {  	[spmem:s18] =	stream.linear.scatter [tilespmem:s28], [sflag:$0x3], $0x1000, $0x38;
	[tilespmem:$0x14F00] =	vst v63  }
0x46: {  	_ =	swait.ge [sflag:s29], $0x1000  }
0x47: {  	[sflag:s29] =	ssyncset.done $0x0  }
0x48: {  	[sflag:s29] =	ssyncadd.s32 $0xFFFFF000  }
0x49: {  	[spmem:s25] =	stream.linear.scatter [tilespmem:s28], [sflag:$0x3], $0x1000, $0x38;
	[tilespmem:$0x14F00] =	vst v63  }
0x4a: {  	_ =	swait.ge [sflag:s29], $0x1000  }
0x4b: {  	[sflag:s29] =	ssyncset.done $0x0  }
0x4c: {  	s12 =	simm.s32 @!p0 $0x8300;
	[sflag:s29] =	ssyncadd.s32 $0xFFFFF000  }
0x4d: {  	[spmem:s26] =	stream.linear.scatter @!p0 [tilespmem:s12], [sflag:$0x3], $0x1000, $0x38;
	[tilespmem:$0x14F00] =	vst v63  }
0x4e: {  	s12 =	simm.s32 @!p0 $0x3  }
0x4f: {  	_ =	swait.ge @!p0 [sflag:s12], $0x1000  }
0x50: {  	[sflag:s12] =	ssyncset.done @!p0 $0x0  }
0x51: {  	s14 =	rddreg [dreg:$0x5];
	[sflag:s12] =	ssyncadd.s32 @!p0 $0xFFFFF000  }
0x52: {  	[tilespmem:s30], [sflag:$0x3] =	stream.linear.gather [hbm4b:s14+s4], $0x1800, $0x38;
	[tilespmem:$0x14F00] =	vst v63  }
0x53: {  	_ =	swait.ge [sflag:s29], $0x1800  }
0x54: {  	[sflag:s29] =	ssyncset.done $0x0  }
0x55: {  	[sflag:s29] =	ssyncadd.s32 $0xFFFFE800  }
0x56: {  	[bflag:$0x0] =	sbarrier.arrive $0xFFFF  }
0x57: {  	[tilespmem:s4], [sflag:$0x3] =	stream.linear.gather [hbm4b:s19+s4], $0x100, $0x38;
	[tilespmem:$0x14F00] =	vst v63  }
0x58: {  	_ =	swait.ge [sflag:s29], $0x100  }
0x59: {  	[sflag:s29] =	ssyncset.done $0x0  }
0x5a: {  	s12 =	simm.s32 $0xFFFFEC40;
	[sflag:s29] =	ssyncadd.s32 $0xFFFFFF00  }
0x5b: {  	[tilespmem:s0], [sflag:$0x1] =	stream.indirect.gather [hbm4b:s2+s31], $0x80, s4, s31, $0xb8;
	[tilespmem:$0x14F00] =	vst v63  }
.LBB2_2:
0x5c: {  	s13 =	sadd.s32 s12, s19  }
0x5d: {  	s14 =	sadd.s32 $0x13E0, s13  }
0x5e: {  	[tilespmem:s1], [sflag:$0x3] =	stream.linear.gather [hbm4b:s14+s4], $0x100, $0x38;
	[tilespmem:$0x14F00] =	vst v63  }
0x5f: {  	_ =	swait.ge [sflag:s29], $0x100  }
0x60: {  	[sflag:s29] =	ssyncset.done $0x0  }
0x61: {  	[sflag:s29] =	ssyncadd.s32 $0xFFFFFF00  }
0x62: {  	[tilespmem:s5], [sflag:$0x2] =	stream.indirect.gather [hbm4b:s2+s31], $0x80, s1, s31, $0xb8;
	[tilespmem:$0x14F00] =	vst v63  }
0x63: {  	v10 =	vld [tilespmem:$0x80];
	_ =	sdelay $0x4  }
0x64: {  	v10 =	vsub.s32 v10, v0  }
0x65: {  	vm0 =	vlt.u32 v10, $0x1400  }
0x66: {  	v10 =	vsel vm0, v10, v1;
	_ =	sdelay $0x3  }
0x67: {  	[tilespmem:$0x100] =	vst v10  }
0x68: {  	[tilespmem:v10+s30+$0x0] =	vst.idx.add.f32.msk $0xffff, v2  }
0x69: {  	v10 =	vld [tilespmem:$0x90];
	_ =	sdelay $0x4  }
0x6a: {  	v10 =	vsub.s32 v10, v0  }
0x6b: {  	vm13 =	vlt.u32 v10, $0x1400  }
0x6c: {  	v10 =	vsel vm13, v10, v3;
	_ =	sdelay $0x3  }
0x6d: {  	[tilespmem:$0x110] =	vst v10  }
0x6e: {  	[tilespmem:v10+s30+$0x0] =	vst.idx.add.f32.msk $0xffff, v2  }
0x6f: {  	v10 =	vld [tilespmem:$0xA0];
	_ =	sdelay $0x4  }
0x70: {  	v10 =	vsub.s32 v10, v0  }
0x71: {  	vm14 =	vlt.u32 v10, $0x1400  }
0x72: {  	v10 =	vsel vm14, v10, v4;
	_ =	sdelay $0x3  }
0x73: {  	[tilespmem:$0x120] =	vst v10  }
0x74: {  	[tilespmem:v10+s30+$0x0] =	vst.idx.add.f32.msk $0xffff, v2  }
0x75: {  	v10 =	vld [tilespmem:$0xB0];
	_ =	sdelay $0x4  }
0x76: {  	v10 =	vsub.s32 v10, v0  }
0x77: {  	vm15 =	vlt.u32 v10, $0x1400  }
0x78: {  	v10 =	vsel vm15, v10, v5;
	_ =	sdelay $0x3  }
0x79: {  	[tilespmem:$0x130] =	vst v10  }
0x7a: {  	[tilespmem:v10+s30+$0x0] =	vst.idx.add.f32.msk $0xffff, v2  }
0x7b: {  	v10 =	vld [tilespmem:$0xC0];
	_ =	sdelay $0x4  }
0x7c: {  	v10 =	vsub.s32 v10, v0  }
0x7d: {  	vm4 =	vlt.u32 v10, $0x1400  }
0x7e: {  	v10 =	vsel vm4, v10, v6;
	_ =	sdelay $0x3  }
0x7f: {  	[tilespmem:$0x140] =	vst v10  }
0x80: {  	[tilespmem:v10+s30+$0x0] =	vst.idx.add.f32.msk $0xffff, v2  }
0x81: {  	v10 =	vld [tilespmem:$0xD0];
	_ =	sdelay $0x4  }
0x82: {  	v10 =	vsub.s32 v10, v0  }
0x83: {  	vm5 =	vlt.u32 v10, $0x1400  }
0x84: {  	v10 =	vsel vm5, v10, v7;
	_ =	sdelay $0x3  }
0x85: {  	[tilespmem:$0x150] =	vst v10  }
0x86: {  	[tilespmem:v10+s30+$0x0] =	vst.idx.add.f32.msk $0xffff, v2  }
0x87: {  	v10 =	vld [tilespmem:$0xE0];
	_ =	sdelay $0x4  }
0x88: {  	v10 =	vsub.s32 v10, v0  }
0x89: {  	vm6 =	vlt.u32 v10, $0x1400  }
0x8a: {  	v10 =	vsel vm6, v10, v8;
	_ =	sdelay $0x3  }
0x8b: {  	[tilespmem:$0x160] =	vst v10  }
0x8c: {  	[tilespmem:v10+s30+$0x0] =	vst.idx.add.f32.msk $0xffff, v2  }
0x8d: {  	v10 =	vld [tilespmem:$0xF0];
	_ =	sdelay $0x4  }
0x8e: {  	v10 =	vsub.s32 v10, v0  }
0x8f: {  	vm7 =	vlt.u32 v10, $0x1400  }
0x90: {  	v10 =	vsel vm7, v10, v9;
	_ =	sdelay $0x3  }
0x91: {  	[tilespmem:$0x170] =	vst v10  }
0x92: {  	[tilespmem:v10+s30+$0x0] =	vst.idx.add.f32.msk $0xffff, v2  }
0x93: {  	_ =	swait.ge [sflag:s6], $0x4000  }
0x94: {  	[sflag:s6] =	ssyncset.done $0x0  }
0x95: {  	[sflag:s6] =	ssyncadd.s32 $0xFFFFC000  }
0x96: {  	[spmem:s3] =	stream.indirect.scatter.add.f32 [tilespmem:s0], [sflag:$0x3], $0x80, s8, s31, $0xb8;
	[tilespmem:$0x14F00] =	vst v63  }
0x97: {  	_ =	swait.ge [sflag:s29], $0x4000  }
0x98: {  	[sflag:s29] =	ssyncset.done $0x0  }
0x99: {  	s13 =	sadd.s32 $0x1400, s13;
	[sflag:s29] =	ssyncadd.s32 $0xFFFFC000  }
0x9a: {  	[tilespmem:s4], [sflag:$0x3] =	stream.linear.gather [hbm4b:s13+s4], $0x100, $0x38;
	[tilespmem:$0x14F00] =	vst v63  }
0x9b: {  	_ =	swait.ge [sflag:s29], $0x100  }
0x9c: {  	[sflag:s29] =	ssyncset.done $0x0  }
0x9d: {  	[sflag:s29] =	ssyncadd.s32 $0xFFFFFF00  }
0x9e: {  	[tilespmem:s0], [sflag:$0x1] =	stream.indirect.gather [hbm4b:s2+s31], $0x80, s4, s31, $0xb8;
	[tilespmem:$0x14F00] =	vst v63  }
0x9f: {  	v10 =	vld [tilespmem:$0x4200];
	_ =	sdelay $0x4  }
0xa0: {  	v10 =	vsub.s32 v10, v0  }
0xa1: {  	vm8 =	vlt.u32 v10, $0x1400  }
0xa2: {  	v10 =	vsel vm8, v10, v1;
	_ =	sdelay $0x3  }
0xa3: {  	[tilespmem:$0x4280] =	vst v10  }
0xa4: {  	[tilespmem:v10+s30+$0x0] =	vst.idx.add.f32.msk $0xffff, v2  }
0xa5: {  	v10 =	vld [tilespmem:$0x4210];
	_ =	sdelay $0x4  }
0xa6: {  	v10 =	vsub.s32 v10, v0  }
0xa7: {  	vm9 =	vlt.u32 v10, $0x1400  }
0xa8: {  	v10 =	vsel vm9, v10, v3;
	_ =	sdelay $0x3  }
0xa9: {  	[tilespmem:$0x4290] =	vst v10  }
0xaa: {  	[tilespmem:v10+s30+$0x0] =	vst.idx.add.f32.msk $0xffff, v2  }
0xab: {  	v10 =	vld [tilespmem:$0x4220];
	_ =	sdelay $0x4  }
0xac: {  	v10 =	vsub.s32 v10, v0  }
0xad: {  	vm10 =	vlt.u32 v10, $0x1400  }
0xae: {  	v10 =	vsel vm10, v10, v4;
	_ =	sdelay $0x3  }
0xaf: {  	[tilespmem:$0x42A0] =	vst v10  }
0xb0: {  	[tilespmem:v10+s30+$0x0] =	vst.idx.add.f32.msk $0xffff, v2  }
0xb1: {  	v10 =	vld [tilespmem:$0x4230];
	_ =	sdelay $0x4  }
0xb2: {  	v10 =	vsub.s32 v10, v0  }
0xb3: {  	vm11 =	vlt.u32 v10, $0x1400  }
0xb4: {  	v10 =	vsel vm11, v10, v5;
	_ =	sdelay $0x3  }
0xb5: {  	[tilespmem:$0x42B0] =	vst v10  }
0xb6: {  	[tilespmem:v10+s30+$0x0] =	vst.idx.add.f32.msk $0xffff, v2  }
0xb7: {  	v10 =	vld [tilespmem:$0x4240];
	_ =	sdelay $0x4  }
0xb8: {  	v10 =	vsub.s32 v10, v0  }
0xb9: {  	vm12 =	vlt.u32 v10, $0x1400  }
0xba: {  	v10 =	vsel vm12, v10, v6;
	_ =	sdelay $0x3  }
0xbb: {  	[tilespmem:$0x42C0] =	vst v10  }
0xbc: {  	[tilespmem:v10+s30+$0x0] =	vst.idx.add.f32.msk $0xffff, v2  }
0xbd: {  	v10 =	vld [tilespmem:$0x4250];
	_ =	sdelay $0x4  }
0xbe: {  	v10 =	vsub.s32 v10, v0  }
0xbf: {  	vm13 =	vlt.u32 v10, $0x1400  }
0xc0: {  	v10 =	vsel vm13, v10, v7;
	_ =	sdelay $0x3  }
0xc1: {  	[tilespmem:$0x42D0] =	vst v10  }
0xc2: {  	[tilespmem:v10+s30+$0x0] =	vst.idx.add.f32.msk $0xffff, v2  }
0xc3: {  	v10 =	vld [tilespmem:$0x4260];
	_ =	sdelay $0x4  }
0xc4: {  	v10 =	vsub.s32 v10, v0  }
0xc5: {  	vm14 =	vlt.u32 v10, $0x1400  }
0xc6: {  	v10 =	vsel vm14, v10, v8;
	_ =	sdelay $0x3  }
0xc7: {  	[tilespmem:$0x42E0] =	vst v10  }
0xc8: {  	[tilespmem:v10+s30+$0x0] =	vst.idx.add.f32.msk $0xffff, v2  }
0xc9: {  	v10 =	vld [tilespmem:$0x4270];
	_ =	sdelay $0x4  }
0xca: {  	v10 =	vsub.s32 v10, v0  }
0xcb: {  	vm15 =	vlt.u32 v10, $0x1400  }
0xcc: {  	v10 =	vsel vm15, v10, v9;
	_ =	sdelay $0x3  }
0xcd: {  	[tilespmem:$0x42F0] =	vst v10  }
0xce: {  	[tilespmem:v10+s30+$0x0] =	vst.idx.add.f32.msk $0xffff, v2  }
0xcf: {  	_ =	swait.ge [sflag:s9], $0x4000  }
0xd0: {  	p2 =	sne.s32 s12, $0xFFFFFFC0;
	[sflag:s9] =	ssyncset.done $0x0  }
.Ltmp0:
0xd1: {  	[sflag:s9] =	ssyncadd.s32 $0xFFFFC000;
	(pc) =	sbr.rel @p2 .LBB2_2-.Ltmp0, $4  }
0xd2: {  	[spmem:s3] =	stream.indirect.scatter.add.f32 [tilespmem:s5], [sflag:$0x3], $0x80, s10, s31, $0xb8;
	[tilespmem:$0x14F00] =	vst v63  }
0xd3: {  	_ =	swait.ge [sflag:s29], $0x4000  }
0xd4: {  	[sflag:s29] =	ssyncset.done $0x0  }
0xd5: {  	s12 =	sadd.s32 $0x40, s12;
	[sflag:s29] =	ssyncadd.s32 $0xFFFFC000  }
0xd6: {  	_ =	swait.ge [sflag:s6], $0x4000  }
0xd7: {  	[sflag:s6] =	ssyncset.done $0x0  }
0xd8: {  	s12 =	simm.s32 $0x400;
	[sflag:s6] =	ssyncadd.s32 $0xFFFFC000  }
0xd9: {  	[hbm4b:s20+s31] =	stream.strided.scatter [tilespmem:s30], [sflag:$0x3], $0x1800, s12, s31, $0x38;
	[tilespmem:$0x14F00] =	vst v63  }
0xda: {  	_ =	swait.ge [sflag:s29], $0x1800  }
0xdb: {  	s14 =	stileid.u32;
	[sflag:s29] =	ssyncset.done $0x0  }
0xdc: {  	s12 =	sshll.u32 s14, $0x6;
	[sflag:s29] =	ssyncadd.s32 $0xFFFFE800  }
0xdd: {  	s12 =	sor.u32 $0x1C03, s12;
	[bflag:$0x0] =	sbarrier.arrive $0xFFFF  }
0xde: {  	[hbm:s15], [sflag:s12] =	dma.local [spmem:s22], $0x800  }
0xdf: {  	_ =	swait.ge [sflag:s29], $0x800  }
0xe0: {  	[sflag:s29] =	ssyncset.done $0x0  }
0xe1: {  	[sflag:s29] =	ssyncadd.s32 $0xFFFFF800  }
0xe2: {  	[hbm:s16], [sflag:s12] =	dma.local [spmem:s23], $0x800  }
0xe3: {  	_ =	swait.ge [sflag:s29], $0x800  }
0xe4: {  	s11 =	sadd.s32 $0x1, s11;
	[sflag:s29] =	ssyncset.done $0x0  }
0xe5: {  	p2 =	sne.s32 s11, s21;
	[sflag:s29] =	ssyncadd.s32 $0xFFFFF800  }
0xe6: {  	[hbm:s17], [sflag:s12] =	dma.local @!p1 [spmem:s24], $0x800  }
.Ltmp1:
0xe7: {  	_ = 	snop;
	(pc) =	sbr.rel @p2 .LBB2_1-.Ltmp1, $4  }
0xe8: {  	s12 =	simm.s32 @!p1 $0x3  }
0xe9: {  	_ =	swait.ge @!p1 [sflag:s12], $0x800  }
0xea: {  	[sflag:s12] =	ssyncset.done @!p1 $0x0  }
0xeb: {  	[sflag:s12] =	ssyncadd.s32 @!p1 $0xFFFFF800  }
0xec: {  	_ =	sfence.sel $0x180000  }
0xed: {  	[bflag:$0x0] =	sbarrier.arrive $0xFFFF  }
0xee: {  	_ =	strace $0x90000047  }
0xef: {  	s0 =	stileid.u32;
	[bflag:$0x2] =	sbarrier.arrive $0xFFFF  }
0xf0: {  	p0 =	sne.s32 s0, $0x0;
	s0 =	rddreg [dreg:$0x3]  }
0xf1: {  	s0 =	sadd.s32 @!p0 $0x100000, s0  }
0xf2: {  	[sflag:s0] =	ssyncadd.tile.s32 @!p0 $0x1;
	_ =	shalt  }
.Lfunc_end2:
_tile_overlayer_lowered:
.L_overlay_start_2:
0xf3: {  	(tag) =	ssettag $0x2  }
0xf4: {  	s0 =	rddreg [dreg:$0x0];
	s2 =	stileid.u32  }
0xf5: {  	s1 =	rddreg [dreg:$0x1];
	p0 =	sne.s32 s2, $0x0  }
0xf6: {  	s3 =	rddreg [dreg:$0x2];
	[bflag:$0x3] =	sbarrier.arrive $0xFFFF;
	s2 =	simm.s32 @!p0 $0x1C03  }
0xf7: {  	[timem:s3], [sflag:s2] =	dma.local @!p0 [hbm:s0], s1  }
0xf8: {  	s0 =	simm.s32 @!p0 $0x3  }
0xf9: {  	_ =	swait.ge @!p0 [sflag:s0], s1  }
0xfa: {  	s1 =	ssub.s32 @!p0 $0x0, s1;
	[sflag:s0] =	ssyncset.done @!p0 $0x0  }
0xfb: {  	[sflag:s0] =	ssyncadd.s32 @!p0 s1  }
0xfc: {  	[bflag:$0x3] =	sbarrier.arrive $0xFFFF  }
0xfd: {  	_ =	shalt  }

</sc_bundles>
